<compile_context>
chip_gen: v7x
topology: tpu7x:2x2x1
jax: 0.10.2.dev20260603
libtpu: 0.0.44.dev20260713+nightly
codegen_flags: <defaults>
</compile_context>

<pallas_src>
import functools

import jax
import jax.numpy as jnp
import numpy as np
from jax import lax
from jax.experimental import pallas as pl
from jax.experimental.pallas import tpu as pltpu
from jax.experimental.pallas import tpu_sc as plsc

_NUM_CORES = 2
_NUM_SUBCORES = 16
_NW = _NUM_CORES * _NUM_SUBCORES
_CHUNK = 128
_NBUF = 3
_LANES = 16


def _make_kernel(B, V, D):
    nfull = B // _CHUNK
    tail = B - nfull * _CHUNK
    kmax = -(-nfull // _NW)
    n_stage8 = V // 8
    v_rem = V - n_stage8 * 8
    scale = float(np.float32(1.0) / np.sqrt(np.float32(V)))

    mesh = plsc.VectorSubcoreMesh(core_axis_name="c", subcore_axis_name="s")

    @functools.partial(
        pl.kernel,
        mesh=mesh,
        out_type=jax.ShapeDtypeStruct((B, D), jnp.float32),
        scratch_types=[
            pltpu.VMEM((_NBUF, _CHUNK), jnp.int32),
            pltpu.VMEM((_NBUF, _CHUNK, D), jnp.float32),
            pltpu.VMEM((8, D), jnp.float32),
            pltpu.VMEM((max(tail, 8),), jnp.int32),
            pltpu.VMEM_SHARED((V, D), jnp.float32),
            pltpu.SemaphoreType.DMA,
            pltpu.SemaphoreType.DMA,
            pltpu.SemaphoreType.DMA,
            pltpu.SemaphoreType.DMA,
            pltpu.SemaphoreType.DMA,
            pltpu.SemaphoreType.DMA,
            pltpu.SemaphoreType.DMA,
            pltpu.SemaphoreType.DMA,
            pltpu.SemaphoreType.DMA,
        ],
    )
    def k(emb_hbm, idx_hbm, out_hbm, idx_v, rows_v, tab_v, tidx_v, w_sp,
          gsem0, gsem1, gsem2, isem0, isem1, isem2, ssem0, ssem1, ssem2):
        gsem = (gsem0, gsem1, gsem2)
        isem = (isem0, isem1, isem2)
        ssem = (ssem0, ssem1, ssem2)
        s = lax.axis_index("s")
        wid = s * _NUM_CORES + lax.axis_index("c")

        def cid(k_):
            return wid + k_ * _NW

        def idx_desc(k_, b):
            return pltpu.make_async_copy(
                idx_hbm.at[pl.ds(cid(k_) * _CHUNK, _CHUNK)],
                idx_v.at[b], isem[b])

        def when_valid(k_, fn):
            @pl.when(cid(k_) < nfull)
            def _():
                fn()

        when_valid(0, lambda: idx_desc(0, 0).start())
        when_valid(1, lambda: idx_desc(1, 1).start())

        def stage(r0, nr):
            pltpu.sync_copy(emb_hbm.at[pl.ds(r0, nr)], tab_v.at[pl.ds(0, nr)])
            for dr in range(nr):
                for j in range(D // _LANES):
                    col = pl.ds(j * _LANES, _LANES)
                    tab_v[dr, col] = tab_v[dr, col] * scale
            pltpu.sync_copy(tab_v.at[pl.ds(0, nr)], w_sp.at[pl.ds(r0, nr)])

        @pl.when(s < n_stage8)
        def _():
            stage(s * 8, 8)

        if v_rem:
            @pl.when(s == n_stage8)
            def _():
                stage(n_stage8 * 8, v_rem)

        plsc.subcore_barrier()

        def gather_desc(k_, b):
            return pltpu.make_async_copy(
                w_sp.at[idx_v.at[b]], rows_v.at[b], gsem[b])

        def store_desc(k_, b):
            return pltpu.make_async_copy(
                rows_v.at[b], out_hbm.at[pl.ds(cid(k_) * _CHUNK, _CHUNK)],
                ssem[b])

        def step(k_, ph, drain=True):
            b1 = (ph + 1) % _NBUF
            b2 = (ph + 2) % _NBUF
            if drain:
                when_valid(k_ + 1, lambda: store_desc(k_ - 2, b1).wait())
            when_valid(k_ + 1, lambda: idx_desc(k_ + 1, b1).wait())
            when_valid(k_ + 1, lambda: gather_desc(k_ + 1, b1).start())
            when_valid(k_, lambda: gather_desc(k_, ph).wait())
            when_valid(k_, lambda: store_desc(k_, ph).start())
            when_valid(k_ + 2, lambda: idx_desc(k_ + 2, b2).start())

        when_valid(0, lambda: idx_desc(0, 0).wait())
        when_valid(0, lambda: gather_desc(0, 0).start())
        step(0, 0, drain=False)
        step(1, 1, drain=False)

        ntrip = (kmax - 2) // _NBUF

        @pl.loop(0, ntrip)
        def _(t):
            base_k = 2 + t * _NBUF
            for i in range(_NBUF):
                step(base_k + i, (2 + i) % _NBUF)

        for k_ in range(2 + ntrip * _NBUF, kmax):
            step(k_, k_ % _NBUF)

        for k_ in range(max(0, kmax - 4), kmax):
            @pl.when((cid(k_) < nfull) & (cid(k_ + 3) >= nfull))
            def _():
                store_desc(k_, k_ % _NBUF).wait()

        if tail:
            @pl.when(wid == (nfull % _NW))
            def _():
                base = nfull * _CHUNK
                pltpu.sync_copy(idx_hbm.at[pl.ds(base, tail)], tidx_v)
                pltpu.make_async_copy(
                    w_sp.at[tidx_v], rows_v.at[0, pl.ds(0, tail)],
                    gsem[0]).start()
                pltpu.make_async_copy(
                    w_sp.at[tidx_v], rows_v.at[0, pl.ds(0, tail)],
                    gsem[0]).wait()
                pltpu.sync_copy(rows_v.at[0, pl.ds(0, tail)],
                                out_hbm.at[pl.ds(base, tail)])

    return k


def kernel(node_species, embeddings):
    V, D = embeddings.shape
    B = node_species.shape[0]
    idx = node_species.astype(jnp.int32)
    return _make_kernel(B, V, D)(embeddings, idx)

# --- scband reference (transcript-rebuilt; emitter-appended) ---
"""Pipeline reference for scband-linear-node-embedding-layer-30176440222428 (READ-ONLY COPY).

The authoritative reference and input builder live on the scoring server;
editing this copy changes nothing except your own understanding.
"""

import jax, jax.numpy as jnp
import numpy as np

NUM_SPECIES = 89
EMBED_DIM = 128  # irreps '128x0e'.filter('0e').regroup().dim == 128
N_NODES = 100000


def setup_inputs(seed: int = 0) -> dict:
    key = jax.random.key(seed)
    k_idx, k_emb = jax.random.split(key)
    node_species = jax.random.randint(k_idx, (N_NODES,), 0, NUM_SPECIES, dtype=jnp.int64 if jax.config.jax_enable_x64 else jnp.int32)
    # embeddings_init = initializers.normal(stddev=1.0)
    embeddings = jax.random.normal(k_emb, (NUM_SPECIES, EMBED_DIM), dtype=jnp.float32)
    return {"node_species": node_species, "embeddings": embeddings}


def reference(node_species, embeddings):
    # w = 1/sqrt(num_species) * embeddings; out = w[node_species]
    # e3nn.IrrepsArray with only scalar (0e) irreps is just the raw array.
    w = (1.0 / jnp.sqrt(jnp.asarray(NUM_SPECIES, dtype=embeddings.dtype))) * embeddings
    return jnp.take(w, node_species, axis=0)

if __name__ == "__main__":
    import jax
    _d = setup_inputs()
    print(jax.jit(kernel)(*tuple(_d.values())))

</pallas_src>

<mosaic_0001>
#map = affine_map<(d0, d1) -> (0, 0)>
#map1 = affine_map<(d0, d1) -> (0)>
module attributes {stable_mosaic.version = 14 : i64} {
  func.func @k(%arg0: i32, %arg1: i32, %arg2: memref<89x128xf32, #tpu.memory_space<hbm>>, %arg3: memref<100000xi32, #tpu.memory_space<hbm>>, %arg4: memref<100000x128xf32, #tpu.memory_space<hbm>>, %arg5: memref<3x128xi32, #tpu.memory_space<vmem>>, %arg6: memref<3x128x128xf32, #tpu.memory_space<vmem>>, %arg7: memref<8x128xf32, #tpu.memory_space<vmem>>, %arg8: memref<32xi32, #tpu.memory_space<vmem>>, %arg9: memref<89x128xf32, #tpu.memory_space<vmem_shared>>, %arg10: memref<!tpu.dma_semaphore, #tpu.memory_space<semaphore_mem>>, %arg11: memref<!tpu.dma_semaphore, #tpu.memory_space<semaphore_mem>>, %arg12: memref<!tpu.dma_semaphore, #tpu.memory_space<semaphore_mem>>, %arg13: memref<!tpu.dma_semaphore, #tpu.memory_space<semaphore_mem>>, %arg14: memref<!tpu.dma_semaphore, #tpu.memory_space<semaphore_mem>>, %arg15: memref<!tpu.dma_semaphore, #tpu.memory_space<semaphore_mem>>, %arg16: memref<!tpu.dma_semaphore, #tpu.memory_space<semaphore_mem>>, %arg17: memref<!tpu.dma_semaphore, #tpu.memory_space<semaphore_mem>>, %arg18: memref<!tpu.dma_semaphore, #tpu.memory_space<semaphore_mem>>) attributes {dimension_semantics = [#tpu.dimension_semantics<core_parallel>, #tpu.dimension_semantics<subcore_parallel>], iteration_bounds = array<i64: 2, 16>, scalar_prefetch = 0 : i64, scratch_operands = 14 : i64, tpu.core_type = #tpu.core_type<sc_vector_subcore>, window_params = [{transform_indices = #map}, {transform_indices = #map1}, {transform_indices = #map}]} {
    %mul3A = arith.constant 2 : i32
    %mul3A_0 = arith.muli %arg1, %mul3A : i32
    %add3A = arith.addi %mul3A_0, %arg0 : i32
    %add3A_1 = arith.constant 0 : i32
    %add3A_2 = arith.addi %add3A, %add3A_1 : i32
    %lt3A = arith.constant 781 : i32
    %lt3A_3 = arith.cmpi slt, %add3A_2, %lt3A : i32
    %convert_element_type3A = arith.extui %lt3A_3 : i1 to i32
    %cond3A = arith.constant 0 : i32
    %cond3A_4 = arith.cmpi ne, %convert_element_type3A, %cond3A : i32
    scf.if %cond3A_4 {
      %add3A_244 = arith.constant 0 : i32
      %add3A_245 = arith.addi %add3A, %add3A_244 : i32
      %mul3A_246 = arith.constant 128 : i32
      %mul3A_247 = arith.muli %add3A_245, %mul3A_246 : i32
      %dma_start3A = arith.constant 0 : i32
      %dma_start3A_248 = arith.constant 0 : i32
      %dma_start3A_249 = tpu.memref_slice %arg5[%dma_start3A, %dma_start3A_248] : memref<3x128xi32, #tpu.memory_space<vmem>> -> memref<1x128xi32, #tpu.memory_space<vmem>>
      %dma_start3A_250 = tpu.memref_squeeze %dma_start3A_249 : memref<1x128xi32, #tpu.memory_space<vmem>> -> memref<128xi32, #tpu.memory_space<vmem>>
      %dma_start3A_251 = tpu.memref_slice %arg3[%mul3A_247] : memref<100000xi32, #tpu.memory_space<hbm>> -> memref<128xi32, #tpu.memory_space<hbm>>
      %dma_start3A_252 = arith.constant 0 : i32
      %dma_start3A_253 = tpu.memref_slice %arg5[%dma_start3A, %dma_start3A_252] : memref<3x128xi32, #tpu.memory_space<vmem>> -> memref<1x128xi32, #tpu.memory_space<vmem>>
      %dma_start3A_254 = tpu.memref_squeeze %dma_start3A_253 : memref<1x128xi32, #tpu.memory_space<vmem>> -> memref<128xi32, #tpu.memory_space<vmem>>
      %dma_start3A_255 = tpu.memref_slice %arg3[%mul3A_247] : memref<100000xi32, #tpu.memory_space<hbm>> -> memref<128xi32, #tpu.memory_space<hbm>>
      tpu.enqueue_dma source(%dma_start3A_255 : memref<128xi32, #tpu.memory_space<hbm>>) target(%dma_start3A_254 : memref<128xi32, #tpu.memory_space<vmem>>) target_semaphore(%arg13 : memref<!tpu.dma_semaphore, #tpu.memory_space<semaphore_mem>>)
    } else {
    }
    %add3A_5 = arith.constant 32 : i32
    %add3A_6 = arith.addi %add3A, %add3A_5 : i32
    %lt3A_7 = arith.constant 781 : i32
    %lt3A_8 = arith.cmpi slt, %add3A_6, %lt3A_7 : i32
    %convert_element_type3A_9 = arith.extui %lt3A_8 : i1 to i32
    %cond3A_10 = arith.constant 0 : i32
    %cond3A_11 = arith.cmpi ne, %convert_element_type3A_9, %cond3A_10 : i32
    scf.if %cond3A_11 {
      %add3A_244 = arith.constant 32 : i32
      %add3A_245 = arith.addi %add3A, %add3A_244 : i32
      %mul3A_246 = arith.constant 128 : i32
      %mul3A_247 = arith.muli %add3A_245, %mul3A_246 : i32
      %dma_start3A = arith.constant 1 : i32
      %dma_start3A_248 = arith.constant 0 : i32
      %dma_start3A_249 = tpu.memref_slice %arg5[%dma_start3A, %dma_start3A_248] : memref<3x128xi32, #tpu.memory_space<vmem>> -> memref<1x128xi32, #tpu.memory_space<vmem>>
      %dma_start3A_250 = tpu.memref_squeeze %dma_start3A_249 : memref<1x128xi32, #tpu.memory_space<vmem>> -> memref<128xi32, #tpu.memory_space<vmem>>
      %dma_start3A_251 = tpu.memref_slice %arg3[%mul3A_247] : memref<100000xi32, #tpu.memory_space<hbm>> -> memref<128xi32, #tpu.memory_space<hbm>>
      %dma_start3A_252 = arith.constant 0 : i32
      %dma_start3A_253 = tpu.memref_slice %arg5[%dma_start3A, %dma_start3A_252] : memref<3x128xi32, #tpu.memory_space<vmem>> -> memref<1x128xi32, #tpu.memory_space<vmem>>
      %dma_start3A_254 = tpu.memref_squeeze %dma_start3A_253 : memref<1x128xi32, #tpu.memory_space<vmem>> -> memref<128xi32, #tpu.memory_space<vmem>>
      %dma_start3A_255 = tpu.memref_slice %arg3[%mul3A_247] : memref<100000xi32, #tpu.memory_space<hbm>> -> memref<128xi32, #tpu.memory_space<hbm>>
      tpu.enqueue_dma source(%dma_start3A_255 : memref<128xi32, #tpu.memory_space<hbm>>) target(%dma_start3A_254 : memref<128xi32, #tpu.memory_space<vmem>>) target_semaphore(%arg14 : memref<!tpu.dma_semaphore, #tpu.memory_space<semaphore_mem>>)
    } else {
    }
    %lt3A_12 = arith.constant 11 : i32
    %lt3A_13 = arith.cmpi slt, %arg1, %lt3A_12 : i32
    %convert_element_type3A_14 = arith.extui %lt3A_13 : i1 to i32
    %cond3A_15 = arith.constant 0 : i32
    %cond3A_16 = arith.cmpi ne, %convert_element_type3A_14, %cond3A_15 : i32
    scf.if %cond3A_16 {
      %mul3A_244 = arith.constant 8 : i32
      %mul3A_245 = arith.muli %arg1, %mul3A_244 : i32
      "tpu.region"() ({
        %run_scoped3A = tpu.sem_alloc : memref<!tpu.dma_semaphore, #tpu.memory_space<semaphore_mem>>
        %dma_start3A = arith.constant 0 : i32
        %dma_start3A_1140 = arith.constant 0 : i32
        %dma_start3A_1141 = tpu.memref_slice %arg7[%dma_start3A, %dma_start3A_1140] : memref<8x128xf32, #tpu.memory_space<vmem>> -> memref<8x128xf32, #tpu.memory_space<vmem>>
        %dma_start3A_1142 = arith.constant 0 : i32
        %dma_start3A_1143 = tpu.memref_slice %arg2[%mul3A_245, %dma_start3A_1142] : memref<89x128xf32, #tpu.memory_space<hbm>> -> memref<8x128xf32, #tpu.memory_space<hbm>>
        %dma_start3A_1144 = arith.constant 0 : i32
        %dma_start3A_1145 = arith.constant 0 : i32
        %dma_start3A_1146 = tpu.memref_slice %arg7[%dma_start3A_1144, %dma_start3A_1145] : memref<8x128xf32, #tpu.memory_space<vmem>> -> memref<8x128xf32, #tpu.memory_space<vmem>>
        %dma_start3A_1147 = arith.constant 0 : i32
        %dma_start3A_1148 = tpu.memref_slice %arg2[%mul3A_245, %dma_start3A_1147] : memref<89x128xf32, #tpu.memory_space<hbm>> -> memref<8x128xf32, #tpu.memory_space<hbm>>
        tpu.enqueue_dma source(%dma_start3A_1148 : memref<8x128xf32, #tpu.memory_space<hbm>>) target(%dma_start3A_1146 : memref<8x128xf32, #tpu.memory_space<vmem>>) target_semaphore(%run_scoped3A : memref<!tpu.dma_semaphore, #tpu.memory_space<semaphore_mem>>)
        %dma_wait3A = arith.constant 0 : i32
        %dma_wait3A_1149 = arith.constant 0 : i32
        %dma_wait3A_1150 = tpu.memref_slice %arg7[%dma_wait3A, %dma_wait3A_1149] : memref<8x128xf32, #tpu.memory_space<vmem>> -> memref<8x128xf32, #tpu.memory_space<vmem>>
        %dma_wait3A_1151 = arith.constant 0 : i32
        %dma_wait3A_1152 = tpu.memref_slice %arg2[%mul3A_245, %dma_wait3A_1151] : memref<89x128xf32, #tpu.memory_space<hbm>> -> memref<8x128xf32, #tpu.memory_space<hbm>>
        %dma_wait3A_1153 = arith.constant 0 : i32
        %dma_wait3A_1154 = arith.constant 0 : i32
        %dma_wait3A_1155 = tpu.memref_slice %arg7[%dma_wait3A_1153, %dma_wait3A_1154] : memref<8x128xf32, #tpu.memory_space<vmem>> -> memref<8x128xf32, #tpu.memory_space<vmem>>
        %dma_wait3A_1156 = arith.constant 0 : i32
        %dma_wait3A_1157 = tpu.memref_slice %arg2[%mul3A_245, %dma_wait3A_1156] : memref<89x128xf32, #tpu.memory_space<hbm>> -> memref<8x128xf32, #tpu.memory_space<hbm>>
        tpu.wait_dma2 semaphore(%run_scoped3A : memref<!tpu.dma_semaphore, #tpu.memory_space<semaphore_mem>>) src(%dma_wait3A_1157 : memref<8x128xf32, #tpu.memory_space<hbm>>) dst(%dma_wait3A_1155 : memref<8x128xf32, #tpu.memory_space<vmem>>)
        tpu.yield
      }) : () -> ()
      %get3A = arith.constant 0 : i32
      %get3A_246 = arith.index_cast %get3A : i32 to index
      %get3A_247 = arith.constant 0 : index
      %get3A_248 = tpu.vector_load %arg7[%get3A_246, %get3A_247] {strides = array<i32>} : memref<8x128xf32, #tpu.memory_space<vmem>>, vector<1x16xf32>,
      %get3A_249 = vector.shape_cast %get3A_248 : vector<1x16xf32> to vector<16xf32>
      %mul3A_250 = arith.constant 0.10599979 : f32
      %mul3A_251 = vector.broadcast %mul3A_250 : f32 to vector<16xf32>
      %mul3A_252 = arith.mulf %get3A_249, %mul3A_251 : vector<16xf32>
      %swap3A = arith.constant 0 : i32
      %swap3A_253 = arith.index_cast %swap3A : i32 to index
      %swap3A_254 = arith.constant 0 : index
      %swap3A_255 = tpu.vector_load %arg7[%swap3A_253, %swap3A_254] {strides = array<i32>} : memref<8x128xf32, #tpu.memory_space<vmem>>, vector<1x16xf32>,
      %swap3A_256 = vector.shape_cast %swap3A_255 : vector<1x16xf32> to vector<16xf32>
      %swap3A_257 = vector.shape_cast %mul3A_252 : vector<16xf32> to vector<1x16xf32>
      tpu.vector_store %arg7[%swap3A_253, %swap3A_254], %swap3A_257 {strides = array<i32>} : memref<8x128xf32, #tpu.memory_space<vmem>>, vector<1x16xf32>,
      %get3A_258 = arith.constant 0 : i32
      %get3A_259 = arith.index_cast %get3A_258 : i32 to index
      %get3A_260 = arith.constant 16 : index
      %get3A_261 = tpu.vector_load %arg7[%get3A_259, %get3A_260] {strides = array<i32>} : memref<8x128xf32, #tpu.memory_space<vmem>>, vector<1x16xf32>,
      %get3A_262 = vector.shape_cast %get3A_261 : vector<1x16xf32> to vector<16xf32>
      %mul3A_263 = arith.constant 0.10599979 : f32
      %mul3A_264 = vector.broadcast %mul3A_263 : f32 to vector<16xf32>
      %mul3A_265 = arith.mulf %get3A_262, %mul3A_264 : vector<16xf32>
      %swap3A_266 = arith.constant 0 : i32
      %swap3A_267 = arith.index_cast %swap3A_266 : i32 to index
      %swap3A_268 = arith.constant 16 : index
      %swap3A_269 = tpu.vector_load %arg7[%swap3A_267, %swap3A_268] {strides = array<i32>} : memref<8x128xf32, #tpu.memory_space<vmem>>, vector<1x16xf32>,
      %swap3A_270 = vector.shape_cast %swap3A_269 : vector<1x16xf32> to vector<16xf32>
      %swap3A_271 = vector.shape_cast %mul3A_265 : vector<16xf32> to vector<1x16xf32>
      tpu.vector_store %arg7[%swap3A_267, %swap3A_268], %swap3A_271 {strides = array<i32>} : memref<8x128xf32, #tpu.memory_space<vmem>>, vector<1x16xf32>,
      %get3A_272 = arith.constant 0 : i32
      %get3A_273 = arith.index_cast %get3A_272 : i32 to index
      %get3A_274 = arith.constant 32 : index
      %get3A_275 = tpu.vector_load %arg7[%get3A_273, %get3A_274] {strides = array<i32>} : memref<8x128xf32, #tpu.memory_space<vmem>>, vector<1x16xf32>,
      %get3A_276 = vector.shape_cast %get3A_275 : vector<1x16xf32> to vector<16xf32>
      %mul3A_277 = arith.constant 0.10599979 : f32
      %mul3A_278 = vector.broadcast %mul3A_277 : f32 to vector<16xf32>
      %mul3A_279 = arith.mulf %get3A_276, %mul3A_278 : vector<16xf32>
      %swap3A_280 = arith.constant 0 : i32
      %swap3A_281 = arith.index_cast %swap3A_280 : i32 to index
      %swap3A_282 = arith.constant 32 : index
      %swap3A_283 = tpu.vector_load %arg7[%swap3A_281, %swap3A_282] {strides = array<i32>} : memref<8x128xf32, #tpu.memory_space<vmem>>, vector<1x16xf32>,
      %swap3A_284 = vector.shape_cast %swap3A_283 : vector<1x16xf32> to vector<16xf32>
      %swap3A_285 = vector.shape_cast %mul3A_279 : vector<16xf32> to vector<1x16xf32>
      tpu.vector_store %arg7[%swap3A_281, %swap3A_282], %swap3A_285 {strides = array<i32>} : memref<8x128xf32, #tpu.memory_space<vmem>>, vector<1x16xf32>,
      %get3A_286 = arith.constant 0 : i32
      %get3A_287 = arith.index_cast %get3A_286 : i32 to index
      %get3A_288 = arith.constant 48 : index
      %get3A_289 = tpu.vector_load %arg7[%get3A_287, %get3A_288] {strides = array<i32>} : memref<8x128xf32, #tpu.memory_space<vmem>>, vector<1x16xf32>,
      %get3A_290 = vector.shape_cast %get3A_289 : vector<1x16xf32> to vector<16xf32>
      %mul3A_291 = arith.constant 0.10599979 : f32
      %mul3A_292 = vector.broadcast %mul3A_291 : f32 to vector<16xf32>
      %mul3A_293 = arith.mulf %get3A_290, %mul3A_292 : vector<16xf32>
      %swap3A_294 = arith.constant 0 : i32
      %swap3A_295 = arith.index_cast %swap3A_294 : i32 to index
      %swap3A_296 = arith.constant 48 : index
      %swap3A_297 = tpu.vector_load %arg7[%swap3A_295, %swap3A_296] {strides = array<i32>} : memref<8x128xf32, #tpu.memory_space<vmem>>, vector<1x16xf32>,
      %swap3A_298 = vector.shape_cast %swap3A_297 : vector<1x16xf32> to vector<16xf32>
      %swap3A_299 = vector.shape_cast %mul3A_293 : vector<16xf32> to vector<1x16xf32>
      tpu.vector_store %arg7[%swap3A_295, %swap3A_296], %swap3A_299 {strides = array<i32>} : memref<8x128xf32, #tpu.memory_space<vmem>>, vector<1x16xf32>,
      %get3A_300 = arith.constant 0 : i32
      %get3A_301 = arith.index_cast %get3A_300 : i32 to index
      %get3A_302 = arith.constant 64 : index
      %get3A_303 = tpu.vector_load %arg7[%get3A_301, %get3A_302] {strides = array<i32>} : memref<8x128xf32, #tpu.memory_space<vmem>>, vector<1x16xf32>,
      %get3A_304 = vector.shape_cast %get3A_303 : vector<1x16xf32> to vector<16xf32>
      %mul3A_305 = arith.constant 0.10599979 : f32
      %mul3A_306 = vector.broadcast %mul3A_305 : f32 to vector<16xf32>
      %mul3A_307 = arith.mulf %get3A_304, %mul3A_306 : vector<16xf32>
      %swap3A_308 = arith.constant 0 : i32
      %swap3A_309 = arith.index_cast %swap3A_308 : i32 to index
      %swap3A_310 = arith.constant 64 : index
      %swap3A_311 = tpu.vector_load %arg7[%swap3A_309, %swap3A_310] {strides = array<i32>} : memref<8x128xf32, #tpu.memory_space<vmem>>, vector<1x16xf32>,
      %swap3A_312 = vector.shape_cast %swap3A_311 : vector<1x16xf32> to vector<16xf32>
      %swap3A_313 = vector.shape_cast %mul3A_307 : vector<16xf32> to vector<1x16xf32>
      tpu.vector_store %arg7[%swap3A_309, %swap3A_310], %swap3A_313 {strides = array<i32>} : memref<8x128xf32, #tpu.memory_space<vmem>>, vector<1x16xf32>,
      %get3A_314 = arith.constant 0 : i32
      %get3A_315 = arith.index_cast %get3A_314 : i32 to index
      %get3A_316 = arith.constant 80 : index
      %get3A_317 = tpu.vector_load %arg7[%get3A_315, %get3A_316] {strides = array<i32>} : memref<8x128xf32, #tpu.memory_space<vmem>>, vector<1x16xf32>,
      %get3A_318 = vector.shape_cast %get3A_317 : vector<1x16xf32> to vector<16xf32>
      %mul3A_319 = arith.constant 0.10599979 : f32
      %mul3A_320 = vector.broadcast %mul3A_319 : f32 to vector<16xf32>
      %mul3A_321 = arith.mulf %get3A_318, %mul3A_320 : vector<16xf32>
      %swap3A_322 = arith.constant 0 : i32
      %swap3A_323 = arith.index_cast %swap3A_322 : i32 to index
      %swap3A_324 = arith.constant 80 : index
      %swap3A_325 = tpu.vector_load %arg7[%swap3A_323, %swap3A_324] {strides = array<i32>} : memref<8x128xf32, #tpu.memory_space<vmem>>, vector<1x16xf32>,
      %swap3A_326 = vector.shape_cast %swap3A_325 : vector<1x16xf32> to vector<16xf32>
      %swap3A_327 = vector.shape_cast %mul3A_321 : vector<16xf32> to vector<1x16xf32>
      tpu.vector_store %arg7[%swap3A_323, %swap3A_324], %swap3A_327 {strides = array<i32>} : memref<8x128xf32, #tpu.memory_space<vmem>>, vector<1x16xf32>,
      %get3A_328 = arith.constant 0 : i32
      %get3A_329 = arith.index_cast %get3A_328 : i32 to index
      %get3A_330 = arith.constant 96 : index
      %get3A_331 = tpu.vector_load %arg7[%get3A_329, %get3A_330] {strides = array<i32>} : memref<8x128xf32, #tpu.memory_space<vmem>>, vector<1x16xf32>,
      %get3A_332 = vector.shape_cast %get3A_331 : vector<1x16xf32> to vector<16xf32>
      %mul3A_333 = arith.constant 0.10599979 : f32
      %mul3A_334 = vector.broadcast %mul3A_333 : f32 to vector<16xf32>
      %mul3A_335 = arith.mulf %get3A_332, %mul3A_334 : vector<16xf32>
      %swap3A_336 = arith.constant 0 : i32
      %swap3A_337 = arith.index_cast %swap3A_336 : i32 to index
      %swap3A_338 = arith.constant 96 : index
      %swap3A_339 = tpu.vector_load %arg7[%swap3A_337, %swap3A_338] {strides = array<i32>} : memref<8x128xf32, #tpu.memory_space<vmem>>, vector<1x16xf32>,
      %swap3A_340 = vector.shape_cast %swap3A_339 : vector<1x16xf32> to vector<16xf32>
      %swap3A_341 = vector.shape_cast %mul3A_335 : vector<16xf32> to vector<1x16xf32>
      tpu.vector_store %arg7[%swap3A_337, %swap3A_338], %swap3A_341 {strides = array<i32>} : memref<8x128xf32, #tpu.memory_space<vmem>>, vector<1x16xf32>,
      %get3A_342 = arith.constant 0 : i32
      %get3A_343 = arith.index_cast %get3A_342 : i32 to index
      %get3A_344 = arith.constant 112 : index
      %get3A_345 = tpu.vector_load %arg7[%get3A_343, %get3A_344] {strides = array<i32>} : memref<8x128xf32, #tpu.memory_space<vmem>>, vector<1x16xf32>,
      %get3A_346 = vector.shape_cast %get3A_345 : vector<1x16xf32> to vector<16xf32>
      %mul3A_347 = arith.constant 0.10599979 : f32
      %mul3A_348 = vector.broadcast %mul3A_347 : f32 to vector<16xf32>
      %mul3A_349 = arith.mulf %get3A_346, %mul3A_348 : vector<16xf32>
      %swap3A_350 = arith.constant 0 : i32
      %swap3A_351 = arith.index_cast %swap3A_350 : i32 to index
      %swap3A_352 = arith.constant 112 : index
      %swap3A_353 = tpu.vector_load %arg7[%swap3A_351, %swap3A_352] {strides = array<i32>} : memref<8x128xf32, #tpu.memory_space<vmem>>, vector<1x16xf32>,
      %swap3A_354 = vector.shape_cast %swap3A_353 : vector<1x16xf32> to vector<16xf32>
      %swap3A_355 = vector.shape_cast %mul3A_349 : vector<16xf32> to vector<1x16xf32>
      tpu.vector_store %arg7[%swap3A_351, %swap3A_352], %swap3A_355 {strides = array<i32>} : memref<8x128xf32, #tpu.memory_space<vmem>>, vector<1x16xf32>,
      %get3A_356 = arith.constant 1 : i32
      %get3A_357 = arith.index_cast %get3A_356 : i32 to index
      %get3A_358 = arith.constant 0 : index
      %get3A_359 = tpu.vector_load %arg7[%get3A_357, %get3A_358] {strides = array<i32>} : memref<8x128xf32, #tpu.memory_space<vmem>>, vector<1x16xf32>,
      %get3A_360 = vector.shape_cast %get3A_359 : vector<1x16xf32> to vector<16xf32>
      %mul3A_361 = arith.constant 0.10599979 : f32
      %mul3A_362 = vector.broadcast %mul3A_361 : f32 to vector<16xf32>
      %mul3A_363 = arith.mulf %get3A_360, %mul3A_362 : vector<16xf32>
      %swap3A_364 = arith.constant 1 : i32
      %swap3A_365 = arith.index_cast %swap3A_364 : i32 to index
      %swap3A_366 = arith.constant 0 : index
      %swap3A_367 = tpu.vector_load %arg7[%swap3A_365, %swap3A_366] {strides = array<i32>} : memref<8x128xf32, #tpu.memory_space<vmem>>, vector<1x16xf32>,
      %swap3A_368 = vector.shape_cast %swap3A_367 : vector<1x16xf32> to vector<16xf32>
      %swap3A_369 = vector.shape_cast %mul3A_363 : vector<16xf32> to vector<1x16xf32>
      tpu.vector_store %arg7[%swap3A_365, %swap3A_366], %swap3A_369 {strides = array<i32>} : memref<8x128xf32, #tpu.memory_space<vmem>>, vector<1x16xf32>,
      %get3A_370 = arith.constant 1 : i32
      %get3A_371 = arith.index_cast %get3A_370 : i32 to index
      %get3A_372 = arith.constant 16 : index
      %get3A_373 = tpu.vector_load %arg7[%get3A_371, %get3A_372] {strides = array<i32>} : memref<8x128xf32, #tpu.memory_space<vmem>>, vector<1x16xf32>,
      %get3A_374 = vector.shape_cast %get3A_373 : vector<1x16xf32> to vector<16xf32>
      %mul3A_375 = arith.constant 0.10599979 : f32
      %mul3A_376 = vector.broadcast %mul3A_375 : f32 to vector<16xf32>
      %mul3A_377 = arith.mulf %get3A_374, %mul3A_376 : vector<16xf32>
      %swap3A_378 = arith.constant 1 : i32
      %swap3A_379 = arith.index_cast %swap3A_378 : i32 to index
      %swap3A_380 = arith.constant 16 : index
      %swap3A_381 = tpu.vector_load %arg7[%swap3A_379, %swap3A_380] {strides = array<i32>} : memref<8x128xf32, #tpu.memory_space<vmem>>, vector<1x16xf32>,
      %swap3A_382 = vector.shape_cast %swap3A_381 : vector<1x16xf32> to vector<16xf32>
      %swap3A_383 = vector.shape_cast %mul3A_377 : vector<16xf32> to vector<1x16xf32>
      tpu.vector_store %arg7[%swap3A_379, %swap3A_380], %swap3A_383 {strides = array<i32>} : memref<8x128xf32, #tpu.memory_space<vmem>>, vector<1x16xf32>,
      %get3A_384 = arith.constant 1 : i32
      %get3A_385 = arith.index_cast %get3A_384 : i32 to index
      %get3A_386 = arith.constant 32 : index
      %get3A_387 = tpu.vector_load %arg7[%get3A_385, %get3A_386] {strides = array<i32>} : memref<8x128xf32, #tpu.memory_space<vmem>>, vector<1x16xf32>,
      %get3A_388 = vector.shape_cast %get3A_387 : vector<1x16xf32> to vector<16xf32>
      %mul3A_389 = arith.constant 0.10599979 : f32
      %mul3A_390 = vector.broadcast %mul3A_389 : f32 to vector<16xf32>
      %mul3A_391 = arith.mulf %get3A_388, %mul3A_390 : vector<16xf32>
      %swap3A_392 = arith.constant 1 : i32
      %swap3A_393 = arith.index_cast %swap3A_392 : i32 to index
      %swap3A_394 = arith.constant 32 : index
      %swap3A_395 = tpu.vector_load %arg7[%swap3A_393, %swap3A_394] {strides = array<i32>} : memref<8x128xf32, #tpu.memory_space<vmem>>, vector<1x16xf32>,
      %swap3A_396 = vector.shape_cast %swap3A_395 : vector<1x16xf32> to vector<16xf32>
      %swap3A_397 = vector.shape_cast %mul3A_391 : vector<16xf32> to vector<1x16xf32>
      tpu.vector_store %arg7[%swap3A_393, %swap3A_394], %swap3A_397 {strides = array<i32>} : memref<8x128xf32, #tpu.memory_space<vmem>>, vector<1x16xf32>,
      %get3A_398 = arith.constant 1 : i32
      %get3A_399 = arith.index_cast %get3A_398 : i32 to index
      %get3A_400 = arith.constant 48 : index
      %get3A_401 = tpu.vector_load %arg7[%get3A_399, %get3A_400] {strides = array<i32>} : memref<8x128xf32, #tpu.memory_space<vmem>>, vector<1x16xf32>,
      %get3A_402 = vector.shape_cast %get3A_401 : vector<1x16xf32> to vector<16xf32>
      %mul3A_403 = arith.constant 0.10599979 : f32
      %mul3A_404 = vector.broadcast %mul3A_403 : f32 to vector<16xf32>
      %mul3A_405 = arith.mulf %get3A_402, %mul3A_404 : vector<16xf32>
      %swap3A_406 = arith.constant 1 : i32
      %swap3A_407 = arith.index_cast %swap3A_406 : i32 to index
      %swap3A_408 = arith.constant 48 : index
      %swap3A_409 = tpu.vector_load %arg7[%swap3A_407, %swap3A_408] {strides = array<i32>} : memref<8x128xf32, #tpu.memory_space<vmem>>, vector<1x16xf32>,
      %swap3A_410 = vector.shape_cast %swap3A_409 : vector<1x16xf32> to vector<16xf32>
      %swap3A_411 = vector.shape_cast %mul3A_405 : vector<16xf32> to vector<1x16xf32>
      tpu.vector_store %arg7[%swap3A_407, %swap3A_408], %swap3A_411 {strides = array<i32>} : memref<8x128xf32, #tpu.memory_space<vmem>>, vector<1x16xf32>,
      %get3A_412 = arith.constant 1 : i32
      %get3A_413 = arith.index_cast %get3A_412 : i32 to index
      %get3A_414 = arith.constant 64 : index
      %get3A_415 = tpu.vector_load %arg7[%get3A_413, %get3A_414] {strides = array<i32>} : memref<8x128xf32, #tpu.memory_space<vmem>>, vector<1x16xf32>,
      %get3A_416 = vector.shape_cast %get3A_415 : vector<1x16xf32> to vector<16xf32>
      %mul3A_417 = arith.constant 0.10599979 : f32
      %mul3A_418 = vector.broadcast %mul3A_417 : f32 to vector<16xf32>
      %mul3A_419 = arith.mulf %get3A_416, %mul3A_418 : vector<16xf32>
      %swap3A_420 = arith.constant 1 : i32
      %swap3A_421 = arith.index_cast %swap3A_420 : i32 to index
      %swap3A_422 = arith.constant 64 : index
      %swap3A_423 = tpu.vector_load %arg7[%swap3A_421, %swap3A_422] {strides = array<i32>} : memref<8x128xf32, #tpu.memory_space<vmem>>, vector<1x16xf32>,
      %swap3A_424 = vector.shape_cast %swap3A_423 : vector<1x16xf32> to vector<16xf32>
      %swap3A_425 = vector.shape_cast %mul3A_419 : vector<16xf32> to vector<1x16xf32>
      tpu.vector_store %arg7[%swap3A_421, %swap3A_422], %swap3A_425 {strides = array<i32>} : memref<8x128xf32, #tpu.memory_space<vmem>>, vector<1x16xf32>,
      %get3A_426 = arith.constant 1 : i32
      %get3A_427 = arith.index_cast %get3A_426 : i32 to index
      %get3A_428 = arith.constant 80 : index
      %get3A_429 = tpu.vector_load %arg7[%get3A_427, %get3A_428] {strides = array<i32>} : memref<8x128xf32, #tpu.memory_space<vmem>>, vector<1x16xf32>,
      %get3A_430 = vector.shape_cast %get3A_429 : vector<1x16xf32> to vector<16xf32>
      %mul3A_431 = arith.constant 0.10599979 : f32
      %mul3A_432 = vector.broadcast %mul3A_431 : f32 to vector<16xf32>
      %mul3A_433 = arith.mulf %get3A_430, %mul3A_432 : vector<16xf32>
      %swap3A_434 = arith.constant 1 : i32
      %swap3A_435 = arith.index_cast %swap3A_434 : i32 to index
      %swap3A_436 = arith.constant 80 : index
      %swap3A_437 = tpu.vector_load %arg7[%swap3A_435, %swap3A_436] {strides = array<i32>} : memref<8x128xf32, #tpu.memory_space<vmem>>, vector<1x16xf32>,
      %swap3A_438 = vector.shape_cast %swap3A_437 : vector<1x16xf32> to vector<16xf32>
      %swap3A_439 = vector.shape_cast %mul3A_433 : vector<16xf32> to vector<1x16xf32>
      tpu.vector_store %arg7[%swap3A_435, %swap3A_436], %swap3A_439 {strides = array<i32>} : memref<8x128xf32, #tpu.memory_space<vmem>>, vector<1x16xf32>,
      %get3A_440 = arith.constant 1 : i32
      %get3A_441 = arith.index_cast %get3A_440 : i32 to index
      %get3A_442 = arith.constant 96 : index
      %get3A_443 = tpu.vector_load %arg7[%get3A_441, %get3A_442] {strides = array<i32>} : memref<8x128xf32, #tpu.memory_space<vmem>>, vector<1x16xf32>,
      %get3A_444 = vector.shape_cast %get3A_443 : vector<1x16xf32> to vector<16xf32>
      %mul3A_445 = arith.constant 0.10599979 : f32
      %mul3A_446 = vector.broadcast %mul3A_445 : f32 to vector<16xf32>
      %mul3A_447 = arith.mulf %get3A_444, %mul3A_446 : vector<16xf32>
      %swap3A_448 = arith.constant 1 : i32
      %swap3A_449 = arith.index_cast %swap3A_448 : i32 to index
      %swap3A_450 = arith.constant 96 : index
      %swap3A_451 = tpu.vector_load %arg7[%swap3A_449, %swap3A_450] {strides = array<i32>} : memref<8x128xf32, #tpu.memory_space<vmem>>, vector<1x16xf32>,
      %swap3A_452 = vector.shape_cast %swap3A_451 : vector<1x16xf32> to vector<16xf32>
      %swap3A_453 = vector.shape_cast %mul3A_447 : vector<16xf32> to vector<1x16xf32>
      tpu.vector_store %arg7[%swap3A_449, %swap3A_450], %swap3A_453 {strides = array<i32>} : memref<8x128xf32, #tpu.memory_space<vmem>>, vector<1x16xf32>,
      %get3A_454 = arith.constant 1 : i32
      %get3A_455 = arith.index_cast %get3A_454 : i32 to index
      %get3A_456 = arith.constant 112 : index
      %get3A_457 = tpu.vector_load %arg7[%get3A_455, %get3A_456] {strides = array<i32>} : memref<8x128xf32, #tpu.memory_space<vmem>>, vector<1x16xf32>,
      %get3A_458 = vector.shape_cast %get3A_457 : vector<1x16xf32> to vector<16xf32>
      %mul3A_459 = arith.constant 0.10599979 : f32
      %mul3A_460 = vector.broadcast %mul3A_459 : f32 to vector<16xf32>
      %mul3A_461 = arith.mulf %get3A_458, %mul3A_460 : vector<16xf32>
      %swap3A_462 = arith.constant 1 : i32
      %swap3A_463 = arith.index_cast %swap3A_462 : i32 to index
      %swap3A_464 = arith.constant 112 : index
      %swap3A_465 = tpu.vector_load %arg7[%swap3A_463, %swap3A_464] {strides = array<i32>} : memref<8x128xf32, #tpu.memory_space<vmem>>, vector<1x16xf32>,
      %swap3A_466 = vector.shape_cast %swap3A_465 : vector<1x16xf32> to vector<16xf32>
      %swap3A_467 = vector.shape_cast %mul3A_461 : vector<16xf32> to vector<1x16xf32>
      tpu.vector_store %arg7[%swap3A_463, %swap3A_464], %swap3A_467 {strides = array<i32>} : memref<8x128xf32, #tpu.memory_space<vmem>>, vector<1x16xf32>,
      %get3A_468 = arith.constant 2 : i32
      %get3A_469 = arith.index_cast %get3A_468 : i32 to index
      %get3A_470 = arith.constant 0 : index
      %get3A_471 = tpu.vector_load %arg7[%get3A_469, %get3A_470] {strides = array<i32>} : memref<8x128xf32, #tpu.memory_space<vmem>>, vector<1x16xf32>,
      %get3A_472 = vector.shape_cast %get3A_471 : vector<1x16xf32> to vector<16xf32>
      %mul3A_473 = arith.constant 0.10599979 : f32
      %mul3A_474 = vector.broadcast %mul3A_473 : f32 to vector<16xf32>
      %mul3A_475 = arith.mulf %get3A_472, %mul3A_474 : vector<16xf32>
      %swap3A_476 = arith.constant 2 : i32
      %swap3A_477 = arith.index_cast %swap3A_476 : i32 to index
      %swap3A_478 = arith.constant 0 : index
      %swap3A_479 = tpu.vector_load %arg7[%swap3A_477, %swap3A_478] {strides = array<i32>} : memref<8x128xf32, #tpu.memory_space<vmem>>, vector<1x16xf32>,
      %swap3A_480 = vector.shape_cast %swap3A_479 : vector<1x16xf32> to vector<16xf32>
      %swap3A_481 = vector.shape_cast %mul3A_475 : vector<16xf32> to vector<1x16xf32>
      tpu.vector_store %arg7[%swap3A_477, %swap3A_478], %swap3A_481 {strides = array<i32>} : memref<8x128xf32, #tpu.memory_space<vmem>>, vector<1x16xf32>,
      %get3A_482 = arith.constant 2 : i32
      %get3A_483 = arith.index_cast %get3A_482 : i32 to index
      %get3A_484 = arith.constant 16 : index
      %get3A_485 = tpu.vector_load %arg7[%get3A_483, %get3A_484] {strides = array<i32>} : memref<8x128xf32, #tpu.memory_space<vmem>>, vector<1x16xf32>,
      %get3A_486 = vector.shape_cast %get3A_485 : vector<1x16xf32> to vector<16xf32>
      %mul3A_487 = arith.constant 0.10599979 : f32
      %mul3A_488 = vector.broadcast %mul3A_487 : f32 to vector<16xf32>
      %mul3A_489 = arith.mulf %get3A_486, %mul3A_488 : vector<16xf32>
      %swap3A_490 = arith.constant 2 : i32
      %swap3A_491 = arith.index_cast %swap3A_490 : i32 to index
      %swap3A_492 = arith.constant 16 : index
      %swap3A_493 = tpu.vector_load %arg7[%swap3A_491, %swap3A_492] {strides = array<i32>} : memref<8x128xf32, #tpu.memory_space<vmem>>, vector<1x16xf32>,
      %swap3A_494 = vector.shape_cast %swap3A_493 : vector<1x16xf32> to vector<16xf32>
      %swap3A_495 = vector.shape_cast %mul3A_489 : vector<16xf32> to vector<1x16xf32>
      tpu.vector_store %arg7[%swap3A_491, %swap3A_492], %swap3A_495 {strides = array<i32>} : memref<8x128xf32, #tpu.memory_space<vmem>>, vector<1x16xf32>,
      %get3A_496 = arith.constant 2 : i32
      %get3A_497 = arith.index_cast %get3A_496 : i32 to index
      %get3A_498 = arith.constant 32 : index
      %get3A_499 = tpu.vector_load %arg7[%get3A_497, %get3A_498] {strides = array<i32>} : memref<8x128xf32, #tpu.memory_space<vmem>>, vector<1x16xf32>,
      %get3A_500 = vector.shape_cast %get3A_499 : vector<1x16xf32> to vector<16xf32>
      %mul3A_501 = arith.constant 0.10599979 : f32
      %mul3A_502 = vector.broadcast %mul3A_501 : f32 to vector<16xf32>
      %mul3A_503 = arith.mulf %get3A_500, %mul3A_502 : vector<16xf32>
      %swap3A_504 = arith.constant 2 : i32
      %swap3A_505 = arith.index_cast %swap3A_504 : i32 to index
      %swap3A_506 = arith.constant 32 : index
      %swap3A_507 = tpu.vector_load %arg7[%swap3A_505, %swap3A_506] {strides = array<i32>} : memref<8x128xf32, #tpu.memory_space<vmem>>, vector<1x16xf32>,
      %swap3A_508 = vector.shape_cast %swap3A_507 : vector<1x16xf32> to vector<16xf32>
      %swap3A_509 = vector.shape_cast %mul3A_503 : vector<16xf32> to vector<1x16xf32>
      tpu.vector_store %arg7[%swap3A_505, %swap3A_506], %swap3A_509 {strides = array<i32>} : memref<8x128xf32, #tpu.memory_space<vmem>>, vector<1x16xf32>,
      %get3A_510 = arith.constant 2 : i32
      %get3A_511 = arith.index_cast %get3A_510 : i32 to index
      %get3A_512 = arith.constant 48 : index
      %get3A_513 = tpu.vector_load %arg7[%get3A_511, %get3A_512] {strides = array<i32>} : memref<8x128xf32, #tpu.memory_space<vmem>>, vector<1x16xf32>,
      %get3A_514 = vector.shape_cast %get3A_513 : vector<1x16xf32> to vector<16xf32>
      %mul3A_515 = arith.constant 0.10599979 : f32
      %mul3A_516 = vector.broadcast %mul3A_515 : f32 to vector<16xf32>
      %mul3A_517 = arith.mulf %get3A_514, %mul3A_516 : vector<16xf32>
      %swap3A_518 = arith.constant 2 : i32
      %swap3A_519 = arith.index_cast %swap3A_518 : i32 to index
      %swap3A_520 = arith.constant 48 : index
      %swap3A_521 = tpu.vector_load %arg7[%swap3A_519, %swap3A_520] {strides = array<i32>} : memref<8x128xf32, #tpu.memory_space<vmem>>, vector<1x16xf32>,
      %swap3A_522 = vector.shape_cast %swap3A_521 : vector<1x16xf32> to vector<16xf32>
      %swap3A_523 = vector.shape_cast %mul3A_517 : vector<16xf32> to vector<1x16xf32>
      tpu.vector_store %arg7[%swap3A_519, %swap3A_520], %swap3A_523 {strides = array<i32>} : memref<8x128xf32, #tpu.memory_space<vmem>>, vector<1x16xf32>,
      %get3A_524 = arith.constant 2 : i32
      %get3A_525 = arith.index_cast %get3A_524 : i32 to index
      %get3A_526 = arith.constant 64 : index
      %get3A_527 = tpu.vector_load %arg7[%get3A_525, %get3A_526] {strides = array<i32>} : memref<8x128xf32, #tpu.memory_space<vmem>>, vector<1x16xf32>,
      %get3A_528 = vector.shape_cast %get3A_527 : vector<1x16xf32> to vector<16xf32>
      %mul3A_529 = arith.constant 0.10599979 : f32
      %mul3A_530 = vector.broadcast %mul3A_529 : f32 to vector<16xf32>
      %mul3A_531 = arith.mulf %get3A_528, %mul3A_530 : vector<16xf32>
      %swap3A_532 = arith.constant 2 : i32
      %swap3A_533 = arith.index_cast %swap3A_532 : i32 to index
      %swap3A_534 = arith.constant 64 : index
      %swap3A_535 = tpu.vector_load %arg7[%swap3A_533, %swap3A_534] {strides = array<i32>} : memref<8x128xf32, #tpu.memory_space<vmem>>, vector<1x16xf32>,
      %swap3A_536 = vector.shape_cast %swap3A_535 : vector<1x16xf32> to vector<16xf32>
      %swap3A_537 = vector.shape_cast %mul3A_531 : vector<16xf32> to vector<1x16xf32>
      tpu.vector_store %arg7[%swap3A_533, %swap3A_534], %swap3A_537 {strides = array<i32>} : memref<8x128xf32, #tpu.memory_space<vmem>>, vector<1x16xf32>,
      %get3A_538 = arith.constant 2 : i32
      %get3A_539 = arith.index_cast %get3A_538 : i32 to index
      %get3A_540 = arith.constant 80 : index
      %get3A_541 = tpu.vector_load %arg7[%get3A_539, %get3A_540] {strides = array<i32>} : memref<8x128xf32, #tpu.memory_space<vmem>>, vector<1x16xf32>,
      %get3A_542 = vector.shape_cast %get3A_541 : vector<1x16xf32> to vector<16xf32>
      %mul3A_543 = arith.constant 0.10599979 : f32
      %mul3A_544 = vector.broadcast %mul3A_543 : f32 to vector<16xf32>
      %mul3A_545 = arith.mulf %get3A_542, %mul3A_544 : vector<16xf32>
      %swap3A_546 = arith.constant 2 : i32
      %swap3A_547 = arith.index_cast %swap3A_546 : i32 to index
      %swap3A_548 = arith.constant 80 : index
      %swap3A_549 = tpu.vector_load %arg7[%swap3A_547, %swap3A_548] {strides = array<i32>} : memref<8x128xf32, #tpu.memory_space<vmem>>, vector<1x16xf32>,
      %swap3A_550 = vector.shape_cast %swap3A_549 : vector<1x16xf32> to vector<16xf32>
      %swap3A_551 = vector.shape_cast %mul3A_545 : vector<16xf32> to vector<1x16xf32>
      tpu.vector_store %arg7[%swap3A_547, %swap3A_548], %swap3A_551 {strides = array<i32>} : memref<8x128xf32, #tpu.memory_space<vmem>>, vector<1x16xf32>,
      %get3A_552 = arith.constant 2 : i32
      %get3A_553 = arith.index_cast %get3A_552 : i32 to index
      %get3A_554 = arith.constant 96 : index
      %get3A_555 = tpu.vector_load %arg7[%get3A_553, %get3A_554] {strides = array<i32>} : memref<8x128xf32, #tpu.memory_space<vmem>>, vector<1x16xf32>,
      %get3A_556 = vector.shape_cast %get3A_555 : vector<1x16xf32> to vector<16xf32>
      %mul3A_557 = arith.constant 0.10599979 : f32
      %mul3A_558 = vector.broadcast %mul3A_557 : f32 to vector<16xf32>
      %mul3A_559 = arith.mulf %get3A_556, %mul3A_558 : vector<16xf32>
      %swap3A_560 = arith.constant 2 : i32
      %swap3A_561 = arith.index_cast %swap3A_560 : i32 to index
      %swap3A_562 = arith.constant 96 : index
      %swap3A_563 = tpu.vector_load %arg7[%swap3A_561, %swap3A_562] {strides = array<i32>} : memref<8x128xf32, #tpu.memory_space<vmem>>, vector<1x16xf32>,
      %swap3A_564 = vector.shape_cast %swap3A_563 : vector<1x16xf32> to vector<16xf32>
      %swap3A_565 = vector.shape_cast %mul3A_559 : vector<16xf32> to vector<1x16xf32>
      tpu.vector_store %arg7[%swap3A_561, %swap3A_562], %swap3A_565 {strides = array<i32>} : memref<8x128xf32, #tpu.memory_space<vmem>>, vector<1x16xf32>,
      %get3A_566 = arith.constant 2 : i32
      %get3A_567 = arith.index_cast %get3A_566 : i32 to index
      %get3A_568 = arith.constant 112 : index
      %get3A_569 = tpu.vector_load %arg7[%get3A_567, %get3A_568] {strides = array<i32>} : memref<8x128xf32, #tpu.memory_space<vmem>>, vector<1x16xf32>,
      %get3A_570 = vector.shape_cast %get3A_569 : vector<1x16xf32> to vector<16xf32>
      %mul3A_571 = arith.constant 0.10599979 : f32
      %mul3A_572 = vector.broadcast %mul3A_571 : f32 to vector<16xf32>
      %mul3A_573 = arith.mulf %get3A_570, %mul3A_572 : vector<16xf32>
      %swap3A_574 = arith.constant 2 : i32
      %swap3A_575 = arith.index_cast %swap3A_574 : i32 to index
      %swap3A_576 = arith.constant 112 : index
      %swap3A_577 = tpu.vector_load %arg7[%swap3A_575, %swap3A_576] {strides = array<i32>} : memref<8x128xf32, #tpu.memory_space<vmem>>, vector<1x16xf32>,
      %swap3A_578 = vector.shape_cast %swap3A_577 : vector<1x16xf32> to vector<16xf32>
      %swap3A_579 = vector.shape_cast %mul3A_573 : vector<16xf32> to vector<1x16xf32>
      tpu.vector_store %arg7[%swap3A_575, %swap3A_576], %swap3A_579 {strides = array<i32>} : memref<8x128xf32, #tpu.memory_space<vmem>>, vector<1x16xf32>,
      %get3A_580 = arith.constant 3 : i32
      %get3A_581 = arith.index_cast %get3A_580 : i32 to index
      %get3A_582 = arith.constant 0 : index
      %get3A_583 = tpu.vector_load %arg7[%get3A_581, %get3A_582] {strides = array<i32>} : memref<8x128xf32, #tpu.memory_space<vmem>>, vector<1x16xf32>,
      %get3A_584 = vector.shape_cast %get3A_583 : vector<1x16xf32> to vector<16xf32>
      %mul3A_585 = arith.constant 0.10599979 : f32
      %mul3A_586 = vector.broadcast %mul3A_585 : f32 to vector<16xf32>
      %mul3A_587 = arith.mulf %get3A_584, %mul3A_586 : vector<16xf32>
      %swap3A_588 = arith.constant 3 : i32
      %swap3A_589 = arith.index_cast %swap3A_588 : i32 to index
      %swap3A_590 = arith.constant 0 : index
      %swap3A_591 = tpu.vector_load %arg7[%swap3A_589, %swap3A_590] {strides = array<i32>} : memref<8x128xf32, #tpu.memory_space<vmem>>, vector<1x16xf32>,
      %swap3A_592 = vector.shape_cast %swap3A_591 : vector<1x16xf32> to vector<16xf32>
      %swap3A_593 = vector.shape_cast %mul3A_587 : vector<16xf32> to vector<1x16xf32>
      tpu.vector_store %arg7[%swap3A_589, %swap3A_590], %swap3A_593 {strides = array<i32>} : memref<8x128xf32, #tpu.memory_space<vmem>>, vector<1x16xf32>,
      %get3A_594 = arith.constant 3 : i32
      %get3A_595 = arith.index_cast %get3A_594 : i32 to index
      %get3A_596 = arith.constant 16 : index
      %get3A_597 = tpu.vector_load %arg7[%get3A_595, %get3A_596] {strides = array<i32>} : memref<8x128xf32, #tpu.memory_space<vmem>>, vector<1x16xf32>,
      %get3A_598 = vector.shape_cast %get3A_597 : vector<1x16xf32> to vector<16xf32>
      %mul3A_599 = arith.constant 0.10599979 : f32
      %mul3A_600 = vector.broadcast %mul3A_599 : f32 to vector<16xf32>
      %mul3A_601 = arith.mulf %get3A_598, %mul3A_600 : vector<16xf32>
      %swap3A_602 = arith.constant 3 : i32
      %swap3A_603 = arith.index_cast %swap3A_602 : i32 to index
      %swap3A_604 = arith.constant 16 : index
      %swap3A_605 = tpu.vector_load %arg7[%swap3A_603, %swap3A_604] {strides = array<i32>} : memref<8x128xf32, #tpu.memory_space<vmem>>, vector<1x16xf32>,
      %swap3A_606 = vector.shape_cast %swap3A_605 : vector<1x16xf32> to vector<16xf32>
      %swap3A_607 = vector.shape_cast %mul3A_601 : vector<16xf32> to vector<1x16xf32>
      tpu.vector_store %arg7[%swap3A_603, %swap3A_604], %swap3A_607 {strides = array<i32>} : memref<8x128xf32, #tpu.memory_space<vmem>>, vector<1x16xf32>,
      %get3A_608 = arith.constant 3 : i32
      %get3A_609 = arith.index_cast %get3A_608 : i32 to index
      %get3A_610 = arith.constant 32 : index
      %get3A_611 = tpu.vector_load %arg7[%get3A_609, %get3A_610] {strides = array<i32>} : memref<8x128xf32, #tpu.memory_space<vmem>>, vector<1x16xf32>,
      %get3A_612 = vector.shape_cast %get3A_611 : vector<1x16xf32> to vector<16xf32>
      %mul3A_613 = arith.constant 0.10599979 : f32
      %mul3A_614 = vector.broadcast %mul3A_613 : f32 to vector<16xf32>
      %mul3A_615 = arith.mulf %get3A_612, %mul3A_614 : vector<16xf32>
      %swap3A_616 = arith.constant 3 : i32
      %swap3A_617 = arith.index_cast %swap3A_616 : i32 to index
      %swap3A_618 = arith.constant 32 : index
      %swap3A_619 = tpu.vector_load %arg7[%swap3A_617, %swap3A_618] {strides = array<i32>} : memref<8x128xf32, #tpu.memory_space<vmem>>, vector<1x16xf32>,
      %swap3A_620 = vector.shape_cast %swap3A_619 : vector<1x16xf32> to vector<16xf32>
      %swap3A_621 = vector.shape_cast %mul3A_615 : vector<16xf32> to vector<1x16xf32>
      tpu.vector_store %arg7[%swap3A_617, %swap3A_618], %swap3A_621 {strides = array<i32>} : memref<8x128xf32, #tpu.memory_space<vmem>>, vector<1x16xf32>,
      %get3A_622 = arith.constant 3 : i32
      %get3A_623 = arith.index_cast %get3A_622 : i32 to index
      %get3A_624 = arith.constant 48 : index
      %get3A_625 = tpu.vector_load %arg7[%get3A_623, %get3A_624] {strides = array<i32>} : memref<8x128xf32, #tpu.memory_space<vmem>>, vector<1x16xf32>,
      %get3A_626 = vector.shape_cast %get3A_625 : vector<1x16xf32> to vector<16xf32>
      %mul3A_627 = arith.constant 0.10599979 : f32
      %mul3A_628 = vector.broadcast %mul3A_627 : f32 to vector<16xf32>
      %mul3A_629 = arith.mulf %get3A_626, %mul3A_628 : vector<16xf32>
      %swap3A_630 = arith.constant 3 : i32
      %swap3A_631 = arith.index_cast %swap3A_630 : i32 to index
      %swap3A_632 = arith.constant 48 : index
      %swap3A_633 = tpu.vector_load %arg7[%swap3A_631, %swap3A_632] {strides = array<i32>} : memref<8x128xf32, #tpu.memory_space<vmem>>, vector<1x16xf32>,
      %swap3A_634 = vector.shape_cast %swap3A_633 : vector<1x16xf32> to vector<16xf32>
      %swap3A_635 = vector.shape_cast %mul3A_629 : vector<16xf32> to vector<1x16xf32>
      tpu.vector_store %arg7[%swap3A_631, %swap3A_632], %swap3A_635 {strides = array<i32>} : memref<8x128xf32, #tpu.memory_space<vmem>>, vector<1x16xf32>,
      %get3A_636 = arith.constant 3 : i32
      %get3A_637 = arith.index_cast %get3A_636 : i32 to index
      %get3A_638 = arith.constant 64 : index
      %get3A_639 = tpu.vector_load %arg7[%get3A_637, %get3A_638] {strides = array<i32>} : memref<8x128xf32, #tpu.memory_space<vmem>>, vector<1x16xf32>,
      %get3A_640 = vector.shape_cast %get3A_639 : vector<1x16xf32> to vector<16xf32>
      %mul3A_641 = arith.constant 0.10599979 : f32
      %mul3A_642 = vector.broadcast %mul3A_641 : f32 to vector<16xf32>
      %mul3A_643 = arith.mulf %get3A_640, %mul3A_642 : vector<16xf32>
      %swap3A_644 = arith.constant 3 : i32
      %swap3A_645 = arith.index_cast %swap3A_644 : i32 to index
      %swap3A_646 = arith.constant 64 : index
      %swap3A_647 = tpu.vector_load %arg7[%swap3A_645, %swap3A_646] {strides = array<i32>} : memref<8x128xf32, #tpu.memory_space<vmem>>, vector<1x16xf32>,
      %swap3A_648 = vector.shape_cast %swap3A_647 : vector<1x16xf32> to vector<16xf32>
      %swap3A_649 = vector.shape_cast %mul3A_643 : vector<16xf32> to vector<1x16xf32>
      tpu.vector_store %arg7[%swap3A_645, %swap3A_646], %swap3A_649 {strides = array<i32>} : memref<8x128xf32, #tpu.memory_space<vmem>>, vector<1x16xf32>,
      %get3A_650 = arith.constant 3 : i32
      %get3A_651 = arith.index_cast %get3A_650 : i32 to index
      %get3A_652 = arith.constant 80 : index
      %get3A_653 = tpu.vector_load %arg7[%get3A_651, %get3A_652] {strides = array<i32>} : memref<8x128xf32, #tpu.memory_space<vmem>>, vector<1x16xf32>,
      %get3A_654 = vector.shape_cast %get3A_653 : vector<1x16xf32> to vector<16xf32>
      %mul3A_655 = arith.constant 0.10599979 : f32
      %mul3A_656 = vector.broadcast %mul3A_655 : f32 to vector<16xf32>
      %mul3A_657 = arith.mulf %get3A_654, %mul3A_656 : vector<16xf32>
      %swap3A_658 = arith.constant 3 : i32
      %swap3A_659 = arith.index_cast %swap3A_658 : i32 to index
      %swap3A_660 = arith.constant 80 : index
      %swap3A_661 = tpu.vector_load %arg7[%swap3A_659, %swap3A_660] {strides = array<i32>} : memref<8x128xf32, #tpu.memory_space<vmem>>, vector<1x16xf32>,
      %swap3A_662 = vector.shape_cast %swap3A_661 : vector<1x16xf32> to vector<16xf32>
      %swap3A_663 = vector.shape_cast %mul3A_657 : vector<16xf32> to vector<1x16xf32>
      tpu.vector_store %arg7[%swap3A_659, %swap3A_660], %swap3A_663 {strides = array<i32>} : memref<8x128xf32, #tpu.memory_space<vmem>>, vector<1x16xf32>,
      %get3A_664 = arith.constant 3 : i32
      %get3A_665 = arith.index_cast %get3A_664 : i32 to index
      %get3A_666 = arith.constant 96 : index
      %get3A_667 = tpu.vector_load %arg7[%get3A_665, %get3A_666] {strides = array<i32>} : memref<8x128xf32, #tpu.memory_space<vmem>>, vector<1x16xf32>,
      %get3A_668 = vector.shape_cast %get3A_667 : vector<1x16xf32> to vector<16xf32>
      %mul3A_669 = arith.constant 0.10599979 : f32
      %mul3A_670 = vector.broadcast %mul3A_669 : f32 to vector<16xf32>
      %mul3A_671 = arith.mulf %get3A_668, %mul3A_670 : vector<16xf32>
      %swap3A_672 = arith.constant 3 : i32
      %swap3A_673 = arith.index_cast %swap3A_672 : i32 to index
      %swap3A_674 = arith.constant 96 : index
      %swap3A_675 = tpu.vector_load %arg7[%swap3A_673, %swap3A_674] {strides = array<i32>} : memref<8x128xf32, #tpu.memory_space<vmem>>, vector<1x16xf32>,
      %swap3A_676 = vector.shape_cast %swap3A_675 : vector<1x16xf32> to vector<16xf32>
      %swap3A_677 = vector.shape_cast %mul3A_671 : vector<16xf32> to vector<1x16xf32>
      tpu.vector_store %arg7[%swap3A_673, %swap3A_674], %swap3A_677 {strides = array<i32>} : memref<8x128xf32, #tpu.memory_space<vmem>>, vector<1x16xf32>,
      %get3A_678 = arith.constant 3 : i32
      %get3A_679 = arith.index_cast %get3A_678 : i32 to index
      %get3A_680 = arith.constant 112 : index
      %get3A_681 = tpu.vector_load %arg7[%get3A_679, %get3A_680] {strides = array<i32>} : memref<8x128xf32, #tpu.memory_space<vmem>>, vector<1x16xf32>,
      %get3A_682 = vector.shape_cast %get3A_681 : vector<1x16xf32> to vector<16xf32>
      %mul3A_683 = arith.constant 0.10599979 : f32
      %mul3A_684 = vector.broadcast %mul3A_683 : f32 to vector<16xf32>
      %mul3A_685 = arith.mulf %get3A_682, %mul3A_684 : vector<16xf32>
      %swap3A_686 = arith.constant 3 : i32
      %swap3A_687 = arith.index_cast %swap3A_686 : i32 to index
      %swap3A_688 = arith.constant 112 : index
      %swap3A_689 = tpu.vector_load %arg7[%swap3A_687, %swap3A_688] {strides = array<i32>} : memref<8x128xf32, #tpu.memory_space<vmem>>, vector<1x16xf32>,
      %swap3A_690 = vector.shape_cast %swap3A_689 : vector<1x16xf32> to vector<16xf32>
      %swap3A_691 = vector.shape_cast %mul3A_685 : vector<16xf32> to vector<1x16xf32>
      tpu.vector_store %arg7[%swap3A_687, %swap3A_688], %swap3A_691 {strides = array<i32>} : memref<8x128xf32, #tpu.memory_space<vmem>>, vector<1x16xf32>,
      %get3A_692 = arith.constant 4 : i32
      %get3A_693 = arith.index_cast %get3A_692 : i32 to index
      %get3A_694 = arith.constant 0 : index
      %get3A_695 = tpu.vector_load %arg7[%get3A_693, %get3A_694] {strides = array<i32>} : memref<8x128xf32, #tpu.memory_space<vmem>>, vector<1x16xf32>,
      %get3A_696 = vector.shape_cast %get3A_695 : vector<1x16xf32> to vector<16xf32>
      %mul3A_697 = arith.constant 0.10599979 : f32
      %mul3A_698 = vector.broadcast %mul3A_697 : f32 to vector<16xf32>
      %mul3A_699 = arith.mulf %get3A_696, %mul3A_698 : vector<16xf32>
      %swap3A_700 = arith.constant 4 : i32
      %swap3A_701 = arith.index_cast %swap3A_700 : i32 to index
      %swap3A_702 = arith.constant 0 : index
      %swap3A_703 = tpu.vector_load %arg7[%swap3A_701, %swap3A_702] {strides = array<i32>} : memref<8x128xf32, #tpu.memory_space<vmem>>, vector<1x16xf32>,
      %swap3A_704 = vector.shape_cast %swap3A_703 : vector<1x16xf32> to vector<16xf32>
      %swap3A_705 = vector.shape_cast %mul3A_699 : vector<16xf32> to vector<1x16xf32>
      tpu.vector_store %arg7[%swap3A_701, %swap3A_702], %swap3A_705 {strides = array<i32>} : memref<8x128xf32, #tpu.memory_space<vmem>>, vector<1x16xf32>,
      %get3A_706 = arith.constant 4 : i32
      %get3A_707 = arith.index_cast %get3A_706 : i32 to index
      %get3A_708 = arith.constant 16 : index
      %get3A_709 = tpu.vector_load %arg7[%get3A_707, %get3A_708] {strides = array<i32>} : memref<8x128xf32, #tpu.memory_space<vmem>>, vector<1x16xf32>,
      %get3A_710 = vector.shape_cast %get3A_709 : vector<1x16xf32> to vector<16xf32>
      %mul3A_711 = arith.constant 0.10599979 : f32
      %mul3A_712 = vector.broadcast %mul3A_711 : f32 to vector<16xf32>
      %mul3A_713 = arith.mulf %get3A_710, %mul3A_712 : vector<16xf32>
      %swap3A_714 = arith.constant 4 : i32
      %swap3A_715 = arith.index_cast %swap3A_714 : i32 to index
      %swap3A_716 = arith.constant 16 : index
      %swap3A_717 = tpu.vector_load %arg7[%swap3A_715, %swap3A_716] {strides = array<i32>} : memref<8x128xf32, #tpu.memory_space<vmem>>, vector<1x16xf32>,
      %swap3A_718 = vector.shape_cast %swap3A_717 : vector<1x16xf32> to vector<16xf32>
      %swap3A_719 = vector.shape_cast %mul3A_713 : vector<16xf32> to vector<1x16xf32>
      tpu.vector_store %arg7[%swap3A_715, %swap3A_716], %swap3A_719 {strides = array<i32>} : memref<8x128xf32, #tpu.memory_space<vmem>>, vector<1x16xf32>,
      %get3A_720 = arith.constant 4 : i32
      %get3A_721 = arith.index_cast %get3A_720 : i32 to index
      %get3A_722 = arith.constant 32 : index
      %get3A_723 = tpu.vector_load %arg7[%get3A_721, %get3A_722] {strides = array<i32>} : memref<8x128xf32, #tpu.memory_space<vmem>>, vector<1x16xf32>,
      %get3A_724 = vector.shape_cast %get3A_723 : vector<1x16xf32> to vector<16xf32>
      %mul3A_725 = arith.constant 0.10599979 : f32
      %mul3A_726 = vector.broadcast %mul3A_725 : f32 to vector<16xf32>
      %mul3A_727 = arith.mulf %get3A_724, %mul3A_726 : vector<16xf32>
      %swap3A_728 = arith.constant 4 : i32
      %swap3A_729 = arith.index_cast %swap3A_728 : i32 to index
      %swap3A_730 = arith.constant 32 : index
      %swap3A_731 = tpu.vector_load %arg7[%swap3A_729, %swap3A_730] {strides = array<i32>} : memref<8x128xf32, #tpu.memory_space<vmem>>, vector<1x16xf32>,
      %swap3A_732 = vector.shape_cast %swap3A_731 : vector<1x16xf32> to vector<16xf32>
      %swap3A_733 = vector.shape_cast %mul3A_727 : vector<16xf32> to vector<1x16xf32>
      tpu.vector_store %arg7[%swap3A_729, %swap3A_730], %swap3A_733 {strides = array<i32>} : memref<8x128xf32, #tpu.memory_space<vmem>>, vector<1x16xf32>,
      %get3A_734 = arith.constant 4 : i32
      %get3A_735 = arith.index_cast %get3A_734 : i32 to index
      %get3A_736 = arith.constant 48 : index
      %get3A_737 = tpu.vector_load %arg7[%get3A_735, %get3A_736] {strides = array<i32>} : memref<8x128xf32, #tpu.memory_space<vmem>>, vector<1x16xf32>,
      %get3A_738 = vector.shape_cast %get3A_737 : vector<1x16xf32> to vector<16xf32>
      %mul3A_739 = arith.constant 0.10599979 : f32
      %mul3A_740 = vector.broadcast %mul3A_739 : f32 to vector<16xf32>
      %mul3A_741 = arith.mulf %get3A_738, %mul3A_740 : vector<16xf32>
      %swap3A_742 = arith.constant 4 : i32
      %swap3A_743 = arith.index_cast %swap3A_742 : i32 to index
      %swap3A_744 = arith.constant 48 : index
      %swap3A_745 = tpu.vector_load %arg7[%swap3A_743, %swap3A_744] {strides = array<i32>} : memref<8x128xf32, #tpu.memory_space<vmem>>, vector<1x16xf32>,
      %swap3A_746 = vector.shape_cast %swap3A_745 : vector<1x16xf32> to vector<16xf32>
      %swap3A_747 = vector.shape_cast %mul3A_741 : vector<16xf32> to vector<1x16xf32>
      tpu.vector_store %arg7[%swap3A_743, %swap3A_744], %swap3A_747 {strides = array<i32>} : memref<8x128xf32, #tpu.memory_space<vmem>>, vector<1x16xf32>,
      %get3A_748 = arith.constant 4 : i32
      %get3A_749 = arith.index_cast %get3A_748 : i32 to index
      %get3A_750 = arith.constant 64 : index
      %get3A_751 = tpu.vector_load %arg7[%get3A_749, %get3A_750] {strides = array<i32>} : memref<8x128xf32, #tpu.memory_space<vmem>>, vector<1x16xf32>,
      %get3A_752 = vector.shape_cast %get3A_751 : vector<1x16xf32> to vector<16xf32>
      %mul3A_753 = arith.constant 0.10599979 : f32
      %mul3A_754 = vector.broadcast %mul3A_753 : f32 to vector<16xf32>
      %mul3A_755 = arith.mulf %get3A_752, %mul3A_754 : vector<16xf32>
      %swap3A_756 = arith.constant 4 : i32
      %swap3A_757 = arith.index_cast %swap3A_756 : i32 to index
      %swap3A_758 = arith.constant 64 : index
      %swap3A_759 = tpu.vector_load %arg7[%swap3A_757, %swap3A_758] {strides = array<i32>} : memref<8x128xf32, #tpu.memory_space<vmem>>, vector<1x16xf32>,
      %swap3A_760 = vector.shape_cast %swap3A_759 : vector<1x16xf32> to vector<16xf32>
      %swap3A_761 = vector.shape_cast %mul3A_755 : vector<16xf32> to vector<1x16xf32>
      tpu.vector_store %arg7[%swap3A_757, %swap3A_758], %swap3A_761 {strides = array<i32>} : memref<8x128xf32, #tpu.memory_space<vmem>>, vector<1x16xf32>,
      %get3A_762 = arith.constant 4 : i32
      %get3A_763 = arith.index_cast %get3A_762 : i32 to index
      %get3A_764 = arith.constant 80 : index
      %get3A_765 = tpu.vector_load %arg7[%get3A_763, %get3A_764] {strides = array<i32>} : memref<8x128xf32, #tpu.memory_space<vmem>>, vector<1x16xf32>,
      %get3A_766 = vector.shape_cast %get3A_765 : vector<1x16xf32> to vector<16xf32>
      %mul3A_767 = arith.constant 0.10599979 : f32
      %mul3A_768 = vector.broadcast %mul3A_767 : f32 to vector<16xf32>
      %mul3A_769 = arith.mulf %get3A_766, %mul3A_768 : vector<16xf32>
      %swap3A_770 = arith.constant 4 : i32
      %swap3A_771 = arith.index_cast %swap3A_770 : i32 to index
      %swap3A_772 = arith.constant 80 : index
      %swap3A_773 = tpu.vector_load %arg7[%swap3A_771, %swap3A_772] {strides = array<i32>} : memref<8x128xf32, #tpu.memory_space<vmem>>, vector<1x16xf32>,
      %swap3A_774 = vector.shape_cast %swap3A_773 : vector<1x16xf32> to vector<16xf32>
      %swap3A_775 = vector.shape_cast %mul3A_769 : vector<16xf32> to vector<1x16xf32>
      tpu.vector_store %arg7[%swap3A_771, %swap3A_772], %swap3A_775 {strides = array<i32>} : memref<8x128xf32, #tpu.memory_space<vmem>>, vector<1x16xf32>,
      %get3A_776 = arith.constant 4 : i32
      %get3A_777 = arith.index_cast %get3A_776 : i32 to index
      %get3A_778 = arith.constant 96 : index
      %get3A_779 = tpu.vector_load %arg7[%get3A_777, %get3A_778] {strides = array<i32>} : memref<8x128xf32, #tpu.memory_space<vmem>>, vector<1x16xf32>,
      %get3A_780 = vector.shape_cast %get3A_779 : vector<1x16xf32> to vector<16xf32>
      %mul3A_781 = arith.constant 0.10599979 : f32
      %mul3A_782 = vector.broadcast %mul3A_781 : f32 to vector<16xf32>
      %mul3A_783 = arith.mulf %get3A_780, %mul3A_782 : vector<16xf32>
      %swap3A_784 = arith.constant 4 : i32
      %swap3A_785 = arith.index_cast %swap3A_784 : i32 to index
      %swap3A_786 = arith.constant 96 : index
      %swap3A_787 = tpu.vector_load %arg7[%swap3A_785, %swap3A_786] {strides = array<i32>} : memref<8x128xf32, #tpu.memory_space<vmem>>, vector<1x16xf32>,
      %swap3A_788 = vector.shape_cast %swap3A_787 : vector<1x16xf32> to vector<16xf32>
      %swap3A_789 = vector.shape_cast %mul3A_783 : vector<16xf32> to vector<1x16xf32>
      tpu.vector_store %arg7[%swap3A_785, %swap3A_786], %swap3A_789 {strides = array<i32>} : memref<8x128xf32, #tpu.memory_space<vmem>>, vector<1x16xf32>,
      %get3A_790 = arith.constant 4 : i32
      %get3A_791 = arith.index_cast %get3A_790 : i32 to index
      %get3A_792 = arith.constant 112 : index
      %get3A_793 = tpu.vector_load %arg7[%get3A_791, %get3A_792] {strides = array<i32>} : memref<8x128xf32, #tpu.memory_space<vmem>>, vector<1x16xf32>,
      %get3A_794 = vector.shape_cast %get3A_793 : vector<1x16xf32> to vector<16xf32>
      %mul3A_795 = arith.constant 0.10599979 : f32
      %mul3A_796 = vector.broadcast %mul3A_795 : f32 to vector<16xf32>
      %mul3A_797 = arith.mulf %get3A_794, %mul3A_796 : vector<16xf32>
      %swap3A_798 = arith.constant 4 : i32
      %swap3A_799 = arith.index_cast %swap3A_798 : i32 to index
      %swap3A_800 = arith.constant 112 : index
      %swap3A_801 = tpu.vector_load %arg7[%swap3A_799, %swap3A_800] {strides = array<i32>} : memref<8x128xf32, #tpu.memory_space<vmem>>, vector<1x16xf32>,
      %swap3A_802 = vector.shape_cast %swap3A_801 : vector<1x16xf32> to vector<16xf32>
      %swap3A_803 = vector.shape_cast %mul3A_797 : vector<16xf32> to vector<1x16xf32>
      tpu.vector_store %arg7[%swap3A_799, %swap3A_800], %swap3A_803 {strides = array<i32>} : memref<8x128xf32, #tpu.memory_space<vmem>>, vector<1x16xf32>,
      %get3A_804 = arith.constant 5 : i32
      %get3A_805 = arith.index_cast %get3A_804 : i32 to index
      %get3A_806 = arith.constant 0 : index
      %get3A_807 = tpu.vector_load %arg7[%get3A_805, %get3A_806] {strides = array<i32>} : memref<8x128xf32, #tpu.memory_space<vmem>>, vector<1x16xf32>,
      %get3A_808 = vector.shape_cast %get3A_807 : vector<1x16xf32> to vector<16xf32>
      %mul3A_809 = arith.constant 0.10599979 : f32
      %mul3A_810 = vector.broadcast %mul3A_809 : f32 to vector<16xf32>
      %mul3A_811 = arith.mulf %get3A_808, %mul3A_810 : vector<16xf32>
      %swap3A_812 = arith.constant 5 : i32
      %swap3A_813 = arith.index_cast %swap3A_812 : i32 to index
      %swap3A_814 = arith.constant 0 : index
      %swap3A_815 = tpu.vector_load %arg7[%swap3A_813, %swap3A_814] {strides = array<i32>} : memref<8x128xf32, #tpu.memory_space<vmem>>, vector<1x16xf32>,
      %swap3A_816 = vector.shape_cast %swap3A_815 : vector<1x16xf32> to vector<16xf32>
      %swap3A_817 = vector.shape_cast %mul3A_811 : vector<16xf32> to vector<1x16xf32>
      tpu.vector_store %arg7[%swap3A_813, %swap3A_814], %swap3A_817 {strides = array<i32>} : memref<8x128xf32, #tpu.memory_space<vmem>>, vector<1x16xf32>,
      %get3A_818 = arith.constant 5 : i32
      %get3A_819 = arith.index_cast %get3A_818 : i32 to index
      %get3A_820 = arith.constant 16 : index
      %get3A_821 = tpu.vector_load %arg7[%get3A_819, %get3A_820] {strides = array<i32>} : memref<8x128xf32, #tpu.memory_space<vmem>>, vector<1x16xf32>,
      %get3A_822 = vector.shape_cast %get3A_821 : vector<1x16xf32> to vector<16xf32>
      %mul3A_823 = arith.constant 0.10599979 : f32
      %mul3A_824 = vector.broadcast %mul3A_823 : f32 to vector<16xf32>
      %mul3A_825 = arith.mulf %get3A_822, %mul3A_824 : vector<16xf32>
      %swap3A_826 = arith.constant 5 : i32
      %swap3A_827 = arith.index_cast %swap3A_826 : i32 to index
      %swap3A_828 = arith.constant 16 : index
      %swap3A_829 = tpu.vector_load %arg7[%swap3A_827, %swap3A_828] {strides = array<i32>} : memref<8x128xf32, #tpu.memory_space<vmem>>, vector<1x16xf32>,
      %swap3A_830 = vector.shape_cast %swap3A_829 : vector<1x16xf32> to vector<16xf32>
      %swap3A_831 = vector.shape_cast %mul3A_825 : vector<16xf32> to vector<1x16xf32>
      tpu.vector_store %arg7[%swap3A_827, %swap3A_828], %swap3A_831 {strides = array<i32>} : memref<8x128xf32, #tpu.memory_space<vmem>>, vector<1x16xf32>,
      %get3A_832 = arith.constant 5 : i32
      %get3A_833 = arith.index_cast %get3A_832 : i32 to index
      %get3A_834 = arith.constant 32 : index
      %get3A_835 = tpu.vector_load %arg7[%get3A_833, %get3A_834] {strides = array<i32>} : memref<8x128xf32, #tpu.memory_space<vmem>>, vector<1x16xf32>,
      %get3A_836 = vector.shape_cast %get3A_835 : vector<1x16xf32> to vector<16xf32>
      %mul3A_837 = arith.constant 0.10599979 : f32
      %mul3A_838 = vector.broadcast %mul3A_837 : f32 to vector<16xf32>
      %mul3A_839 = arith.mulf %get3A_836, %mul3A_838 : vector<16xf32>
      %swap3A_840 = arith.constant 5 : i32
      %swap3A_841 = arith.index_cast %swap3A_840 : i32 to index
      %swap3A_842 = arith.constant 32 : index
      %swap3A_843 = tpu.vector_load %arg7[%swap3A_841, %swap3A_842] {strides = array<i32>} : memref<8x128xf32, #tpu.memory_space<vmem>>, vector<1x16xf32>,
      %swap3A_844 = vector.shape_cast %swap3A_843 : vector<1x16xf32> to vector<16xf32>
      %swap3A_845 = vector.shape_cast %mul3A_839 : vector<16xf32> to vector<1x16xf32>
      tpu.vector_store %arg7[%swap3A_841, %swap3A_842], %swap3A_845 {strides = array<i32>} : memref<8x128xf32, #tpu.memory_space<vmem>>, vector<1x16xf32>,
      %get3A_846 = arith.constant 5 : i32
      %get3A_847 = arith.index_cast %get3A_846 : i32 to index
      %get3A_848 = arith.constant 48 : index
      %get3A_849 = tpu.vector_load %arg7[%get3A_847, %get3A_848] {strides = array<i32>} : memref<8x128xf32, #tpu.memory_space<vmem>>, vector<1x16xf32>,
      %get3A_850 = vector.shape_cast %get3A_849 : vector<1x16xf32> to vector<16xf32>
      %mul3A_851 = arith.constant 0.10599979 : f32
      %mul3A_852 = vector.broadcast %mul3A_851 : f32 to vector<16xf32>
      %mul3A_853 = arith.mulf %get3A_850, %mul3A_852 : vector<16xf32>
      %swap3A_854 = arith.constant 5 : i32
      %swap3A_855 = arith.index_cast %swap3A_854 : i32 to index
      %swap3A_856 = arith.constant 48 : index
      %swap3A_857 = tpu.vector_load %arg7[%swap3A_855, %swap3A_856] {strides = array<i32>} : memref<8x128xf32, #tpu.memory_space<vmem>>, vector<1x16xf32>,
      %swap3A_858 = vector.shape_cast %swap3A_857 : vector<1x16xf32> to vector<16xf32>
      %swap3A_859 = vector.shape_cast %mul3A_853 : vector<16xf32> to vector<1x16xf32>
      tpu.vector_store %arg7[%swap3A_855, %swap3A_856], %swap3A_859 {strides = array<i32>} : memref<8x128xf32, #tpu.memory_space<vmem>>, vector<1x16xf32>,
      %get3A_860 = arith.constant 5 : i32
      %get3A_861 = arith.index_cast %get3A_860 : i32 to index
      %get3A_862 = arith.constant 64 : index
      %get3A_863 = tpu.vector_load %arg7[%get3A_861, %get3A_862] {strides = array<i32>} : memref<8x128xf32, #tpu.memory_space<vmem>>, vector<1x16xf32>,
      %get3A_864 = vector.shape_cast %get3A_863 : vector<1x16xf32> to vector<16xf32>
      %mul3A_865 = arith.constant 0.10599979 : f32
      %mul3A_866 = vector.broadcast %mul3A_865 : f32 to vector<16xf32>
      %mul3A_867 = arith.mulf %get3A_864, %mul3A_866 : vector<16xf32>
      %swap3A_868 = arith.constant 5 : i32
      %swap3A_869 = arith.index_cast %swap3A_868 : i32 to index
      %swap3A_870 = arith.constant 64 : index
      %swap3A_871 = tpu.vector_load %arg7[%swap3A_869, %swap3A_870] {strides = array<i32>} : memref<8x128xf32, #tpu.memory_space<vmem>>, vector<1x16xf32>,
      %swap3A_872 = vector.shape_cast %swap3A_871 : vector<1x16xf32> to vector<16xf32>
      %swap3A_873 = vector.shape_cast %mul3A_867 : vector<16xf32> to vector<1x16xf32>
      tpu.vector_store %arg7[%swap3A_869, %swap3A_870], %swap3A_873 {strides = array<i32>} : memref<8x128xf32, #tpu.memory_space<vmem>>, vector<1x16xf32>,
      %get3A_874 = arith.constant 5 : i32
      %get3A_875 = arith.index_cast %get3A_874 : i32 to index
      %get3A_876 = arith.constant 80 : index
      %get3A_877 = tpu.vector_load %arg7[%get3A_875, %get3A_876] {strides = array<i32>} : memref<8x128xf32, #tpu.memory_space<vmem>>, vector<1x16xf32>,
      %get3A_878 = vector.shape_cast %get3A_877 : vector<1x16xf32> to vector<16xf32>
      %mul3A_879 = arith.constant 0.10599979 : f32
      %mul3A_880 = vector.broadcast %mul3A_879 : f32 to vector<16xf32>
      %mul3A_881 = arith.mulf %get3A_878, %mul3A_880 : vector<16xf32>
      %swap3A_882 = arith.constant 5 : i32
      %swap3A_883 = arith.index_cast %swap3A_882 : i32 to index
      %swap3A_884 = arith.constant 80 : index
      %swap3A_885 = tpu.vector_load %arg7[%swap3A_883, %swap3A_884] {strides = array<i32>} : memref<8x128xf32, #tpu.memory_space<vmem>>, vector<1x16xf32>,
      %swap3A_886 = vector.shape_cast %swap3A_885 : vector<1x16xf32> to vector<16xf32>
      %swap3A_887 = vector.shape_cast %mul3A_881 : vector<16xf32> to vector<1x16xf32>
      tpu.vector_store %arg7[%swap3A_883, %swap3A_884], %swap3A_887 {strides = array<i32>} : memref<8x128xf32, #tpu.memory_space<vmem>>, vector<1x16xf32>,
      %get3A_888 = arith.constant 5 : i32
      %get3A_889 = arith.index_cast %get3A_888 : i32 to index
      %get3A_890 = arith.constant 96 : index
      %get3A_891 = tpu.vector_load %arg7[%get3A_889, %get3A_890] {strides = array<i32>} : memref<8x128xf32, #tpu.memory_space<vmem>>, vector<1x16xf32>,
      %get3A_892 = vector.shape_cast %get3A_891 : vector<1x16xf32> to vector<16xf32>
      %mul3A_893 = arith.constant 0.10599979 : f32
      %mul3A_894 = vector.broadcast %mul3A_893 : f32 to vector<16xf32>
      %mul3A_895 = arith.mulf %get3A_892, %mul3A_894 : vector<16xf32>
      %swap3A_896 = arith.constant 5 : i32
      %swap3A_897 = arith.index_cast %swap3A_896 : i32 to index
      %swap3A_898 = arith.constant 96 : index
      %swap3A_899 = tpu.vector_load %arg7[%swap3A_897, %swap3A_898] {strides = array<i32>} : memref<8x128xf32, #tpu.memory_space<vmem>>, vector<1x16xf32>,
      %swap3A_900 = vector.shape_cast %swap3A_899 : vector<1x16xf32> to vector<16xf32>
      %swap3A_901 = vector.shape_cast %mul3A_895 : vector<16xf32> to vector<1x16xf32>
      tpu.vector_store %arg7[%swap3A_897, %swap3A_898], %swap3A_901 {strides = array<i32>} : memref<8x128xf32, #tpu.memory_space<vmem>>, vector<1x16xf32>,
      %get3A_902 = arith.constant 5 : i32
      %get3A_903 = arith.index_cast %get3A_902 : i32 to index
      %get3A_904 = arith.constant 112 : index
      %get3A_905 = tpu.vector_load %arg7[%get3A_903, %get3A_904] {strides = array<i32>} : memref<8x128xf32, #tpu.memory_space<vmem>>, vector<1x16xf32>,
      %get3A_906 = vector.shape_cast %get3A_905 : vector<1x16xf32> to vector<16xf32>
      %mul3A_907 = arith.constant 0.10599979 : f32
      %mul3A_908 = vector.broadcast %mul3A_907 : f32 to vector<16xf32>
      %mul3A_909 = arith.mulf %get3A_906, %mul3A_908 : vector<16xf32>
      %swap3A_910 = arith.constant 5 : i32
      %swap3A_911 = arith.index_cast %swap3A_910 : i32 to index
      %swap3A_912 = arith.constant 112 : index
      %swap3A_913 = tpu.vector_load %arg7[%swap3A_911, %swap3A_912] {strides = array<i32>} : memref<8x128xf32, #tpu.memory_space<vmem>>, vector<1x16xf32>,
      %swap3A_914 = vector.shape_cast %swap3A_913 : vector<1x16xf32> to vector<16xf32>
      %swap3A_915 = vector.shape_cast %mul3A_909 : vector<16xf32> to vector<1x16xf32>
      tpu.vector_store %arg7[%swap3A_911, %swap3A_912], %swap3A_915 {strides = array<i32>} : memref<8x128xf32, #tpu.memory_space<vmem>>, vector<1x16xf32>,
      %get3A_916 = arith.constant 6 : i32
      %get3A_917 = arith.index_cast %get3A_916 : i32 to index
      %get3A_918 = arith.constant 0 : index
      %get3A_919 = tpu.vector_load %arg7[%get3A_917, %get3A_918] {strides = array<i32>} : memref<8x128xf32, #tpu.memory_space<vmem>>, vector<1x16xf32>,
      %get3A_920 = vector.shape_cast %get3A_919 : vector<1x16xf32> to vector<16xf32>
      %mul3A_921 = arith.constant 0.10599979 : f32
      %mul3A_922 = vector.broadcast %mul3A_921 : f32 to vector<16xf32>
      %mul3A_923 = arith.mulf %get3A_920, %mul3A_922 : vector<16xf32>
      %swap3A_924 = arith.constant 6 : i32
      %swap3A_925 = arith.index_cast %swap3A_924 : i32 to index
      %swap3A_926 = arith.constant 0 : index
      %swap3A_927 = tpu.vector_load %arg7[%swap3A_925, %swap3A_926] {strides = array<i32>} : memref<8x128xf32, #tpu.memory_space<vmem>>, vector<1x16xf32>,
      %swap3A_928 = vector.shape_cast %swap3A_927 : vector<1x16xf32> to vector<16xf32>
      %swap3A_929 = vector.shape_cast %mul3A_923 : vector<16xf32> to vector<1x16xf32>
      tpu.vector_store %arg7[%swap3A_925, %swap3A_926], %swap3A_929 {strides = array<i32>} : memref<8x128xf32, #tpu.memory_space<vmem>>, vector<1x16xf32>,
      %get3A_930 = arith.constant 6 : i32
      %get3A_931 = arith.index_cast %get3A_930 : i32 to index
      %get3A_932 = arith.constant 16 : index
      %get3A_933 = tpu.vector_load %arg7[%get3A_931, %get3A_932] {strides = array<i32>} : memref<8x128xf32, #tpu.memory_space<vmem>>, vector<1x16xf32>,
      %get3A_934 = vector.shape_cast %get3A_933 : vector<1x16xf32> to vector<16xf32>
      %mul3A_935 = arith.constant 0.10599979 : f32
      %mul3A_936 = vector.broadcast %mul3A_935 : f32 to vector<16xf32>
      %mul3A_937 = arith.mulf %get3A_934, %mul3A_936 : vector<16xf32>
      %swap3A_938 = arith.constant 6 : i32
      %swap3A_939 = arith.index_cast %swap3A_938 : i32 to index
      %swap3A_940 = arith.constant 16 : index
      %swap3A_941 = tpu.vector_load %arg7[%swap3A_939, %swap3A_940] {strides = array<i32>} : memref<8x128xf32, #tpu.memory_space<vmem>>, vector<1x16xf32>,
      %swap3A_942 = vector.shape_cast %swap3A_941 : vector<1x16xf32> to vector<16xf32>
      %swap3A_943 = vector.shape_cast %mul3A_937 : vector<16xf32> to vector<1x16xf32>
      tpu.vector_store %arg7[%swap3A_939, %swap3A_940], %swap3A_943 {strides = array<i32>} : memref<8x128xf32, #tpu.memory_space<vmem>>, vector<1x16xf32>,
      %get3A_944 = arith.constant 6 : i32
      %get3A_945 = arith.index_cast %get3A_944 : i32 to index
      %get3A_946 = arith.constant 32 : index
      %get3A_947 = tpu.vector_load %arg7[%get3A_945, %get3A_946] {strides = array<i32>} : memref<8x128xf32, #tpu.memory_space<vmem>>, vector<1x16xf32>,
      %get3A_948 = vector.shape_cast %get3A_947 : vector<1x16xf32> to vector<16xf32>
      %mul3A_949 = arith.constant 0.10599979 : f32
      %mul3A_950 = vector.broadcast %mul3A_949 : f32 to vector<16xf32>
      %mul3A_951 = arith.mulf %get3A_948, %mul3A_950 : vector<16xf32>
      %swap3A_952 = arith.constant 6 : i32
      %swap3A_953 = arith.index_cast %swap3A_952 : i32 to index
      %swap3A_954 = arith.constant 32 : index
      %swap3A_955 = tpu.vector_load %arg7[%swap3A_953, %swap3A_954] {strides = array<i32>} : memref<8x128xf32, #tpu.memory_space<vmem>>, vector<1x16xf32>,
      %swap3A_956 = vector.shape_cast %swap3A_955 : vector<1x16xf32> to vector<16xf32>
      %swap3A_957 = vector.shape_cast %mul3A_951 : vector<16xf32> to vector<1x16xf32>
      tpu.vector_store %arg7[%swap3A_953, %swap3A_954], %swap3A_957 {strides = array<i32>} : memref<8x128xf32, #tpu.memory_space<vmem>>, vector<1x16xf32>,
      %get3A_958 = arith.constant 6 : i32
      %get3A_959 = arith.index_cast %get3A_958 : i32 to index
      %get3A_960 = arith.constant 48 : index
      %get3A_961 = tpu.vector_load %arg7[%get3A_959, %get3A_960] {strides = array<i32>} : memref<8x128xf32, #tpu.memory_space<vmem>>, vector<1x16xf32>,
      %get3A_962 = vector.shape_cast %get3A_961 : vector<1x16xf32> to vector<16xf32>
      %mul3A_963 = arith.constant 0.10599979 : f32
      %mul3A_964 = vector.broadcast %mul3A_963 : f32 to vector<16xf32>
      %mul3A_965 = arith.mulf %get3A_962, %mul3A_964 : vector<16xf32>
      %swap3A_966 = arith.constant 6 : i32
      %swap3A_967 = arith.index_cast %swap3A_966 : i32 to index
      %swap3A_968 = arith.constant 48 : index
      %swap3A_969 = tpu.vector_load %arg7[%swap3A_967, %swap3A_968] {strides = array<i32>} : memref<8x128xf32, #tpu.memory_space<vmem>>, vector<1x16xf32>,
      %swap3A_970 = vector.shape_cast %swap3A_969 : vector<1x16xf32> to vector<16xf32>
      %swap3A_971 = vector.shape_cast %mul3A_965 : vector<16xf32> to vector<1x16xf32>
      tpu.vector_store %arg7[%swap3A_967, %swap3A_968], %swap3A_971 {strides = array<i32>} : memref<8x128xf32, #tpu.memory_space<vmem>>, vector<1x16xf32>,
      %get3A_972 = arith.constant 6 : i32
      %get3A_973 = arith.index_cast %get3A_972 : i32 to index
      %get3A_974 = arith.constant 64 : index
      %get3A_975 = tpu.vector_load %arg7[%get3A_973, %get3A_974] {strides = array<i32>} : memref<8x128xf32, #tpu.memory_space<vmem>>, vector<1x16xf32>,
      %get3A_976 = vector.shape_cast %get3A_975 : vector<1x16xf32> to vector<16xf32>
      %mul3A_977 = arith.constant 0.10599979 : f32
      %mul3A_978 = vector.broadcast %mul3A_977 : f32 to vector<16xf32>
      %mul3A_979 = arith.mulf %get3A_976, %mul3A_978 : vector<16xf32>
      %swap3A_980 = arith.constant 6 : i32
      %swap3A_981 = arith.index_cast %swap3A_980 : i32 to index
      %swap3A_982 = arith.constant 64 : index
      %swap3A_983 = tpu.vector_load %arg7[%swap3A_981, %swap3A_982] {strides = array<i32>} : memref<8x128xf32, #tpu.memory_space<vmem>>, vector<1x16xf32>,
      %swap3A_984 = vector.shape_cast %swap3A_983 : vector<1x16xf32> to vector<16xf32>
      %swap3A_985 = vector.shape_cast %mul3A_979 : vector<16xf32> to vector<1x16xf32>
      tpu.vector_store %arg7[%swap3A_981, %swap3A_982], %swap3A_985 {strides = array<i32>} : memref<8x128xf32, #tpu.memory_space<vmem>>, vector<1x16xf32>,
      %get3A_986 = arith.constant 6 : i32
      %get3A_987 = arith.index_cast %get3A_986 : i32 to index
      %get3A_988 = arith.constant 80 : index
      %get3A_989 = tpu.vector_load %arg7[%get3A_987, %get3A_988] {strides = array<i32>} : memref<8x128xf32, #tpu.memory_space<vmem>>, vector<1x16xf32>,
      %get3A_990 = vector.shape_cast %get3A_989 : vector<1x16xf32> to vector<16xf32>
      %mul3A_991 = arith.constant 0.10599979 : f32
      %mul3A_992 = vector.broadcast %mul3A_991 : f32 to vector<16xf32>
      %mul3A_993 = arith.mulf %get3A_990, %mul3A_992 : vector<16xf32>
      %swap3A_994 = arith.constant 6 : i32
      %swap3A_995 = arith.index_cast %swap3A_994 : i32 to index
      %swap3A_996 = arith.constant 80 : index
      %swap3A_997 = tpu.vector_load %arg7[%swap3A_995, %swap3A_996] {strides = array<i32>} : memref<8x128xf32, #tpu.memory_space<vmem>>, vector<1x16xf32>,
      %swap3A_998 = vector.shape_cast %swap3A_997 : vector<1x16xf32> to vector<16xf32>
      %swap3A_999 = vector.shape_cast %mul3A_993 : vector<16xf32> to vector<1x16xf32>
      tpu.vector_store %arg7[%swap3A_995, %swap3A_996], %swap3A_999 {strides = array<i32>} : memref<8x128xf32, #tpu.memory_space<vmem>>, vector<1x16xf32>,
      %get3A_1000 = arith.constant 6 : i32
      %get3A_1001 = arith.index_cast %get3A_1000 : i32 to index
      %get3A_1002 = arith.constant 96 : index
      %get3A_1003 = tpu.vector_load %arg7[%get3A_1001, %get3A_1002] {strides = array<i32>} : memref<8x128xf32, #tpu.memory_space<vmem>>, vector<1x16xf32>,
      %get3A_1004 = vector.shape_cast %get3A_1003 : vector<1x16xf32> to vector<16xf32>
      %mul3A_1005 = arith.constant 0.10599979 : f32
      %mul3A_1006 = vector.broadcast %mul3A_1005 : f32 to vector<16xf32>
      %mul3A_1007 = arith.mulf %get3A_1004, %mul3A_1006 : vector<16xf32>
      %swap3A_1008 = arith.constant 6 : i32
      %swap3A_1009 = arith.index_cast %swap3A_1008 : i32 to index
      %swap3A_1010 = arith.constant 96 : index
      %swap3A_1011 = tpu.vector_load %arg7[%swap3A_1009, %swap3A_1010] {strides = array<i32>} : memref<8x128xf32, #tpu.memory_space<vmem>>, vector<1x16xf32>,
      %swap3A_1012 = vector.shape_cast %swap3A_1011 : vector<1x16xf32> to vector<16xf32>
      %swap3A_1013 = vector.shape_cast %mul3A_1007 : vector<16xf32> to vector<1x16xf32>
      tpu.vector_store %arg7[%swap3A_1009, %swap3A_1010], %swap3A_1013 {strides = array<i32>} : memref<8x128xf32, #tpu.memory_space<vmem>>, vector<1x16xf32>,
      %get3A_1014 = arith.constant 6 : i32
      %get3A_1015 = arith.index_cast %get3A_1014 : i32 to index
      %get3A_1016 = arith.constant 112 : index
      %get3A_1017 = tpu.vector_load %arg7[%get3A_1015, %get3A_1016] {strides = array<i32>} : memref<8x128xf32, #tpu.memory_space<vmem>>, vector<1x16xf32>,
      %get3A_1018 = vector.shape_cast %get3A_1017 : vector<1x16xf32> to vector<16xf32>
      %mul3A_1019 = arith.constant 0.10599979 : f32
      %mul3A_1020 = vector.broadcast %mul3A_1019 : f32 to vector<16xf32>
      %mul3A_1021 = arith.mulf %get3A_1018, %mul3A_1020 : vector<16xf32>
      %swap3A_1022 = arith.constant 6 : i32
      %swap3A_1023 = arith.index_cast %swap3A_1022 : i32 to index
      %swap3A_1024 = arith.constant 112 : index
      %swap3A_1025 = tpu.vector_load %arg7[%swap3A_1023, %swap3A_1024] {strides = array<i32>} : memref<8x128xf32, #tpu.memory_space<vmem>>, vector<1x16xf32>,
      %swap3A_1026 = vector.shape_cast %swap3A_1025 : vector<1x16xf32> to vector<16xf32>
      %swap3A_1027 = vector.shape_cast %mul3A_1021 : vector<16xf32> to vector<1x16xf32>
      tpu.vector_store %arg7[%swap3A_1023, %swap3A_1024], %swap3A_1027 {strides = array<i32>} : memref<8x128xf32, #tpu.memory_space<vmem>>, vector<1x16xf32>,
      %get3A_1028 = arith.constant 7 : i32
      %get3A_1029 = arith.index_cast %get3A_1028 : i32 to index
      %get3A_1030 = arith.constant 0 : index
      %get3A_1031 = tpu.vector_load %arg7[%get3A_1029, %get3A_1030] {strides = array<i32>} : memref<8x128xf32, #tpu.memory_space<vmem>>, vector<1x16xf32>,
      %get3A_1032 = vector.shape_cast %get3A_1031 : vector<1x16xf32> to vector<16xf32>
      %mul3A_1033 = arith.constant 0.10599979 : f32
      %mul3A_1034 = vector.broadcast %mul3A_1033 : f32 to vector<16xf32>
      %mul3A_1035 = arith.mulf %get3A_1032, %mul3A_1034 : vector<16xf32>
      %swap3A_1036 = arith.constant 7 : i32
      %swap3A_1037 = arith.index_cast %swap3A_1036 : i32 to index
      %swap3A_1038 = arith.constant 0 : index
      %swap3A_1039 = tpu.vector_load %arg7[%swap3A_1037, %swap3A_1038] {strides = array<i32>} : memref<8x128xf32, #tpu.memory_space<vmem>>, vector<1x16xf32>,
      %swap3A_1040 = vector.shape_cast %swap3A_1039 : vector<1x16xf32> to vector<16xf32>
      %swap3A_1041 = vector.shape_cast %mul3A_1035 : vector<16xf32> to vector<1x16xf32>
      tpu.vector_store %arg7[%swap3A_1037, %swap3A_1038], %swap3A_1041 {strides = array<i32>} : memref<8x128xf32, #tpu.memory_space<vmem>>, vector<1x16xf32>,
      %get3A_1042 = arith.constant 7 : i32
      %get3A_1043 = arith.index_cast %get3A_1042 : i32 to index
      %get3A_1044 = arith.constant 16 : index
      %get3A_1045 = tpu.vector_load %arg7[%get3A_1043, %get3A_1044] {strides = array<i32>} : memref<8x128xf32, #tpu.memory_space<vmem>>, vector<1x16xf32>,
      %get3A_1046 = vector.shape_cast %get3A_1045 : vector<1x16xf32> to vector<16xf32>
      %mul3A_1047 = arith.constant 0.10599979 : f32
      %mul3A_1048 = vector.broadcast %mul3A_1047 : f32 to vector<16xf32>
      %mul3A_1049 = arith.mulf %get3A_1046, %mul3A_1048 : vector<16xf32>
      %swap3A_1050 = arith.constant 7 : i32
      %swap3A_1051 = arith.index_cast %swap3A_1050 : i32 to index
      %swap3A_1052 = arith.constant 16 : index
      %swap3A_1053 = tpu.vector_load %arg7[%swap3A_1051, %swap3A_1052] {strides = array<i32>} : memref<8x128xf32, #tpu.memory_space<vmem>>, vector<1x16xf32>,
      %swap3A_1054 = vector.shape_cast %swap3A_1053 : vector<1x16xf32> to vector<16xf32>
      %swap3A_1055 = vector.shape_cast %mul3A_1049 : vector<16xf32> to vector<1x16xf32>
      tpu.vector_store %arg7[%swap3A_1051, %swap3A_1052], %swap3A_1055 {strides = array<i32>} : memref<8x128xf32, #tpu.memory_space<vmem>>, vector<1x16xf32>,
      %get3A_1056 = arith.constant 7 : i32
      %get3A_1057 = arith.index_cast %get3A_1056 : i32 to index
      %get3A_1058 = arith.constant 32 : index
      %get3A_1059 = tpu.vector_load %arg7[%get3A_1057, %get3A_1058] {strides = array<i32>} : memref<8x128xf32, #tpu.memory_space<vmem>>, vector<1x16xf32>,
      %get3A_1060 = vector.shape_cast %get3A_1059 : vector<1x16xf32> to vector<16xf32>
      %mul3A_1061 = arith.constant 0.10599979 : f32
      %mul3A_1062 = vector.broadcast %mul3A_1061 : f32 to vector<16xf32>
      %mul3A_1063 = arith.mulf %get3A_1060, %mul3A_1062 : vector<16xf32>
      %swap3A_1064 = arith.constant 7 : i32
      %swap3A_1065 = arith.index_cast %swap3A_1064 : i32 to index
      %swap3A_1066 = arith.constant 32 : index
      %swap3A_1067 = tpu.vector_load %arg7[%swap3A_1065, %swap3A_1066] {strides = array<i32>} : memref<8x128xf32, #tpu.memory_space<vmem>>, vector<1x16xf32>,
      %swap3A_1068 = vector.shape_cast %swap3A_1067 : vector<1x16xf32> to vector<16xf32>
      %swap3A_1069 = vector.shape_cast %mul3A_1063 : vector<16xf32> to vector<1x16xf32>
      tpu.vector_store %arg7[%swap3A_1065, %swap3A_1066], %swap3A_1069 {strides = array<i32>} : memref<8x128xf32, #tpu.memory_space<vmem>>, vector<1x16xf32>,
      %get3A_1070 = arith.constant 7 : i32
      %get3A_1071 = arith.index_cast %get3A_1070 : i32 to index
      %get3A_1072 = arith.constant 48 : index
      %get3A_1073 = tpu.vector_load %arg7[%get3A_1071, %get3A_1072] {strides = array<i32>} : memref<8x128xf32, #tpu.memory_space<vmem>>, vector<1x16xf32>,
      %get3A_1074 = vector.shape_cast %get3A_1073 : vector<1x16xf32> to vector<16xf32>
      %mul3A_1075 = arith.constant 0.10599979 : f32
      %mul3A_1076 = vector.broadcast %mul3A_1075 : f32 to vector<16xf32>
      %mul3A_1077 = arith.mulf %get3A_1074, %mul3A_1076 : vector<16xf32>
      %swap3A_1078 = arith.constant 7 : i32
      %swap3A_1079 = arith.index_cast %swap3A_1078 : i32 to index
      %swap3A_1080 = arith.constant 48 : index
      %swap3A_1081 = tpu.vector_load %arg7[%swap3A_1079, %swap3A_1080] {strides = array<i32>} : memref<8x128xf32, #tpu.memory_space<vmem>>, vector<1x16xf32>,
      %swap3A_1082 = vector.shape_cast %swap3A_1081 : vector<1x16xf32> to vector<16xf32>
      %swap3A_1083 = vector.shape_cast %mul3A_1077 : vector<16xf32> to vector<1x16xf32>
      tpu.vector_store %arg7[%swap3A_1079, %swap3A_1080], %swap3A_1083 {strides = array<i32>} : memref<8x128xf32, #tpu.memory_space<vmem>>, vector<1x16xf32>,
      %get3A_1084 = arith.constant 7 : i32
      %get3A_1085 = arith.index_cast %get3A_1084 : i32 to index
      %get3A_1086 = arith.constant 64 : index
      %get3A_1087 = tpu.vector_load %arg7[%get3A_1085, %get3A_1086] {strides = array<i32>} : memref<8x128xf32, #tpu.memory_space<vmem>>, vector<1x16xf32>,
      %get3A_1088 = vector.shape_cast %get3A_1087 : vector<1x16xf32> to vector<16xf32>
      %mul3A_1089 = arith.constant 0.10599979 : f32
      %mul3A_1090 = vector.broadcast %mul3A_1089 : f32 to vector<16xf32>
      %mul3A_1091 = arith.mulf %get3A_1088, %mul3A_1090 : vector<16xf32>
      %swap3A_1092 = arith.constant 7 : i32
      %swap3A_1093 = arith.index_cast %swap3A_1092 : i32 to index
      %swap3A_1094 = arith.constant 64 : index
      %swap3A_1095 = tpu.vector_load %arg7[%swap3A_1093, %swap3A_1094] {strides = array<i32>} : memref<8x128xf32, #tpu.memory_space<vmem>>, vector<1x16xf32>,
      %swap3A_1096 = vector.shape_cast %swap3A_1095 : vector<1x16xf32> to vector<16xf32>
      %swap3A_1097 = vector.shape_cast %mul3A_1091 : vector<16xf32> to vector<1x16xf32>
      tpu.vector_store %arg7[%swap3A_1093, %swap3A_1094], %swap3A_1097 {strides = array<i32>} : memref<8x128xf32, #tpu.memory_space<vmem>>, vector<1x16xf32>,
      %get3A_1098 = arith.constant 7 : i32
      %get3A_1099 = arith.index_cast %get3A_1098 : i32 to index
      %get3A_1100 = arith.constant 80 : index
      %get3A_1101 = tpu.vector_load %arg7[%get3A_1099, %get3A_1100] {strides = array<i32>} : memref<8x128xf32, #tpu.memory_space<vmem>>, vector<1x16xf32>,
      %get3A_1102 = vector.shape_cast %get3A_1101 : vector<1x16xf32> to vector<16xf32>
      %mul3A_1103 = arith.constant 0.10599979 : f32
      %mul3A_1104 = vector.broadcast %mul3A_1103 : f32 to vector<16xf32>
      %mul3A_1105 = arith.mulf %get3A_1102, %mul3A_1104 : vector<16xf32>
      %swap3A_1106 = arith.constant 7 : i32
      %swap3A_1107 = arith.index_cast %swap3A_1106 : i32 to index
      %swap3A_1108 = arith.constant 80 : index
      %swap3A_1109 = tpu.vector_load %arg7[%swap3A_1107, %swap3A_1108] {strides = array<i32>} : memref<8x128xf32, #tpu.memory_space<vmem>>, vector<1x16xf32>,
      %swap3A_1110 = vector.shape_cast %swap3A_1109 : vector<1x16xf32> to vector<16xf32>
      %swap3A_1111 = vector.shape_cast %mul3A_1105 : vector<16xf32> to vector<1x16xf32>
      tpu.vector_store %arg7[%swap3A_1107, %swap3A_1108], %swap3A_1111 {strides = array<i32>} : memref<8x128xf32, #tpu.memory_space<vmem>>, vector<1x16xf32>,
      %get3A_1112 = arith.constant 7 : i32
      %get3A_1113 = arith.index_cast %get3A_1112 : i32 to index
      %get3A_1114 = arith.constant 96 : index
      %get3A_1115 = tpu.vector_load %arg7[%get3A_1113, %get3A_1114] {strides = array<i32>} : memref<8x128xf32, #tpu.memory_space<vmem>>, vector<1x16xf32>,
      %get3A_1116 = vector.shape_cast %get3A_1115 : vector<1x16xf32> to vector<16xf32>
      %mul3A_1117 = arith.constant 0.10599979 : f32
      %mul3A_1118 = vector.broadcast %mul3A_1117 : f32 to vector<16xf32>
      %mul3A_1119 = arith.mulf %get3A_1116, %mul3A_1118 : vector<16xf32>
      %swap3A_1120 = arith.constant 7 : i32
      %swap3A_1121 = arith.index_cast %swap3A_1120 : i32 to index
      %swap3A_1122 = arith.constant 96 : index
      %swap3A_1123 = tpu.vector_load %arg7[%swap3A_1121, %swap3A_1122] {strides = array<i32>} : memref<8x128xf32, #tpu.memory_space<vmem>>, vector<1x16xf32>,
      %swap3A_1124 = vector.shape_cast %swap3A_1123 : vector<1x16xf32> to vector<16xf32>
      %swap3A_1125 = vector.shape_cast %mul3A_1119 : vector<16xf32> to vector<1x16xf32>
      tpu.vector_store %arg7[%swap3A_1121, %swap3A_1122], %swap3A_1125 {strides = array<i32>} : memref<8x128xf32, #tpu.memory_space<vmem>>, vector<1x16xf32>,
      %get3A_1126 = arith.constant 7 : i32
      %get3A_1127 = arith.index_cast %get3A_1126 : i32 to index
      %get3A_1128 = arith.constant 112 : index
      %get3A_1129 = tpu.vector_load %arg7[%get3A_1127, %get3A_1128] {strides = array<i32>} : memref<8x128xf32, #tpu.memory_space<vmem>>, vector<1x16xf32>,
      %get3A_1130 = vector.shape_cast %get3A_1129 : vector<1x16xf32> to vector<16xf32>
      %mul3A_1131 = arith.constant 0.10599979 : f32
      %mul3A_1132 = vector.broadcast %mul3A_1131 : f32 to vector<16xf32>
      %mul3A_1133 = arith.mulf %get3A_1130, %mul3A_1132 : vector<16xf32>
      %swap3A_1134 = arith.constant 7 : i32
      %swap3A_1135 = arith.index_cast %swap3A_1134 : i32 to index
      %swap3A_1136 = arith.constant 112 : index
      %swap3A_1137 = tpu.vector_load %arg7[%swap3A_1135, %swap3A_1136] {strides = array<i32>} : memref<8x128xf32, #tpu.memory_space<vmem>>, vector<1x16xf32>,
      %swap3A_1138 = vector.shape_cast %swap3A_1137 : vector<1x16xf32> to vector<16xf32>
      %swap3A_1139 = vector.shape_cast %mul3A_1133 : vector<16xf32> to vector<1x16xf32>
      tpu.vector_store %arg7[%swap3A_1135, %swap3A_1136], %swap3A_1139 {strides = array<i32>} : memref<8x128xf32, #tpu.memory_space<vmem>>, vector<1x16xf32>,
      "tpu.region"() ({
        %run_scoped3A = tpu.sem_alloc : memref<!tpu.dma_semaphore, #tpu.memory_space<semaphore_mem>>
        %dma_start3A = arith.constant 0 : i32
        %dma_start3A_1140 = arith.constant 0 : i32
        %dma_start3A_1141 = tpu.memref_slice %arg7[%dma_start3A, %dma_start3A_1140] : memref<8x128xf32, #tpu.memory_space<vmem>> -> memref<8x128xf32, #tpu.memory_space<vmem>>
        %dma_start3A_1142 = arith.constant 0 : i32
        %dma_start3A_1143 = tpu.memref_slice %arg9[%mul3A_245, %dma_start3A_1142] : memref<89x128xf32, #tpu.memory_space<vmem_shared>> -> memref<8x128xf32, #tpu.memory_space<vmem_shared>>
        %dma_start3A_1144 = arith.constant 0 : i32
        %dma_start3A_1145 = tpu.memref_slice %arg9[%mul3A_245, %dma_start3A_1144] : memref<89x128xf32, #tpu.memory_space<vmem_shared>> -> memref<8x128xf32, #tpu.memory_space<vmem_shared>>
        %dma_start3A_1146 = arith.constant 0 : i32
        %dma_start3A_1147 = arith.constant 0 : i32
        %dma_start3A_1148 = tpu.memref_slice %arg7[%dma_start3A_1146, %dma_start3A_1147] : memref<8x128xf32, #tpu.memory_space<vmem>> -> memref<8x128xf32, #tpu.memory_space<vmem>>
        tpu.enqueue_dma source(%dma_start3A_1148 : memref<8x128xf32, #tpu.memory_space<vmem>>) target(%dma_start3A_1145 : memref<8x128xf32, #tpu.memory_space<vmem_shared>>) target_semaphore(%run_scoped3A : memref<!tpu.dma_semaphore, #tpu.memory_space<semaphore_mem>>)
        %dma_wait3A = arith.constant 0 : i32
        %dma_wait3A_1149 = arith.constant 0 : i32
        %dma_wait3A_1150 = tpu.memref_slice %arg7[%dma_wait3A, %dma_wait3A_1149] : memref<8x128xf32, #tpu.memory_space<vmem>> -> memref<8x128xf32, #tpu.memory_space<vmem>>
        %dma_wait3A_1151 = arith.constant 0 : i32
        %dma_wait3A_1152 = tpu.memref_slice %arg9[%mul3A_245, %dma_wait3A_1151] : memref<89x128xf32, #tpu.memory_space<vmem_shared>> -> memref<8x128xf32, #tpu.memory_space<vmem_shared>>
        %dma_wait3A_1153 = arith.constant 0 : i32
        %dma_wait3A_1154 = tpu.memref_slice %arg9[%mul3A_245, %dma_wait3A_1153] : memref<89x128xf32, #tpu.memory_space<vmem_shared>> -> memref<8x128xf32, #tpu.memory_space<vmem_shared>>
        %dma_wait3A_1155 = arith.constant 0 : i32
        %dma_wait3A_1156 = arith.constant 0 : i32
        %dma_wait3A_1157 = tpu.memref_slice %arg7[%dma_wait3A_1155, %dma_wait3A_1156] : memref<8x128xf32, #tpu.memory_space<vmem>> -> memref<8x128xf32, #tpu.memory_space<vmem>>
        tpu.wait_dma2 semaphore(%run_scoped3A : memref<!tpu.dma_semaphore, #tpu.memory_space<semaphore_mem>>) src(%dma_wait3A_1157 : memref<8x128xf32, #tpu.memory_space<vmem>>) dst(%dma_wait3A_1154 : memref<8x128xf32, #tpu.memory_space<vmem_shared>>)
        tpu.yield
      }) : () -> ()
    } else {
    }
    %eq3A = arith.constant 11 : i32
    %eq3A_17 = arith.cmpi eq, %arg1, %eq3A : i32
    %convert_element_type3A_18 = arith.extui %eq3A_17 : i1 to i32
    %cond3A_19 = arith.constant 0 : i32
    %cond3A_20 = arith.cmpi ne, %convert_element_type3A_18, %cond3A_19 : i32
    scf.if %cond3A_20 {
      "tpu.region"() ({
        %run_scoped3A = tpu.sem_alloc : memref<!tpu.dma_semaphore, #tpu.memory_space<semaphore_mem>>
        %dma_start3A = arith.constant 0 : i32
        %dma_start3A_354 = arith.constant 0 : i32
        %dma_start3A_355 = tpu.memref_slice %arg7[%dma_start3A, %dma_start3A_354] : memref<8x128xf32, #tpu.memory_space<vmem>> -> memref<1x128xf32, #tpu.memory_space<vmem>>
        %dma_start3A_356 = arith.constant 88 : i32
        %dma_start3A_357 = arith.constant 0 : i32
        %dma_start3A_358 = tpu.memref_slice %arg2[%dma_start3A_356, %dma_start3A_357] : memref<89x128xf32, #tpu.memory_space<hbm>> -> memref<1x128xf32, #tpu.memory_space<hbm>>
        %dma_start3A_359 = arith.constant 0 : i32
        %dma_start3A_360 = arith.constant 0 : i32
        %dma_start3A_361 = tpu.memref_slice %arg7[%dma_start3A_359, %dma_start3A_360] : memref<8x128xf32, #tpu.memory_space<vmem>> -> memref<1x128xf32, #tpu.memory_space<vmem>>
        %dma_start3A_362 = arith.constant 88 : i32
        %dma_start3A_363 = arith.constant 0 : i32
        %dma_start3A_364 = tpu.memref_slice %arg2[%dma_start3A_362, %dma_start3A_363] : memref<89x128xf32, #tpu.memory_space<hbm>> -> memref<1x128xf32, #tpu.memory_space<hbm>>
        tpu.enqueue_dma source(%dma_start3A_364 : memref<1x128xf32, #tpu.memory_space<hbm>>) target(%dma_start3A_361 : memref<1x128xf32, #tpu.memory_space<vmem>>) target_semaphore(%run_scoped3A : memref<!tpu.dma_semaphore, #tpu.memory_space<semaphore_mem>>)
        %dma_wait3A = arith.constant 0 : i32
        %dma_wait3A_365 = arith.constant 0 : i32
        %dma_wait3A_366 = tpu.memref_slice %arg7[%dma_wait3A, %dma_wait3A_365] : memref<8x128xf32, #tpu.memory_space<vmem>> -> memref<1x128xf32, #tpu.memory_space<vmem>>
        %dma_wait3A_367 = arith.constant 88 : i32
        %dma_wait3A_368 = arith.constant 0 : i32
        %dma_wait3A_369 = tpu.memref_slice %arg2[%dma_wait3A_367, %dma_wait3A_368] : memref<89x128xf32, #tpu.memory_space<hbm>> -> memref<1x128xf32, #tpu.memory_space<hbm>>
        %dma_wait3A_370 = arith.constant 0 : i32
        %dma_wait3A_371 = arith.constant 0 : i32
        %dma_wait3A_372 = tpu.memref_slice %arg7[%dma_wait3A_370, %dma_wait3A_371] : memref<8x128xf32, #tpu.memory_space<vmem>> -> memref<1x128xf32, #tpu.memory_space<vmem>>
        %dma_wait3A_373 = arith.constant 88 : i32
        %dma_wait3A_374 = arith.constant 0 : i32
        %dma_wait3A_375 = tpu.memref_slice %arg2[%dma_wait3A_373, %dma_wait3A_374] : memref<89x128xf32, #tpu.memory_space<hbm>> -> memref<1x128xf32, #tpu.memory_space<hbm>>
        tpu.wait_dma2 semaphore(%run_scoped3A : memref<!tpu.dma_semaphore, #tpu.memory_space<semaphore_mem>>) src(%dma_wait3A_375 : memref<1x128xf32, #tpu.memory_space<hbm>>) dst(%dma_wait3A_372 : memref<1x128xf32, #tpu.memory_space<vmem>>)
        tpu.yield
      }) : () -> ()
      %get3A = arith.constant 0 : i32
      %get3A_244 = arith.index_cast %get3A : i32 to index
      %get3A_245 = arith.constant 0 : index
      %get3A_246 = tpu.vector_load %arg7[%get3A_244, %get3A_245] {strides = array<i32>} : memref<8x128xf32, #tpu.memory_space<vmem>>, vector<1x16xf32>,
      %get3A_247 = vector.shape_cast %get3A_246 : vector<1x16xf32> to vector<16xf32>
      %mul3A_248 = arith.constant 0.10599979 : f32
      %mul3A_249 = vector.broadcast %mul3A_248 : f32 to vector<16xf32>
      %mul3A_250 = arith.mulf %get3A_247, %mul3A_249 : vector<16xf32>
      %swap3A = arith.constant 0 : i32
      %swap3A_251 = arith.index_cast %swap3A : i32 to index
      %swap3A_252 = arith.constant 0 : index
      %swap3A_253 = tpu.vector_load %arg7[%swap3A_251, %swap3A_252] {strides = array<i32>} : memref<8x128xf32, #tpu.memory_space<vmem>>, vector<1x16xf32>,
      %swap3A_254 = vector.shape_cast %swap3A_253 : vector<1x16xf32> to vector<16xf32>
      %swap3A_255 = vector.shape_cast %mul3A_250 : vector<16xf32> to vector<1x16xf32>
      tpu.vector_store %arg7[%swap3A_251, %swap3A_252], %swap3A_255 {strides = array<i32>} : memref<8x128xf32, #tpu.memory_space<vmem>>, vector<1x16xf32>,
      %get3A_256 = arith.constant 0 : i32
      %get3A_257 = arith.index_cast %get3A_256 : i32 to index
      %get3A_258 = arith.constant 16 : index
      %get3A_259 = tpu.vector_load %arg7[%get3A_257, %get3A_258] {strides = array<i32>} : memref<8x128xf32, #tpu.memory_space<vmem>>, vector<1x16xf32>,
      %get3A_260 = vector.shape_cast %get3A_259 : vector<1x16xf32> to vector<16xf32>
      %mul3A_261 = arith.constant 0.10599979 : f32
      %mul3A_262 = vector.broadcast %mul3A_261 : f32 to vector<16xf32>
      %mul3A_263 = arith.mulf %get3A_260, %mul3A_262 : vector<16xf32>
      %swap3A_264 = arith.constant 0 : i32
      %swap3A_265 = arith.index_cast %swap3A_264 : i32 to index
      %swap3A_266 = arith.constant 16 : index
      %swap3A_267 = tpu.vector_load %arg7[%swap3A_265, %swap3A_266] {strides = array<i32>} : memref<8x128xf32, #tpu.memory_space<vmem>>, vector<1x16xf32>,
      %swap3A_268 = vector.shape_cast %swap3A_267 : vector<1x16xf32> to vector<16xf32>
      %swap3A_269 = vector.shape_cast %mul3A_263 : vector<16xf32> to vector<1x16xf32>
      tpu.vector_store %arg7[%swap3A_265, %swap3A_266], %swap3A_269 {strides = array<i32>} : memref<8x128xf32, #tpu.memory_space<vmem>>, vector<1x16xf32>,
      %get3A_270 = arith.constant 0 : i32
      %get3A_271 = arith.index_cast %get3A_270 : i32 to index
      %get3A_272 = arith.constant 32 : index
      %get3A_273 = tpu.vector_load %arg7[%get3A_271, %get3A_272] {strides = array<i32>} : memref<8x128xf32, #tpu.memory_space<vmem>>, vector<1x16xf32>,
      %get3A_274 = vector.shape_cast %get3A_273 : vector<1x16xf32> to vector<16xf32>
      %mul3A_275 = arith.constant 0.10599979 : f32
      %mul3A_276 = vector.broadcast %mul3A_275 : f32 to vector<16xf32>
      %mul3A_277 = arith.mulf %get3A_274, %mul3A_276 : vector<16xf32>
      %swap3A_278 = arith.constant 0 : i32
      %swap3A_279 = arith.index_cast %swap3A_278 : i32 to index
      %swap3A_280 = arith.constant 32 : index
      %swap3A_281 = tpu.vector_load %arg7[%swap3A_279, %swap3A_280] {strides = array<i32>} : memref<8x128xf32, #tpu.memory_space<vmem>>, vector<1x16xf32>,
      %swap3A_282 = vector.shape_cast %swap3A_281 : vector<1x16xf32> to vector<16xf32>
      %swap3A_283 = vector.shape_cast %mul3A_277 : vector<16xf32> to vector<1x16xf32>
      tpu.vector_store %arg7[%swap3A_279, %swap3A_280], %swap3A_283 {strides = array<i32>} : memref<8x128xf32, #tpu.memory_space<vmem>>, vector<1x16xf32>,
      %get3A_284 = arith.constant 0 : i32
      %get3A_285 = arith.index_cast %get3A_284 : i32 to index
      %get3A_286 = arith.constant 48 : index
      %get3A_287 = tpu.vector_load %arg7[%get3A_285, %get3A_286] {strides = array<i32>} : memref<8x128xf32, #tpu.memory_space<vmem>>, vector<1x16xf32>,
      %get3A_288 = vector.shape_cast %get3A_287 : vector<1x16xf32> to vector<16xf32>
      %mul3A_289 = arith.constant 0.10599979 : f32
      %mul3A_290 = vector.broadcast %mul3A_289 : f32 to vector<16xf32>
      %mul3A_291 = arith.mulf %get3A_288, %mul3A_290 : vector<16xf32>
      %swap3A_292 = arith.constant 0 : i32
      %swap3A_293 = arith.index_cast %swap3A_292 : i32 to index
      %swap3A_294 = arith.constant 48 : index
      %swap3A_295 = tpu.vector_load %arg7[%swap3A_293, %swap3A_294] {strides = array<i32>} : memref<8x128xf32, #tpu.memory_space<vmem>>, vector<1x16xf32>,
      %swap3A_296 = vector.shape_cast %swap3A_295 : vector<1x16xf32> to vector<16xf32>
      %swap3A_297 = vector.shape_cast %mul3A_291 : vector<16xf32> to vector<1x16xf32>
      tpu.vector_store %arg7[%swap3A_293, %swap3A_294], %swap3A_297 {strides = array<i32>} : memref<8x128xf32, #tpu.memory_space<vmem>>, vector<1x16xf32>,
      %get3A_298 = arith.constant 0 : i32
      %get3A_299 = arith.index_cast %get3A_298 : i32 to index
      %get3A_300 = arith.constant 64 : index
      %get3A_301 = tpu.vector_load %arg7[%get3A_299, %get3A_300] {strides = array<i32>} : memref<8x128xf32, #tpu.memory_space<vmem>>, vector<1x16xf32>,
      %get3A_302 = vector.shape_cast %get3A_301 : vector<1x16xf32> to vector<16xf32>
      %mul3A_303 = arith.constant 0.10599979 : f32
      %mul3A_304 = vector.broadcast %mul3A_303 : f32 to vector<16xf32>
      %mul3A_305 = arith.mulf %get3A_302, %mul3A_304 : vector<16xf32>
      %swap3A_306 = arith.constant 0 : i32
      %swap3A_307 = arith.index_cast %swap3A_306 : i32 to index
      %swap3A_308 = arith.constant 64 : index
      %swap3A_309 = tpu.vector_load %arg7[%swap3A_307, %swap3A_308] {strides = array<i32>} : memref<8x128xf32, #tpu.memory_space<vmem>>, vector<1x16xf32>,
      %swap3A_310 = vector.shape_cast %swap3A_309 : vector<1x16xf32> to vector<16xf32>
      %swap3A_311 = vector.shape_cast %mul3A_305 : vector<16xf32> to vector<1x16xf32>
      tpu.vector_store %arg7[%swap3A_307, %swap3A_308], %swap3A_311 {strides = array<i32>} : memref<8x128xf32, #tpu.memory_space<vmem>>, vector<1x16xf32>,
      %get3A_312 = arith.constant 0 : i32
      %get3A_313 = arith.index_cast %get3A_312 : i32 to index
      %get3A_314 = arith.constant 80 : index
      %get3A_315 = tpu.vector_load %arg7[%get3A_313, %get3A_314] {strides = array<i32>} : memref<8x128xf32, #tpu.memory_space<vmem>>, vector<1x16xf32>,
      %get3A_316 = vector.shape_cast %get3A_315 : vector<1x16xf32> to vector<16xf32>
      %mul3A_317 = arith.constant 0.10599979 : f32
      %mul3A_318 = vector.broadcast %mul3A_317 : f32 to vector<16xf32>
      %mul3A_319 = arith.mulf %get3A_316, %mul3A_318 : vector<16xf32>
      %swap3A_320 = arith.constant 0 : i32
      %swap3A_321 = arith.index_cast %swap3A_320 : i32 to index
      %swap3A_322 = arith.constant 80 : index
      %swap3A_323 = tpu.vector_load %arg7[%swap3A_321, %swap3A_322] {strides = array<i32>} : memref<8x128xf32, #tpu.memory_space<vmem>>, vector<1x16xf32>,
      %swap3A_324 = vector.shape_cast %swap3A_323 : vector<1x16xf32> to vector<16xf32>
      %swap3A_325 = vector.shape_cast %mul3A_319 : vector<16xf32> to vector<1x16xf32>
      tpu.vector_store %arg7[%swap3A_321, %swap3A_322], %swap3A_325 {strides = array<i32>} : memref<8x128xf32, #tpu.memory_space<vmem>>, vector<1x16xf32>,
      %get3A_326 = arith.constant 0 : i32
      %get3A_327 = arith.index_cast %get3A_326 : i32 to index
      %get3A_328 = arith.constant 96 : index
      %get3A_329 = tpu.vector_load %arg7[%get3A_327, %get3A_328] {strides = array<i32>} : memref<8x128xf32, #tpu.memory_space<vmem>>, vector<1x16xf32>,
      %get3A_330 = vector.shape_cast %get3A_329 : vector<1x16xf32> to vector<16xf32>
      %mul3A_331 = arith.constant 0.10599979 : f32
      %mul3A_332 = vector.broadcast %mul3A_331 : f32 to vector<16xf32>
      %mul3A_333 = arith.mulf %get3A_330, %mul3A_332 : vector<16xf32>
      %swap3A_334 = arith.constant 0 : i32
      %swap3A_335 = arith.index_cast %swap3A_334 : i32 to index
      %swap3A_336 = arith.constant 96 : index
      %swap3A_337 = tpu.vector_load %arg7[%swap3A_335, %swap3A_336] {strides = array<i32>} : memref<8x128xf32, #tpu.memory_space<vmem>>, vector<1x16xf32>,
      %swap3A_338 = vector.shape_cast %swap3A_337 : vector<1x16xf32> to vector<16xf32>
      %swap3A_339 = vector.shape_cast %mul3A_333 : vector<16xf32> to vector<1x16xf32>
      tpu.vector_store %arg7[%swap3A_335, %swap3A_336], %swap3A_339 {strides = array<i32>} : memref<8x128xf32, #tpu.memory_space<vmem>>, vector<1x16xf32>,
      %get3A_340 = arith.constant 0 : i32
      %get3A_341 = arith.index_cast %get3A_340 : i32 to index
      %get3A_342 = arith.constant 112 : index
      %get3A_343 = tpu.vector_load %arg7[%get3A_341, %get3A_342] {strides = array<i32>} : memref<8x128xf32, #tpu.memory_space<vmem>>, vector<1x16xf32>,
      %get3A_344 = vector.shape_cast %get3A_343 : vector<1x16xf32> to vector<16xf32>
      %mul3A_345 = arith.constant 0.10599979 : f32
      %mul3A_346 = vector.broadcast %mul3A_345 : f32 to vector<16xf32>
      %mul3A_347 = arith.mulf %get3A_344, %mul3A_346 : vector<16xf32>
      %swap3A_348 = arith.constant 0 : i32
      %swap3A_349 = arith.index_cast %swap3A_348 : i32 to index
      %swap3A_350 = arith.constant 112 : index
      %swap3A_351 = tpu.vector_load %arg7[%swap3A_349, %swap3A_350] {strides = array<i32>} : memref<8x128xf32, #tpu.memory_space<vmem>>, vector<1x16xf32>,
      %swap3A_352 = vector.shape_cast %swap3A_351 : vector<1x16xf32> to vector<16xf32>
      %swap3A_353 = vector.shape_cast %mul3A_347 : vector<16xf32> to vector<1x16xf32>
      tpu.vector_store %arg7[%swap3A_349, %swap3A_350], %swap3A_353 {strides = array<i32>} : memref<8x128xf32, #tpu.memory_space<vmem>>, vector<1x16xf32>,
      "tpu.region"() ({
        %run_scoped3A = tpu.sem_alloc : memref<!tpu.dma_semaphore, #tpu.memory_space<semaphore_mem>>
        %dma_start3A = arith.constant 0 : i32
        %dma_start3A_354 = arith.constant 0 : i32
        %dma_start3A_355 = tpu.memref_slice %arg7[%dma_start3A, %dma_start3A_354] : memref<8x128xf32, #tpu.memory_space<vmem>> -> memref<1x128xf32, #tpu.memory_space<vmem>>
        %dma_start3A_356 = arith.constant 88 : i32
        %dma_start3A_357 = arith.constant 0 : i32
        %dma_start3A_358 = tpu.memref_slice %arg9[%dma_start3A_356, %dma_start3A_357] : memref<89x128xf32, #tpu.memory_space<vmem_shared>> -> memref<1x128xf32, #tpu.memory_space<vmem_shared>>
        %dma_start3A_359 = arith.constant 88 : i32
        %dma_start3A_360 = arith.constant 0 : i32
        %dma_start3A_361 = tpu.memref_slice %arg9[%dma_start3A_359, %dma_start3A_360] : memref<89x128xf32, #tpu.memory_space<vmem_shared>> -> memref<1x128xf32, #tpu.memory_space<vmem_shared>>
        %dma_start3A_362 = arith.constant 0 : i32
        %dma_start3A_363 = arith.constant 0 : i32
        %dma_start3A_364 = tpu.memref_slice %arg7[%dma_start3A_362, %dma_start3A_363] : memref<8x128xf32, #tpu.memory_space<vmem>> -> memref<1x128xf32, #tpu.memory_space<vmem>>
        tpu.enqueue_dma source(%dma_start3A_364 : memref<1x128xf32, #tpu.memory_space<vmem>>) target(%dma_start3A_361 : memref<1x128xf32, #tpu.memory_space<vmem_shared>>) target_semaphore(%run_scoped3A : memref<!tpu.dma_semaphore, #tpu.memory_space<semaphore_mem>>)
        %dma_wait3A = arith.constant 0 : i32
        %dma_wait3A_365 = arith.constant 0 : i32
        %dma_wait3A_366 = tpu.memref_slice %arg7[%dma_wait3A, %dma_wait3A_365] : memref<8x128xf32, #tpu.memory_space<vmem>> -> memref<1x128xf32, #tpu.memory_space<vmem>>
        %dma_wait3A_367 = arith.constant 88 : i32
        %dma_wait3A_368 = arith.constant 0 : i32
        %dma_wait3A_369 = tpu.memref_slice %arg9[%dma_wait3A_367, %dma_wait3A_368] : memref<89x128xf32, #tpu.memory_space<vmem_shared>> -> memref<1x128xf32, #tpu.memory_space<vmem_shared>>
        %dma_wait3A_370 = arith.constant 88 : i32
        %dma_wait3A_371 = arith.constant 0 : i32
        %dma_wait3A_372 = tpu.memref_slice %arg9[%dma_wait3A_370, %dma_wait3A_371] : memref<89x128xf32, #tpu.memory_space<vmem_shared>> -> memref<1x128xf32, #tpu.memory_space<vmem_shared>>
        %dma_wait3A_373 = arith.constant 0 : i32
        %dma_wait3A_374 = arith.constant 0 : i32
        %dma_wait3A_375 = tpu.memref_slice %arg7[%dma_wait3A_373, %dma_wait3A_374] : memref<8x128xf32, #tpu.memory_space<vmem>> -> memref<1x128xf32, #tpu.memory_space<vmem>>
        tpu.wait_dma2 semaphore(%run_scoped3A : memref<!tpu.dma_semaphore, #tpu.memory_space<semaphore_mem>>) src(%dma_wait3A_375 : memref<1x128xf32, #tpu.memory_space<vmem>>) dst(%dma_wait3A_372 : memref<1x128xf32, #tpu.memory_space<vmem_shared>>)
        tpu.yield
      }) : () -> ()
    } else {
    }
    %barrier3A = arith.constant 0 : index
    tpu.barrier barrier_id(%barrier3A)
    %add3A_21 = arith.constant 0 : i32
    %add3A_22 = arith.addi %add3A, %add3A_21 : i32
    %lt3A_23 = arith.constant 781 : i32
    %lt3A_24 = arith.cmpi slt, %add3A_22, %lt3A_23 : i32
    %convert_element_type3A_25 = arith.extui %lt3A_24 : i1 to i32
    %cond3A_26 = arith.constant 0 : i32
    %cond3A_27 = arith.cmpi ne, %convert_element_type3A_25, %cond3A_26 : i32
    scf.if %cond3A_27 {
      %add3A_244 = arith.constant 0 : i32
      %add3A_245 = arith.addi %add3A, %add3A_244 : i32
      %mul3A_246 = arith.constant 128 : i32
      %mul3A_247 = arith.muli %add3A_245, %mul3A_246 : i32
      %dma_wait3A = arith.constant 0 : i32
      %dma_wait3A_248 = arith.constant 0 : i32
      %dma_wait3A_249 = tpu.memref_slice %arg5[%dma_wait3A, %dma_wait3A_248] : memref<3x128xi32, #tpu.memory_space<vmem>> -> memref<1x128xi32, #tpu.memory_space<vmem>>
      %dma_wait3A_250 = tpu.memref_squeeze %dma_wait3A_249 : memref<1x128xi32, #tpu.memory_space<vmem>> -> memref<128xi32, #tpu.memory_space<vmem>>
      %dma_wait3A_251 = tpu.memref_slice %arg3[%mul3A_247] : memref<100000xi32, #tpu.memory_space<hbm>> -> memref<128xi32, #tpu.memory_space<hbm>>
      %dma_wait3A_252 = arith.constant 0 : i32
      %dma_wait3A_253 = tpu.memref_slice %arg5[%dma_wait3A, %dma_wait3A_252] : memref<3x128xi32, #tpu.memory_space<vmem>> -> memref<1x128xi32, #tpu.memory_space<vmem>>
      %dma_wait3A_254 = tpu.memref_squeeze %dma_wait3A_253 : memref<1x128xi32, #tpu.memory_space<vmem>> -> memref<128xi32, #tpu.memory_space<vmem>>
      %dma_wait3A_255 = tpu.memref_slice %arg3[%mul3A_247] : memref<100000xi32, #tpu.memory_space<hbm>> -> memref<128xi32, #tpu.memory_space<hbm>>
      tpu.wait_dma2 semaphore(%arg13 : memref<!tpu.dma_semaphore, #tpu.memory_space<semaphore_mem>>) src(%dma_wait3A_255 : memref<128xi32, #tpu.memory_space<hbm>>) dst(%dma_wait3A_254 : memref<128xi32, #tpu.memory_space<vmem>>)
    } else {
    }
    %add3A_28 = arith.constant 0 : i32
    %add3A_29 = arith.addi %add3A, %add3A_28 : i32
    %lt3A_30 = arith.constant 781 : i32
    %lt3A_31 = arith.cmpi slt, %add3A_29, %lt3A_30 : i32
    %convert_element_type3A_32 = arith.extui %lt3A_31 : i1 to i32
    %cond3A_33 = arith.constant 0 : i32
    %cond3A_34 = arith.cmpi ne, %convert_element_type3A_32, %cond3A_33 : i32
    scf.if %cond3A_34 {
      %dma_start3A = arith.constant 0 : i32
      %dma_start3A_244 = arith.constant 0 : i32
      %dma_start3A_245 = arith.constant 0 : i32
      %dma_start3A_246 = arith.constant 0 : i32
      %dma_start3A_247 = tpu.memref_slice %arg6[%dma_start3A_244, %dma_start3A_245, %dma_start3A_246] : memref<3x128x128xf32, #tpu.memory_space<vmem>> -> memref<1x128x128xf32, #tpu.memory_space<vmem>>
      %dma_start3A_248 = tpu.memref_squeeze %dma_start3A_247 : memref<1x128x128xf32, #tpu.memory_space<vmem>> -> memref<128x128xf32, #tpu.memory_space<vmem>>
      %dma_start3A_249 = arith.constant 0 : i32
      %dma_start3A_250 = tpu.memref_slice %arg5[%dma_start3A, %dma_start3A_249] : memref<3x128xi32, #tpu.memory_space<vmem>> -> memref<1x128xi32, #tpu.memory_space<vmem>>
      %dma_start3A_251 = tpu.memref_squeeze %dma_start3A_250 : memref<1x128xi32, #tpu.memory_space<vmem>> -> memref<128xi32, #tpu.memory_space<vmem>>
      %dma_start3A_252 = arith.constant 0 : i32
      %dma_start3A_253 = arith.constant 0 : i32
      %dma_start3A_254 = tpu.memref_slice %arg9[%dma_start3A_252, %dma_start3A_253] : memref<89x128xf32, #tpu.memory_space<vmem_shared>> -> memref<89x128xf32, #tpu.memory_space<vmem_shared>>
      tpu.enqueue_indirect_dma source(%dma_start3A_254 : memref<89x128xf32, #tpu.memory_space<vmem_shared>>) target(%dma_start3A_248 : memref<128x128xf32, #tpu.memory_space<vmem>>) offsets(%dma_start3A_251 : memref<128xi32, #tpu.memory_space<vmem>>) semaphore(%arg10 : memref<!tpu.dma_semaphore, #tpu.memory_space<semaphore_mem>>)
    } else {
    }
    %add3A_35 = arith.constant 32 : i32
    %add3A_36 = arith.addi %add3A, %add3A_35 : i32
    %lt3A_37 = arith.constant 781 : i32
    %lt3A_38 = arith.cmpi slt, %add3A_36, %lt3A_37 : i32
    %convert_element_type3A_39 = arith.extui %lt3A_38 : i1 to i32
    %cond3A_40 = arith.constant 0 : i32
    %cond3A_41 = arith.cmpi ne, %convert_element_type3A_39, %cond3A_40 : i32
    scf.if %cond3A_41 {
      %add3A_244 = arith.constant 32 : i32
      %add3A_245 = arith.addi %add3A, %add3A_244 : i32
      %mul3A_246 = arith.constant 128 : i32
      %mul3A_247 = arith.muli %add3A_245, %mul3A_246 : i32
      %dma_wait3A = arith.constant 1 : i32
      %dma_wait3A_248 = arith.constant 0 : i32
      %dma_wait3A_249 = tpu.memref_slice %arg5[%dma_wait3A, %dma_wait3A_248] : memref<3x128xi32, #tpu.memory_space<vmem>> -> memref<1x128xi32, #tpu.memory_space<vmem>>
      %dma_wait3A_250 = tpu.memref_squeeze %dma_wait3A_249 : memref<1x128xi32, #tpu.memory_space<vmem>> -> memref<128xi32, #tpu.memory_space<vmem>>
      %dma_wait3A_251 = tpu.memref_slice %arg3[%mul3A_247] : memref<100000xi32, #tpu.memory_space<hbm>> -> memref<128xi32, #tpu.memory_space<hbm>>
      %dma_wait3A_252 = arith.constant 0 : i32
      %dma_wait3A_253 = tpu.memref_slice %arg5[%dma_wait3A, %dma_wait3A_252] : memref<3x128xi32, #tpu.memory_space<vmem>> -> memref<1x128xi32, #tpu.memory_space<vmem>>
      %dma_wait3A_254 = tpu.memref_squeeze %dma_wait3A_253 : memref<1x128xi32, #tpu.memory_space<vmem>> -> memref<128xi32, #tpu.memory_space<vmem>>
      %dma_wait3A_255 = tpu.memref_slice %arg3[%mul3A_247] : memref<100000xi32, #tpu.memory_space<hbm>> -> memref<128xi32, #tpu.memory_space<hbm>>
      tpu.wait_dma2 semaphore(%arg14 : memref<!tpu.dma_semaphore, #tpu.memory_space<semaphore_mem>>) src(%dma_wait3A_255 : memref<128xi32, #tpu.memory_space<hbm>>) dst(%dma_wait3A_254 : memref<128xi32, #tpu.memory_space<vmem>>)
    } else {
    }
    %add3A_42 = arith.constant 32 : i32
    %add3A_43 = arith.addi %add3A, %add3A_42 : i32
    %lt3A_44 = arith.constant 781 : i32
    %lt3A_45 = arith.cmpi slt, %add3A_43, %lt3A_44 : i32
    %convert_element_type3A_46 = arith.extui %lt3A_45 : i1 to i32
    %cond3A_47 = arith.constant 0 : i32
    %cond3A_48 = arith.cmpi ne, %convert_element_type3A_46, %cond3A_47 : i32
    scf.if %cond3A_48 {
      %dma_start3A = arith.constant 1 : i32
      %dma_start3A_244 = arith.constant 1 : i32
      %dma_start3A_245 = arith.constant 0 : i32
      %dma_start3A_246 = arith.constant 0 : i32
      %dma_start3A_247 = tpu.memref_slice %arg6[%dma_start3A_244, %dma_start3A_245, %dma_start3A_246] : memref<3x128x128xf32, #tpu.memory_space<vmem>> -> memref<1x128x128xf32, #tpu.memory_space<vmem>>
      %dma_start3A_248 = tpu.memref_squeeze %dma_start3A_247 : memref<1x128x128xf32, #tpu.memory_space<vmem>> -> memref<128x128xf32, #tpu.memory_space<vmem>>
      %dma_start3A_249 = arith.constant 0 : i32
      %dma_start3A_250 = tpu.memref_slice %arg5[%dma_start3A, %dma_start3A_249] : memref<3x128xi32, #tpu.memory_space<vmem>> -> memref<1x128xi32, #tpu.memory_space<vmem>>
      %dma_start3A_251 = tpu.memref_squeeze %dma_start3A_250 : memref<1x128xi32, #tpu.memory_space<vmem>> -> memref<128xi32, #tpu.memory_space<vmem>>
      %dma_start3A_252 = arith.constant 0 : i32
      %dma_start3A_253 = arith.constant 0 : i32
      %dma_start3A_254 = tpu.memref_slice %arg9[%dma_start3A_252, %dma_start3A_253] : memref<89x128xf32, #tpu.memory_space<vmem_shared>> -> memref<89x128xf32, #tpu.memory_space<vmem_shared>>
      tpu.enqueue_indirect_dma source(%dma_start3A_254 : memref<89x128xf32, #tpu.memory_space<vmem_shared>>) target(%dma_start3A_248 : memref<128x128xf32, #tpu.memory_space<vmem>>) offsets(%dma_start3A_251 : memref<128xi32, #tpu.memory_space<vmem>>) semaphore(%arg11 : memref<!tpu.dma_semaphore, #tpu.memory_space<semaphore_mem>>)
    } else {
    }
    %add3A_49 = arith.constant 0 : i32
    %add3A_50 = arith.addi %add3A, %add3A_49 : i32
    %lt3A_51 = arith.constant 781 : i32
    %lt3A_52 = arith.cmpi slt, %add3A_50, %lt3A_51 : i32
    %convert_element_type3A_53 = arith.extui %lt3A_52 : i1 to i32
    %cond3A_54 = arith.constant 0 : i32
    %cond3A_55 = arith.cmpi ne, %convert_element_type3A_53, %cond3A_54 : i32
    scf.if %cond3A_55 {
      %dma_wait3A = arith.constant 0 : i32
      %dma_wait3A_244 = arith.constant 0 : i32
      %dma_wait3A_245 = arith.constant 0 : i32
      %dma_wait3A_246 = arith.constant 0 : i32
      %dma_wait3A_247 = tpu.memref_slice %arg6[%dma_wait3A_244, %dma_wait3A_245, %dma_wait3A_246] : memref<3x128x128xf32, #tpu.memory_space<vmem>> -> memref<1x128x128xf32, #tpu.memory_space<vmem>>
      %dma_wait3A_248 = tpu.memref_squeeze %dma_wait3A_247 : memref<1x128x128xf32, #tpu.memory_space<vmem>> -> memref<128x128xf32, #tpu.memory_space<vmem>>
      %dma_wait3A_249 = arith.constant 0 : i32
      %dma_wait3A_250 = tpu.memref_slice %arg5[%dma_wait3A, %dma_wait3A_249] : memref<3x128xi32, #tpu.memory_space<vmem>> -> memref<1x128xi32, #tpu.memory_space<vmem>>
      %dma_wait3A_251 = tpu.memref_squeeze %dma_wait3A_250 : memref<1x128xi32, #tpu.memory_space<vmem>> -> memref<128xi32, #tpu.memory_space<vmem>>
      %dma_wait3A_252 = arith.constant 0 : i32
      %dma_wait3A_253 = arith.constant 0 : i32
      %dma_wait3A_254 = tpu.memref_slice %arg9[%dma_wait3A_252, %dma_wait3A_253] : memref<89x128xf32, #tpu.memory_space<vmem_shared>> -> memref<89x128xf32, #tpu.memory_space<vmem_shared>>
      tpu.wait_indirect_dma semaphore(%arg10 : memref<!tpu.dma_semaphore, #tpu.memory_space<semaphore_mem>>) src(%dma_wait3A_254 : memref<89x128xf32, #tpu.memory_space<vmem_shared>>) dst(%dma_wait3A_248 : memref<128x128xf32, #tpu.memory_space<vmem>>)
    } else {
    }
    %add3A_56 = arith.constant 0 : i32
    %add3A_57 = arith.addi %add3A, %add3A_56 : i32
    %lt3A_58 = arith.constant 781 : i32
    %lt3A_59 = arith.cmpi slt, %add3A_57, %lt3A_58 : i32
    %convert_element_type3A_60 = arith.extui %lt3A_59 : i1 to i32
    %cond3A_61 = arith.constant 0 : i32
    %cond3A_62 = arith.cmpi ne, %convert_element_type3A_60, %cond3A_61 : i32
    scf.if %cond3A_62 {
      %add3A_244 = arith.constant 0 : i32
      %add3A_245 = arith.addi %add3A, %add3A_244 : i32
      %mul3A_246 = arith.constant 128 : i32
      %mul3A_247 = arith.muli %add3A_245, %mul3A_246 : i32
      %dma_start3A = arith.constant 0 : i32
      %dma_start3A_248 = arith.constant 0 : i32
      %dma_start3A_249 = arith.constant 0 : i32
      %dma_start3A_250 = tpu.memref_slice %arg6[%dma_start3A, %dma_start3A_248, %dma_start3A_249] : memref<3x128x128xf32, #tpu.memory_space<vmem>> -> memref<1x128x128xf32, #tpu.memory_space<vmem>>
      %dma_start3A_251 = tpu.memref_squeeze %dma_start3A_250 : memref<1x128x128xf32, #tpu.memory_space<vmem>> -> memref<128x128xf32, #tpu.memory_space<vmem>>
      %dma_start3A_252 = arith.constant 0 : i32
      %dma_start3A_253 = tpu.memref_slice %arg4[%mul3A_247, %dma_start3A_252] : memref<100000x128xf32, #tpu.memory_space<hbm>> -> memref<128x128xf32, #tpu.memory_space<hbm>>
      %dma_start3A_254 = arith.constant 0 : i32
      %dma_start3A_255 = tpu.memref_slice %arg4[%mul3A_247, %dma_start3A_254] : memref<100000x128xf32, #tpu.memory_space<hbm>> -> memref<128x128xf32, #tpu.memory_space<hbm>>
      %dma_start3A_256 = arith.constant 0 : i32
      %dma_start3A_257 = arith.constant 0 : i32
      %dma_start3A_258 = tpu.memref_slice %arg6[%dma_start3A, %dma_start3A_256, %dma_start3A_257] : memref<3x128x128xf32, #tpu.memory_space<vmem>> -> memref<1x128x128xf32, #tpu.memory_space<vmem>>
      %dma_start3A_259 = tpu.memref_squeeze %dma_start3A_258 : memref<1x128x128xf32, #tpu.memory_space<vmem>> -> memref<128x128xf32, #tpu.memory_space<vmem>>
      tpu.enqueue_dma source(%dma_start3A_259 : memref<128x128xf32, #tpu.memory_space<vmem>>) target(%dma_start3A_255 : memref<128x128xf32, #tpu.memory_space<hbm>>) target_semaphore(%arg16 : memref<!tpu.dma_semaphore, #tpu.memory_space<semaphore_mem>>)
    } else {
    }
    %add3A_63 = arith.constant 64 : i32
    %add3A_64 = arith.addi %add3A, %add3A_63 : i32
    %lt3A_65 = arith.constant 781 : i32
    %lt3A_66 = arith.cmpi slt, %add3A_64, %lt3A_65 : i32
    %convert_element_type3A_67 = arith.extui %lt3A_66 : i1 to i32
    %cond3A_68 = arith.constant 0 : i32
    %cond3A_69 = arith.cmpi ne, %convert_element_type3A_67, %cond3A_68 : i32
    scf.if %cond3A_69 {
      %add3A_244 = arith.constant 64 : i32
      %add3A_245 = arith.addi %add3A, %add3A_244 : i32
      %mul3A_246 = arith.constant 128 : i32
      %mul3A_247 = arith.muli %add3A_245, %mul3A_246 : i32
      %dma_start3A = arith.constant 2 : i32
      %dma_start3A_248 = arith.constant 0 : i32
      %dma_start3A_249 = tpu.memref_slice %arg5[%dma_start3A, %dma_start3A_248] : memref<3x128xi32, #tpu.memory_space<vmem>> -> memref<1x128xi32, #tpu.memory_space<vmem>>
      %dma_start3A_250 = tpu.memref_squeeze %dma_start3A_249 : memref<1x128xi32, #tpu.memory_space<vmem>> -> memref<128xi32, #tpu.memory_space<vmem>>
      %dma_start3A_251 = tpu.memref_slice %arg3[%mul3A_247] : memref<100000xi32, #tpu.memory_space<hbm>> -> memref<128xi32, #tpu.memory_space<hbm>>
      %dma_start3A_252 = arith.constant 0 : i32
      %dma_start3A_253 = tpu.memref_slice %arg5[%dma_start3A, %dma_start3A_252] : memref<3x128xi32, #tpu.memory_space<vmem>> -> memref<1x128xi32, #tpu.memory_space<vmem>>
      %dma_start3A_254 = tpu.memref_squeeze %dma_start3A_253 : memref<1x128xi32, #tpu.memory_space<vmem>> -> memref<128xi32, #tpu.memory_space<vmem>>
      %dma_start3A_255 = tpu.memref_slice %arg3[%mul3A_247] : memref<100000xi32, #tpu.memory_space<hbm>> -> memref<128xi32, #tpu.memory_space<hbm>>
      tpu.enqueue_dma source(%dma_start3A_255 : memref<128xi32, #tpu.memory_space<hbm>>) target(%dma_start3A_254 : memref<128xi32, #tpu.memory_space<vmem>>) target_semaphore(%arg15 : memref<!tpu.dma_semaphore, #tpu.memory_space<semaphore_mem>>)
    } else {
    }
    %add3A_70 = arith.constant 64 : i32
    %add3A_71 = arith.addi %add3A, %add3A_70 : i32
    %lt3A_72 = arith.constant 781 : i32
    %lt3A_73 = arith.cmpi slt, %add3A_71, %lt3A_72 : i32
    %convert_element_type3A_74 = arith.extui %lt3A_73 : i1 to i32
    %cond3A_75 = arith.constant 0 : i32
    %cond3A_76 = arith.cmpi ne, %convert_element_type3A_74, %cond3A_75 : i32
    scf.if %cond3A_76 {
      %add3A_244 = arith.constant 64 : i32
      %add3A_245 = arith.addi %add3A, %add3A_244 : i32
      %mul3A_246 = arith.constant 128 : i32
      %mul3A_247 = arith.muli %add3A_245, %mul3A_246 : i32
      %dma_wait3A = arith.constant 2 : i32
      %dma_wait3A_248 = arith.constant 0 : i32
      %dma_wait3A_249 = tpu.memref_slice %arg5[%dma_wait3A, %dma_wait3A_248] : memref<3x128xi32, #tpu.memory_space<vmem>> -> memref<1x128xi32, #tpu.memory_space<vmem>>
      %dma_wait3A_250 = tpu.memref_squeeze %dma_wait3A_249 : memref<1x128xi32, #tpu.memory_space<vmem>> -> memref<128xi32, #tpu.memory_space<vmem>>
      %dma_wait3A_251 = tpu.memref_slice %arg3[%mul3A_247] : memref<100000xi32, #tpu.memory_space<hbm>> -> memref<128xi32, #tpu.memory_space<hbm>>
      %dma_wait3A_252 = arith.constant 0 : i32
      %dma_wait3A_253 = tpu.memref_slice %arg5[%dma_wait3A, %dma_wait3A_252] : memref<3x128xi32, #tpu.memory_space<vmem>> -> memref<1x128xi32, #tpu.memory_space<vmem>>
      %dma_wait3A_254 = tpu.memref_squeeze %dma_wait3A_253 : memref<1x128xi32, #tpu.memory_space<vmem>> -> memref<128xi32, #tpu.memory_space<vmem>>
      %dma_wait3A_255 = tpu.memref_slice %arg3[%mul3A_247] : memref<100000xi32, #tpu.memory_space<hbm>> -> memref<128xi32, #tpu.memory_space<hbm>>
      tpu.wait_dma2 semaphore(%arg15 : memref<!tpu.dma_semaphore, #tpu.memory_space<semaphore_mem>>) src(%dma_wait3A_255 : memref<128xi32, #tpu.memory_space<hbm>>) dst(%dma_wait3A_254 : memref<128xi32, #tpu.memory_space<vmem>>)
    } else {
    }
    %add3A_77 = arith.constant 64 : i32
    %add3A_78 = arith.addi %add3A, %add3A_77 : i32
    %lt3A_79 = arith.constant 781 : i32
    %lt3A_80 = arith.cmpi slt, %add3A_78, %lt3A_79 : i32
    %convert_element_type3A_81 = arith.extui %lt3A_80 : i1 to i32
    %cond3A_82 = arith.constant 0 : i32
    %cond3A_83 = arith.cmpi ne, %convert_element_type3A_81, %cond3A_82 : i32
    scf.if %cond3A_83 {
      %dma_start3A = arith.constant 2 : i32
      %dma_start3A_244 = arith.constant 2 : i32
      %dma_start3A_245 = arith.constant 0 : i32
      %dma_start3A_246 = arith.constant 0 : i32
      %dma_start3A_247 = tpu.memref_slice %arg6[%dma_start3A_244, %dma_start3A_245, %dma_start3A_246] : memref<3x128x128xf32, #tpu.memory_space<vmem>> -> memref<1x128x128xf32, #tpu.memory_space<vmem>>
      %dma_start3A_248 = tpu.memref_squeeze %dma_start3A_247 : memref<1x128x128xf32, #tpu.memory_space<vmem>> -> memref<128x128xf32, #tpu.memory_space<vmem>>
      %dma_start3A_249 = arith.constant 0 : i32
      %dma_start3A_250 = tpu.memref_slice %arg5[%dma_start3A, %dma_start3A_249] : memref<3x128xi32, #tpu.memory_space<vmem>> -> memref<1x128xi32, #tpu.memory_space<vmem>>
      %dma_start3A_251 = tpu.memref_squeeze %dma_start3A_250 : memref<1x128xi32, #tpu.memory_space<vmem>> -> memref<128xi32, #tpu.memory_space<vmem>>
      %dma_start3A_252 = arith.constant 0 : i32
      %dma_start3A_253 = arith.constant 0 : i32
      %dma_start3A_254 = tpu.memref_slice %arg9[%dma_start3A_252, %dma_start3A_253] : memref<89x128xf32, #tpu.memory_space<vmem_shared>> -> memref<89x128xf32, #tpu.memory_space<vmem_shared>>
      tpu.enqueue_indirect_dma source(%dma_start3A_254 : memref<89x128xf32, #tpu.memory_space<vmem_shared>>) target(%dma_start3A_248 : memref<128x128xf32, #tpu.memory_space<vmem>>) offsets(%dma_start3A_251 : memref<128xi32, #tpu.memory_space<vmem>>) semaphore(%arg12 : memref<!tpu.dma_semaphore, #tpu.memory_space<semaphore_mem>>)
    } else {
    }
    %add3A_84 = arith.constant 32 : i32
    %add3A_85 = arith.addi %add3A, %add3A_84 : i32
    %lt3A_86 = arith.constant 781 : i32
    %lt3A_87 = arith.cmpi slt, %add3A_85, %lt3A_86 : i32
    %convert_element_type3A_88 = arith.extui %lt3A_87 : i1 to i32
    %cond3A_89 = arith.constant 0 : i32
    %cond3A_90 = arith.cmpi ne, %convert_element_type3A_88, %cond3A_89 : i32
    scf.if %cond3A_90 {
      %dma_wait3A = arith.constant 1 : i32
      %dma_wait3A_244 = arith.constant 1 : i32
      %dma_wait3A_245 = arith.constant 0 : i32
      %dma_wait3A_246 = arith.constant 0 : i32
      %dma_wait3A_247 = tpu.memref_slice %arg6[%dma_wait3A_244, %dma_wait3A_245, %dma_wait3A_246] : memref<3x128x128xf32, #tpu.memory_space<vmem>> -> memref<1x128x128xf32, #tpu.memory_space<vmem>>
      %dma_wait3A_248 = tpu.memref_squeeze %dma_wait3A_247 : memref<1x128x128xf32, #tpu.memory_space<vmem>> -> memref<128x128xf32, #tpu.memory_space<vmem>>
      %dma_wait3A_249 = arith.constant 0 : i32
      %dma_wait3A_250 = tpu.memref_slice %arg5[%dma_wait3A, %dma_wait3A_249] : memref<3x128xi32, #tpu.memory_space<vmem>> -> memref<1x128xi32, #tpu.memory_space<vmem>>
      %dma_wait3A_251 = tpu.memref_squeeze %dma_wait3A_250 : memref<1x128xi32, #tpu.memory_space<vmem>> -> memref<128xi32, #tpu.memory_space<vmem>>
      %dma_wait3A_252 = arith.constant 0 : i32
      %dma_wait3A_253 = arith.constant 0 : i32
      %dma_wait3A_254 = tpu.memref_slice %arg9[%dma_wait3A_252, %dma_wait3A_253] : memref<89x128xf32, #tpu.memory_space<vmem_shared>> -> memref<89x128xf32, #tpu.memory_space<vmem_shared>>
      tpu.wait_indirect_dma semaphore(%arg11 : memref<!tpu.dma_semaphore, #tpu.memory_space<semaphore_mem>>) src(%dma_wait3A_254 : memref<89x128xf32, #tpu.memory_space<vmem_shared>>) dst(%dma_wait3A_248 : memref<128x128xf32, #tpu.memory_space<vmem>>)
    } else {
    }
    %add3A_91 = arith.constant 32 : i32
    %add3A_92 = arith.addi %add3A, %add3A_91 : i32
    %lt3A_93 = arith.constant 781 : i32
    %lt3A_94 = arith.cmpi slt, %add3A_92, %lt3A_93 : i32
    %convert_element_type3A_95 = arith.extui %lt3A_94 : i1 to i32
    %cond3A_96 = arith.constant 0 : i32
    %cond3A_97 = arith.cmpi ne, %convert_element_type3A_95, %cond3A_96 : i32
    scf.if %cond3A_97 {
      %add3A_244 = arith.constant 32 : i32
      %add3A_245 = arith.addi %add3A, %add3A_244 : i32
      %mul3A_246 = arith.constant 128 : i32
      %mul3A_247 = arith.muli %add3A_245, %mul3A_246 : i32
      %dma_start3A = arith.constant 1 : i32
      %dma_start3A_248 = arith.constant 0 : i32
      %dma_start3A_249 = arith.constant 0 : i32
      %dma_start3A_250 = tpu.memref_slice %arg6[%dma_start3A, %dma_start3A_248, %dma_start3A_249] : memref<3x128x128xf32, #tpu.memory_space<vmem>> -> memref<1x128x128xf32, #tpu.memory_space<vmem>>
      %dma_start3A_251 = tpu.memref_squeeze %dma_start3A_250 : memref<1x128x128xf32, #tpu.memory_space<vmem>> -> memref<128x128xf32, #tpu.memory_space<vmem>>
      %dma_start3A_252 = arith.constant 0 : i32
      %dma_start3A_253 = tpu.memref_slice %arg4[%mul3A_247, %dma_start3A_252] : memref<100000x128xf32, #tpu.memory_space<hbm>> -> memref<128x128xf32, #tpu.memory_space<hbm>>
      %dma_start3A_254 = arith.constant 0 : i32
      %dma_start3A_255 = tpu.memref_slice %arg4[%mul3A_247, %dma_start3A_254] : memref<100000x128xf32, #tpu.memory_space<hbm>> -> memref<128x128xf32, #tpu.memory_space<hbm>>
      %dma_start3A_256 = arith.constant 0 : i32
      %dma_start3A_257 = arith.constant 0 : i32
      %dma_start3A_258 = tpu.memref_slice %arg6[%dma_start3A, %dma_start3A_256, %dma_start3A_257] : memref<3x128x128xf32, #tpu.memory_space<vmem>> -> memref<1x128x128xf32, #tpu.memory_space<vmem>>
      %dma_start3A_259 = tpu.memref_squeeze %dma_start3A_258 : memref<1x128x128xf32, #tpu.memory_space<vmem>> -> memref<128x128xf32, #tpu.memory_space<vmem>>
      tpu.enqueue_dma source(%dma_start3A_259 : memref<128x128xf32, #tpu.memory_space<vmem>>) target(%dma_start3A_255 : memref<128x128xf32, #tpu.memory_space<hbm>>) target_semaphore(%arg17 : memref<!tpu.dma_semaphore, #tpu.memory_space<semaphore_mem>>)
    } else {
    }
    %add3A_98 = arith.constant 96 : i32
    %add3A_99 = arith.addi %add3A, %add3A_98 : i32
    %lt3A_100 = arith.constant 781 : i32
    %lt3A_101 = arith.cmpi slt, %add3A_99, %lt3A_100 : i32
    %convert_element_type3A_102 = arith.extui %lt3A_101 : i1 to i32
    %cond3A_103 = arith.constant 0 : i32
    %cond3A_104 = arith.cmpi ne, %convert_element_type3A_102, %cond3A_103 : i32
    scf.if %cond3A_104 {
      %add3A_244 = arith.constant 96 : i32
      %add3A_245 = arith.addi %add3A, %add3A_244 : i32
      %mul3A_246 = arith.constant 128 : i32
      %mul3A_247 = arith.muli %add3A_245, %mul3A_246 : i32
      %dma_start3A = arith.constant 0 : i32
      %dma_start3A_248 = arith.constant 0 : i32
      %dma_start3A_249 = tpu.memref_slice %arg5[%dma_start3A, %dma_start3A_248] : memref<3x128xi32, #tpu.memory_space<vmem>> -> memref<1x128xi32, #tpu.memory_space<vmem>>
      %dma_start3A_250 = tpu.memref_squeeze %dma_start3A_249 : memref<1x128xi32, #tpu.memory_space<vmem>> -> memref<128xi32, #tpu.memory_space<vmem>>
      %dma_start3A_251 = tpu.memref_slice %arg3[%mul3A_247] : memref<100000xi32, #tpu.memory_space<hbm>> -> memref<128xi32, #tpu.memory_space<hbm>>
      %dma_start3A_252 = arith.constant 0 : i32
      %dma_start3A_253 = tpu.memref_slice %arg5[%dma_start3A, %dma_start3A_252] : memref<3x128xi32, #tpu.memory_space<vmem>> -> memref<1x128xi32, #tpu.memory_space<vmem>>
      %dma_start3A_254 = tpu.memref_squeeze %dma_start3A_253 : memref<1x128xi32, #tpu.memory_space<vmem>> -> memref<128xi32, #tpu.memory_space<vmem>>
      %dma_start3A_255 = tpu.memref_slice %arg3[%mul3A_247] : memref<100000xi32, #tpu.memory_space<hbm>> -> memref<128xi32, #tpu.memory_space<hbm>>
      tpu.enqueue_dma source(%dma_start3A_255 : memref<128xi32, #tpu.memory_space<hbm>>) target(%dma_start3A_254 : memref<128xi32, #tpu.memory_space<vmem>>) target_semaphore(%arg13 : memref<!tpu.dma_semaphore, #tpu.memory_space<semaphore_mem>>)
    } else {
    }
    %scan3A = arith.constant 0 : i32
    %scan3A_105 = arith.constant 7 : i32
    %scan3A_106 = arith.addi %scan3A, %scan3A_105 : i32
    %scan3A_107 = arith.constant 1 : i32
    scf.for %scan3A_244 = %scan3A to %scan3A_106 step %scan3A_107  : i32 {
      %mul3A_245 = arith.constant 1 : i32
      %mul3A_246 = arith.muli %scan3A_244, %mul3A_245 : i32
      %add3A_247 = arith.constant 0 : i32
      %add3A_248 = arith.addi %add3A_247, %mul3A_246 : i32
      %mul3A_249 = arith.constant 3 : i32
      %mul3A_250 = arith.muli %add3A_248, %mul3A_249 : i32
      %add3A_251 = arith.constant 2 : i32
      %add3A_252 = arith.addi %add3A_251, %mul3A_250 : i32
      %add3A_253 = arith.constant 0 : i32
      %add3A_254 = arith.addi %add3A_252, %add3A_253 : i32
      %add3A_255 = arith.constant 1 : i32
      %add3A_256 = arith.addi %add3A_254, %add3A_255 : i32
      %mul3A_257 = arith.constant 32 : i32
      %mul3A_258 = arith.muli %add3A_256, %mul3A_257 : i32
      %add3A_259 = arith.addi %add3A, %mul3A_258 : i32
      %lt3A_260 = arith.constant 781 : i32
      %lt3A_261 = arith.cmpi slt, %add3A_259, %lt3A_260 : i32
      %convert_element_type3A_262 = arith.extui %lt3A_261 : i1 to i32
      %cond3A_263 = arith.constant 0 : i32
      %cond3A_264 = arith.cmpi ne, %convert_element_type3A_262, %cond3A_263 : i32
      scf.if %cond3A_264 {
        %sub3A = arith.constant 2 : i32
        %sub3A_427 = arith.subi %add3A_254, %sub3A : i32
        %mul3A_428 = arith.constant 32 : i32
        %mul3A_429 = arith.muli %sub3A_427, %mul3A_428 : i32
        %add3A_430 = arith.addi %add3A, %mul3A_429 : i32
        %mul3A_431 = arith.constant 128 : i32
        %mul3A_432 = arith.muli %add3A_430, %mul3A_431 : i32
        %dma_wait3A = arith.constant 0 : i32
        %dma_wait3A_433 = arith.constant 0 : i32
        %dma_wait3A_434 = arith.constant 0 : i32
        %dma_wait3A_435 = tpu.memref_slice %arg6[%dma_wait3A, %dma_wait3A_433, %dma_wait3A_434] : memref<3x128x128xf32, #tpu.memory_space<vmem>> -> memref<1x128x128xf32, #tpu.memory_space<vmem>>
        %dma_wait3A_436 = tpu.memref_squeeze %dma_wait3A_435 : memref<1x128x128xf32, #tpu.memory_space<vmem>> -> memref<128x128xf32, #tpu.memory_space<vmem>>
        %dma_wait3A_437 = arith.constant 0 : i32
        %dma_wait3A_438 = tpu.memref_slice %arg4[%mul3A_432, %dma_wait3A_437] : memref<100000x128xf32, #tpu.memory_space<hbm>> -> memref<128x128xf32, #tpu.memory_space<hbm>>
        %dma_wait3A_439 = arith.constant 0 : i32
        %dma_wait3A_440 = tpu.memref_slice %arg4[%mul3A_432, %dma_wait3A_439] : memref<100000x128xf32, #tpu.memory_space<hbm>> -> memref<128x128xf32, #tpu.memory_space<hbm>>
        %dma_wait3A_441 = arith.constant 0 : i32
        %dma_wait3A_442 = arith.constant 0 : i32
        %dma_wait3A_443 = tpu.memref_slice %arg6[%dma_wait3A, %dma_wait3A_441, %dma_wait3A_442] : memref<3x128x128xf32, #tpu.memory_space<vmem>> -> memref<1x128x128xf32, #tpu.memory_space<vmem>>
        %dma_wait3A_444 = tpu.memref_squeeze %dma_wait3A_443 : memref<1x128x128xf32, #tpu.memory_space<vmem>> -> memref<128x128xf32, #tpu.memory_space<vmem>>
        tpu.wait_dma2 semaphore(%arg16 : memref<!tpu.dma_semaphore, #tpu.memory_space<semaphore_mem>>) src(%dma_wait3A_444 : memref<128x128xf32, #tpu.memory_space<vmem>>) dst(%dma_wait3A_440 : memref<128x128xf32, #tpu.memory_space<hbm>>)
      } else {
      }
      %add3A_265 = arith.constant 1 : i32
      %add3A_266 = arith.addi %add3A_254, %add3A_265 : i32
      %mul3A_267 = arith.constant 32 : i32
      %mul3A_268 = arith.muli %add3A_266, %mul3A_267 : i32
      %add3A_269 = arith.addi %add3A, %mul3A_268 : i32
      %lt3A_270 = arith.constant 781 : i32
      %lt3A_271 = arith.cmpi slt, %add3A_269, %lt3A_270 : i32
      %convert_element_type3A_272 = arith.extui %lt3A_271 : i1 to i32
      %cond3A_273 = arith.constant 0 : i32
      %cond3A_274 = arith.cmpi ne, %convert_element_type3A_272, %cond3A_273 : i32
      scf.if %cond3A_274 {
        %add3A_427 = arith.constant 1 : i32
        %add3A_428 = arith.addi %add3A_254, %add3A_427 : i32
        %mul3A_429 = arith.constant 32 : i32
        %mul3A_430 = arith.muli %add3A_428, %mul3A_429 : i32
        %add3A_431 = arith.addi %add3A, %mul3A_430 : i32
        %mul3A_432 = arith.constant 128 : i32
        %mul3A_433 = arith.muli %add3A_431, %mul3A_432 : i32
        %dma_wait3A = arith.constant 0 : i32
        %dma_wait3A_434 = arith.constant 0 : i32
        %dma_wait3A_435 = tpu.memref_slice %arg5[%dma_wait3A, %dma_wait3A_434] : memref<3x128xi32, #tpu.memory_space<vmem>> -> memref<1x128xi32, #tpu.memory_space<vmem>>
        %dma_wait3A_436 = tpu.memref_squeeze %dma_wait3A_435 : memref<1x128xi32, #tpu.memory_space<vmem>> -> memref<128xi32, #tpu.memory_space<vmem>>
        %dma_wait3A_437 = tpu.memref_slice %arg3[%mul3A_433] : memref<100000xi32, #tpu.memory_space<hbm>> -> memref<128xi32, #tpu.memory_space<hbm>>
        %dma_wait3A_438 = arith.constant 0 : i32
        %dma_wait3A_439 = tpu.memref_slice %arg5[%dma_wait3A, %dma_wait3A_438] : memref<3x128xi32, #tpu.memory_space<vmem>> -> memref<1x128xi32, #tpu.memory_space<vmem>>
        %dma_wait3A_440 = tpu.memref_squeeze %dma_wait3A_439 : memref<1x128xi32, #tpu.memory_space<vmem>> -> memref<128xi32, #tpu.memory_space<vmem>>
        %dma_wait3A_441 = tpu.memref_slice %arg3[%mul3A_433] : memref<100000xi32, #tpu.memory_space<hbm>> -> memref<128xi32, #tpu.memory_space<hbm>>
        tpu.wait_dma2 semaphore(%arg13 : memref<!tpu.dma_semaphore, #tpu.memory_space<semaphore_mem>>) src(%dma_wait3A_441 : memref<128xi32, #tpu.memory_space<hbm>>) dst(%dma_wait3A_440 : memref<128xi32, #tpu.memory_space<vmem>>)
      } else {
      }
      %add3A_275 = arith.constant 1 : i32
      %add3A_276 = arith.addi %add3A_254, %add3A_275 : i32
      %mul3A_277 = arith.constant 32 : i32
      %mul3A_278 = arith.muli %add3A_276, %mul3A_277 : i32
      %add3A_279 = arith.addi %add3A, %mul3A_278 : i32
      %lt3A_280 = arith.constant 781 : i32
      %lt3A_281 = arith.cmpi slt, %add3A_279, %lt3A_280 : i32
      %convert_element_type3A_282 = arith.extui %lt3A_281 : i1 to i32
      %cond3A_283 = arith.constant 0 : i32
      %cond3A_284 = arith.cmpi ne, %convert_element_type3A_282, %cond3A_283 : i32
      scf.if %cond3A_284 {
        %add3A_427 = arith.constant 1 : i32
        %add3A_428 = arith.addi %add3A_254, %add3A_427 : i32
        %dma_start3A = arith.constant 0 : i32
        %dma_start3A_429 = arith.constant 0 : i32
        %dma_start3A_430 = arith.constant 0 : i32
        %dma_start3A_431 = arith.constant 0 : i32
        %dma_start3A_432 = tpu.memref_slice %arg6[%dma_start3A_429, %dma_start3A_430, %dma_start3A_431] : memref<3x128x128xf32, #tpu.memory_space<vmem>> -> memref<1x128x128xf32, #tpu.memory_space<vmem>>
        %dma_start3A_433 = tpu.memref_squeeze %dma_start3A_432 : memref<1x128x128xf32, #tpu.memory_space<vmem>> -> memref<128x128xf32, #tpu.memory_space<vmem>>
        %dma_start3A_434 = arith.constant 0 : i32
        %dma_start3A_435 = tpu.memref_slice %arg5[%dma_start3A, %dma_start3A_434] : memref<3x128xi32, #tpu.memory_space<vmem>> -> memref<1x128xi32, #tpu.memory_space<vmem>>
        %dma_start3A_436 = tpu.memref_squeeze %dma_start3A_435 : memref<1x128xi32, #tpu.memory_space<vmem>> -> memref<128xi32, #tpu.memory_space<vmem>>
        %dma_start3A_437 = arith.constant 0 : i32
        %dma_start3A_438 = arith.constant 0 : i32
        %dma_start3A_439 = tpu.memref_slice %arg9[%dma_start3A_437, %dma_start3A_438] : memref<89x128xf32, #tpu.memory_space<vmem_shared>> -> memref<89x128xf32, #tpu.memory_space<vmem_shared>>
        tpu.enqueue_indirect_dma source(%dma_start3A_439 : memref<89x128xf32, #tpu.memory_space<vmem_shared>>) target(%dma_start3A_433 : memref<128x128xf32, #tpu.memory_space<vmem>>) offsets(%dma_start3A_436 : memref<128xi32, #tpu.memory_space<vmem>>) semaphore(%arg10 : memref<!tpu.dma_semaphore, #tpu.memory_space<semaphore_mem>>)
      } else {
      }
      %mul3A_285 = arith.constant 32 : i32
      %mul3A_286 = arith.muli %add3A_254, %mul3A_285 : i32
      %add3A_287 = arith.addi %add3A, %mul3A_286 : i32
      %lt3A_288 = arith.constant 781 : i32
      %lt3A_289 = arith.cmpi slt, %add3A_287, %lt3A_288 : i32
      %convert_element_type3A_290 = arith.extui %lt3A_289 : i1 to i32
      %cond3A_291 = arith.constant 0 : i32
      %cond3A_292 = arith.cmpi ne, %convert_element_type3A_290, %cond3A_291 : i32
      scf.if %cond3A_292 {
        %dma_wait3A = arith.constant 2 : i32
        %dma_wait3A_427 = arith.constant 2 : i32
        %dma_wait3A_428 = arith.constant 0 : i32
        %dma_wait3A_429 = arith.constant 0 : i32
        %dma_wait3A_430 = tpu.memref_slice %arg6[%dma_wait3A_427, %dma_wait3A_428, %dma_wait3A_429] : memref<3x128x128xf32, #tpu.memory_space<vmem>> -> memref<1x128x128xf32, #tpu.memory_space<vmem>>
        %dma_wait3A_431 = tpu.memref_squeeze %dma_wait3A_430 : memref<1x128x128xf32, #tpu.memory_space<vmem>> -> memref<128x128xf32, #tpu.memory_space<vmem>>
        %dma_wait3A_432 = arith.constant 0 : i32
        %dma_wait3A_433 = tpu.memref_slice %arg5[%dma_wait3A, %dma_wait3A_432] : memref<3x128xi32, #tpu.memory_space<vmem>> -> memref<1x128xi32, #tpu.memory_space<vmem>>
        %dma_wait3A_434 = tpu.memref_squeeze %dma_wait3A_433 : memref<1x128xi32, #tpu.memory_space<vmem>> -> memref<128xi32, #tpu.memory_space<vmem>>
        %dma_wait3A_435 = arith.constant 0 : i32
        %dma_wait3A_436 = arith.constant 0 : i32
        %dma_wait3A_437 = tpu.memref_slice %arg9[%dma_wait3A_435, %dma_wait3A_436] : memref<89x128xf32, #tpu.memory_space<vmem_shared>> -> memref<89x128xf32, #tpu.memory_space<vmem_shared>>
        tpu.wait_indirect_dma semaphore(%arg12 : memref<!tpu.dma_semaphore, #tpu.memory_space<semaphore_mem>>) src(%dma_wait3A_437 : memref<89x128xf32, #tpu.memory_space<vmem_shared>>) dst(%dma_wait3A_431 : memref<128x128xf32, #tpu.memory_space<vmem>>)
      } else {
      }
      %mul3A_293 = arith.constant 32 : i32
      %mul3A_294 = arith.muli %add3A_254, %mul3A_293 : i32
      %add3A_295 = arith.addi %add3A, %mul3A_294 : i32
      %lt3A_296 = arith.constant 781 : i32
      %lt3A_297 = arith.cmpi slt, %add3A_295, %lt3A_296 : i32
      %convert_element_type3A_298 = arith.extui %lt3A_297 : i1 to i32
      %cond3A_299 = arith.constant 0 : i32
      %cond3A_300 = arith.cmpi ne, %convert_element_type3A_298, %cond3A_299 : i32
      scf.if %cond3A_300 {
        %mul3A_427 = arith.constant 32 : i32
        %mul3A_428 = arith.muli %add3A_254, %mul3A_427 : i32
        %add3A_429 = arith.addi %add3A, %mul3A_428 : i32
        %mul3A_430 = arith.constant 128 : i32
        %mul3A_431 = arith.muli %add3A_429, %mul3A_430 : i32
        %dma_start3A = arith.constant 2 : i32
        %dma_start3A_432 = arith.constant 0 : i32
        %dma_start3A_433 = arith.constant 0 : i32
        %dma_start3A_434 = tpu.memref_slice %arg6[%dma_start3A, %dma_start3A_432, %dma_start3A_433] : memref<3x128x128xf32, #tpu.memory_space<vmem>> -> memref<1x128x128xf32, #tpu.memory_space<vmem>>
        %dma_start3A_435 = tpu.memref_squeeze %dma_start3A_434 : memref<1x128x128xf32, #tpu.memory_space<vmem>> -> memref<128x128xf32, #tpu.memory_space<vmem>>
        %dma_start3A_436 = arith.constant 0 : i32
        %dma_start3A_437 = tpu.memref_slice %arg4[%mul3A_431, %dma_start3A_436] : memref<100000x128xf32, #tpu.memory_space<hbm>> -> memref<128x128xf32, #tpu.memory_space<hbm>>
        %dma_start3A_438 = arith.constant 0 : i32
        %dma_start3A_439 = tpu.memref_slice %arg4[%mul3A_431, %dma_start3A_438] : memref<100000x128xf32, #tpu.memory_space<hbm>> -> memref<128x128xf32, #tpu.memory_space<hbm>>
        %dma_start3A_440 = arith.constant 0 : i32
        %dma_start3A_441 = arith.constant 0 : i32
        %dma_start3A_442 = tpu.memref_slice %arg6[%dma_start3A, %dma_start3A_440, %dma_start3A_441] : memref<3x128x128xf32, #tpu.memory_space<vmem>> -> memref<1x128x128xf32, #tpu.memory_space<vmem>>
        %dma_start3A_443 = tpu.memref_squeeze %dma_start3A_442 : memref<1x128x128xf32, #tpu.memory_space<vmem>> -> memref<128x128xf32, #tpu.memory_space<vmem>>
        tpu.enqueue_dma source(%dma_start3A_443 : memref<128x128xf32, #tpu.memory_space<vmem>>) target(%dma_start3A_439 : memref<128x128xf32, #tpu.memory_space<hbm>>) target_semaphore(%arg18 : memref<!tpu.dma_semaphore, #tpu.memory_space<semaphore_mem>>)
      } else {
      }
      %add3A_301 = arith.constant 2 : i32
      %add3A_302 = arith.addi %add3A_254, %add3A_301 : i32
      %mul3A_303 = arith.constant 32 : i32
      %mul3A_304 = arith.muli %add3A_302, %mul3A_303 : i32
      %add3A_305 = arith.addi %add3A, %mul3A_304 : i32
      %lt3A_306 = arith.constant 781 : i32
      %lt3A_307 = arith.cmpi slt, %add3A_305, %lt3A_306 : i32
      %convert_element_type3A_308 = arith.extui %lt3A_307 : i1 to i32
      %cond3A_309 = arith.constant 0 : i32
      %cond3A_310 = arith.cmpi ne, %convert_element_type3A_308, %cond3A_309 : i32
      scf.if %cond3A_310 {
        %add3A_427 = arith.constant 2 : i32
        %add3A_428 = arith.addi %add3A_254, %add3A_427 : i32
        %mul3A_429 = arith.constant 32 : i32
        %mul3A_430 = arith.muli %add3A_428, %mul3A_429 : i32
        %add3A_431 = arith.addi %add3A, %mul3A_430 : i32
        %mul3A_432 = arith.constant 128 : i32
        %mul3A_433 = arith.muli %add3A_431, %mul3A_432 : i32
        %dma_start3A = arith.constant 1 : i32
        %dma_start3A_434 = arith.constant 0 : i32
        %dma_start3A_435 = tpu.memref_slice %arg5[%dma_start3A, %dma_start3A_434] : memref<3x128xi32, #tpu.memory_space<vmem>> -> memref<1x128xi32, #tpu.memory_space<vmem>>
        %dma_start3A_436 = tpu.memref_squeeze %dma_start3A_435 : memref<1x128xi32, #tpu.memory_space<vmem>> -> memref<128xi32, #tpu.memory_space<vmem>>
        %dma_start3A_437 = tpu.memref_slice %arg3[%mul3A_433] : memref<100000xi32, #tpu.memory_space<hbm>> -> memref<128xi32, #tpu.memory_space<hbm>>
        %dma_start3A_438 = arith.constant 0 : i32
        %dma_start3A_439 = tpu.memref_slice %arg5[%dma_start3A, %dma_start3A_438] : memref<3x128xi32, #tpu.memory_space<vmem>> -> memref<1x128xi32, #tpu.memory_space<vmem>>
        %dma_start3A_440 = tpu.memref_squeeze %dma_start3A_439 : memref<1x128xi32, #tpu.memory_space<vmem>> -> memref<128xi32, #tpu.memory_space<vmem>>
        %dma_start3A_441 = tpu.memref_slice %arg3[%mul3A_433] : memref<100000xi32, #tpu.memory_space<hbm>> -> memref<128xi32, #tpu.memory_space<hbm>>
        tpu.enqueue_dma source(%dma_start3A_441 : memref<128xi32, #tpu.memory_space<hbm>>) target(%dma_start3A_440 : memref<128xi32, #tpu.memory_space<vmem>>) target_semaphore(%arg14 : memref<!tpu.dma_semaphore, #tpu.memory_space<semaphore_mem>>)
      } else {
      }
      %add3A_311 = arith.constant 1 : i32
      %add3A_312 = arith.addi %add3A_252, %add3A_311 : i32
      %add3A_313 = arith.constant 1 : i32
      %add3A_314 = arith.addi %add3A_312, %add3A_313 : i32
      %mul3A_315 = arith.constant 32 : i32
      %mul3A_316 = arith.muli %add3A_314, %mul3A_315 : i32
      %add3A_317 = arith.addi %add3A, %mul3A_316 : i32
      %lt3A_318 = arith.constant 781 : i32
      %lt3A_319 = arith.cmpi slt, %add3A_317, %lt3A_318 : i32
      %convert_element_type3A_320 = arith.extui %lt3A_319 : i1 to i32
      %cond3A_321 = arith.constant 0 : i32
      %cond3A_322 = arith.cmpi ne, %convert_element_type3A_320, %cond3A_321 : i32
      scf.if %cond3A_322 {
        %sub3A = arith.constant 2 : i32
        %sub3A_427 = arith.subi %add3A_312, %sub3A : i32
        %mul3A_428 = arith.constant 32 : i32
        %mul3A_429 = arith.muli %sub3A_427, %mul3A_428 : i32
        %add3A_430 = arith.addi %add3A, %mul3A_429 : i32
        %mul3A_431 = arith.constant 128 : i32
        %mul3A_432 = arith.muli %add3A_430, %mul3A_431 : i32
        %dma_wait3A = arith.constant 1 : i32
        %dma_wait3A_433 = arith.constant 0 : i32
        %dma_wait3A_434 = arith.constant 0 : i32
        %dma_wait3A_435 = tpu.memref_slice %arg6[%dma_wait3A, %dma_wait3A_433, %dma_wait3A_434] : memref<3x128x128xf32, #tpu.memory_space<vmem>> -> memref<1x128x128xf32, #tpu.memory_space<vmem>>
        %dma_wait3A_436 = tpu.memref_squeeze %dma_wait3A_435 : memref<1x128x128xf32, #tpu.memory_space<vmem>> -> memref<128x128xf32, #tpu.memory_space<vmem>>
        %dma_wait3A_437 = arith.constant 0 : i32
        %dma_wait3A_438 = tpu.memref_slice %arg4[%mul3A_432, %dma_wait3A_437] : memref<100000x128xf32, #tpu.memory_space<hbm>> -> memref<128x128xf32, #tpu.memory_space<hbm>>
        %dma_wait3A_439 = arith.constant 0 : i32
        %dma_wait3A_440 = tpu.memref_slice %arg4[%mul3A_432, %dma_wait3A_439] : memref<100000x128xf32, #tpu.memory_space<hbm>> -> memref<128x128xf32, #tpu.memory_space<hbm>>
        %dma_wait3A_441 = arith.constant 0 : i32
        %dma_wait3A_442 = arith.constant 0 : i32
        %dma_wait3A_443 = tpu.memref_slice %arg6[%dma_wait3A, %dma_wait3A_441, %dma_wait3A_442] : memref<3x128x128xf32, #tpu.memory_space<vmem>> -> memref<1x128x128xf32, #tpu.memory_space<vmem>>
        %dma_wait3A_444 = tpu.memref_squeeze %dma_wait3A_443 : memref<1x128x128xf32, #tpu.memory_space<vmem>> -> memref<128x128xf32, #tpu.memory_space<vmem>>
        tpu.wait_dma2 semaphore(%arg17 : memref<!tpu.dma_semaphore, #tpu.memory_space<semaphore_mem>>) src(%dma_wait3A_444 : memref<128x128xf32, #tpu.memory_space<vmem>>) dst(%dma_wait3A_440 : memref<128x128xf32, #tpu.memory_space<hbm>>)
      } else {
      }
      %add3A_323 = arith.constant 1 : i32
      %add3A_324 = arith.addi %add3A_312, %add3A_323 : i32
      %mul3A_325 = arith.constant 32 : i32
      %mul3A_326 = arith.muli %add3A_324, %mul3A_325 : i32
      %add3A_327 = arith.addi %add3A, %mul3A_326 : i32
      %lt3A_328 = arith.constant 781 : i32
      %lt3A_329 = arith.cmpi slt, %add3A_327, %lt3A_328 : i32
      %convert_element_type3A_330 = arith.extui %lt3A_329 : i1 to i32
      %cond3A_331 = arith.constant 0 : i32
      %cond3A_332 = arith.cmpi ne, %convert_element_type3A_330, %cond3A_331 : i32
      scf.if %cond3A_332 {
        %add3A_427 = arith.constant 1 : i32
        %add3A_428 = arith.addi %add3A_312, %add3A_427 : i32
        %mul3A_429 = arith.constant 32 : i32
        %mul3A_430 = arith.muli %add3A_428, %mul3A_429 : i32
        %add3A_431 = arith.addi %add3A, %mul3A_430 : i32
        %mul3A_432 = arith.constant 128 : i32
        %mul3A_433 = arith.muli %add3A_431, %mul3A_432 : i32
        %dma_wait3A = arith.constant 1 : i32
        %dma_wait3A_434 = arith.constant 0 : i32
        %dma_wait3A_435 = tpu.memref_slice %arg5[%dma_wait3A, %dma_wait3A_434] : memref<3x128xi32, #tpu.memory_space<vmem>> -> memref<1x128xi32, #tpu.memory_space<vmem>>
        %dma_wait3A_436 = tpu.memref_squeeze %dma_wait3A_435 : memref<1x128xi32, #tpu.memory_space<vmem>> -> memref<128xi32, #tpu.memory_space<vmem>>
        %dma_wait3A_437 = tpu.memref_slice %arg3[%mul3A_433] : memref<100000xi32, #tpu.memory_space<hbm>> -> memref<128xi32, #tpu.memory_space<hbm>>
        %dma_wait3A_438 = arith.constant 0 : i32
        %dma_wait3A_439 = tpu.memref_slice %arg5[%dma_wait3A, %dma_wait3A_438] : memref<3x128xi32, #tpu.memory_space<vmem>> -> memref<1x128xi32, #tpu.memory_space<vmem>>
        %dma_wait3A_440 = tpu.memref_squeeze %dma_wait3A_439 : memref<1x128xi32, #tpu.memory_space<vmem>> -> memref<128xi32, #tpu.memory_space<vmem>>
        %dma_wait3A_441 = tpu.memref_slice %arg3[%mul3A_433] : memref<100000xi32, #tpu.memory_space<hbm>> -> memref<128xi32, #tpu.memory_space<hbm>>
        tpu.wait_dma2 semaphore(%arg14 : memref<!tpu.dma_semaphore, #tpu.memory_space<semaphore_mem>>) src(%dma_wait3A_441 : memref<128xi32, #tpu.memory_space<hbm>>) dst(%dma_wait3A_440 : memref<128xi32, #tpu.memory_space<vmem>>)
      } else {
      }
      %add3A_333 = arith.constant 1 : i32
      %add3A_334 = arith.addi %add3A_312, %add3A_333 : i32
      %mul3A_335 = arith.constant 32 : i32
      %mul3A_336 = arith.muli %add3A_334, %mul3A_335 : i32
      %add3A_337 = arith.addi %add3A, %mul3A_336 : i32
      %lt3A_338 = arith.constant 781 : i32
      %lt3A_339 = arith.cmpi slt, %add3A_337, %lt3A_338 : i32
      %convert_element_type3A_340 = arith.extui %lt3A_339 : i1 to i32
      %cond3A_341 = arith.constant 0 : i32
      %cond3A_342 = arith.cmpi ne, %convert_element_type3A_340, %cond3A_341 : i32
      scf.if %cond3A_342 {
        %add3A_427 = arith.constant 1 : i32
        %add3A_428 = arith.addi %add3A_312, %add3A_427 : i32
        %dma_start3A = arith.constant 1 : i32
        %dma_start3A_429 = arith.constant 1 : i32
        %dma_start3A_430 = arith.constant 0 : i32
        %dma_start3A_431 = arith.constant 0 : i32
        %dma_start3A_432 = tpu.memref_slice %arg6[%dma_start3A_429, %dma_start3A_430, %dma_start3A_431] : memref<3x128x128xf32, #tpu.memory_space<vmem>> -> memref<1x128x128xf32, #tpu.memory_space<vmem>>
        %dma_start3A_433 = tpu.memref_squeeze %dma_start3A_432 : memref<1x128x128xf32, #tpu.memory_space<vmem>> -> memref<128x128xf32, #tpu.memory_space<vmem>>
        %dma_start3A_434 = arith.constant 0 : i32
        %dma_start3A_435 = tpu.memref_slice %arg5[%dma_start3A, %dma_start3A_434] : memref<3x128xi32, #tpu.memory_space<vmem>> -> memref<1x128xi32, #tpu.memory_space<vmem>>
        %dma_start3A_436 = tpu.memref_squeeze %dma_start3A_435 : memref<1x128xi32, #tpu.memory_space<vmem>> -> memref<128xi32, #tpu.memory_space<vmem>>
        %dma_start3A_437 = arith.constant 0 : i32
        %dma_start3A_438 = arith.constant 0 : i32
        %dma_start3A_439 = tpu.memref_slice %arg9[%dma_start3A_437, %dma_start3A_438] : memref<89x128xf32, #tpu.memory_space<vmem_shared>> -> memref<89x128xf32, #tpu.memory_space<vmem_shared>>
        tpu.enqueue_indirect_dma source(%dma_start3A_439 : memref<89x128xf32, #tpu.memory_space<vmem_shared>>) target(%dma_start3A_433 : memref<128x128xf32, #tpu.memory_space<vmem>>) offsets(%dma_start3A_436 : memref<128xi32, #tpu.memory_space<vmem>>) semaphore(%arg11 : memref<!tpu.dma_semaphore, #tpu.memory_space<semaphore_mem>>)
      } else {
      }
      %mul3A_343 = arith.constant 32 : i32
      %mul3A_344 = arith.muli %add3A_312, %mul3A_343 : i32
      %add3A_345 = arith.addi %add3A, %mul3A_344 : i32
      %lt3A_346 = arith.constant 781 : i32
      %lt3A_347 = arith.cmpi slt, %add3A_345, %lt3A_346 : i32
      %convert_element_type3A_348 = arith.extui %lt3A_347 : i1 to i32
      %cond3A_349 = arith.constant 0 : i32
      %cond3A_350 = arith.cmpi ne, %convert_element_type3A_348, %cond3A_349 : i32
      scf.if %cond3A_350 {
        %dma_wait3A = arith.constant 0 : i32
        %dma_wait3A_427 = arith.constant 0 : i32
        %dma_wait3A_428 = arith.constant 0 : i32
        %dma_wait3A_429 = arith.constant 0 : i32
        %dma_wait3A_430 = tpu.memref_slice %arg6[%dma_wait3A_427, %dma_wait3A_428, %dma_wait3A_429] : memref<3x128x128xf32, #tpu.memory_space<vmem>> -> memref<1x128x128xf32, #tpu.memory_space<vmem>>
        %dma_wait3A_431 = tpu.memref_squeeze %dma_wait3A_430 : memref<1x128x128xf32, #tpu.memory_space<vmem>> -> memref<128x128xf32, #tpu.memory_space<vmem>>
        %dma_wait3A_432 = arith.constant 0 : i32
        %dma_wait3A_433 = tpu.memref_slice %arg5[%dma_wait3A, %dma_wait3A_432] : memref<3x128xi32, #tpu.memory_space<vmem>> -> memref<1x128xi32, #tpu.memory_space<vmem>>
        %dma_wait3A_434 = tpu.memref_squeeze %dma_wait3A_433 : memref<1x128xi32, #tpu.memory_space<vmem>> -> memref<128xi32, #tpu.memory_space<vmem>>
        %dma_wait3A_435 = arith.constant 0 : i32
        %dma_wait3A_436 = arith.constant 0 : i32
        %dma_wait3A_437 = tpu.memref_slice %arg9[%dma_wait3A_435, %dma_wait3A_436] : memref<89x128xf32, #tpu.memory_space<vmem_shared>> -> memref<89x128xf32, #tpu.memory_space<vmem_shared>>
        tpu.wait_indirect_dma semaphore(%arg10 : memref<!tpu.dma_semaphore, #tpu.memory_space<semaphore_mem>>) src(%dma_wait3A_437 : memref<89x128xf32, #tpu.memory_space<vmem_shared>>) dst(%dma_wait3A_431 : memref<128x128xf32, #tpu.memory_space<vmem>>)
      } else {
      }
      %mul3A_351 = arith.constant 32 : i32
      %mul3A_352 = arith.muli %add3A_312, %mul3A_351 : i32
      %add3A_353 = arith.addi %add3A, %mul3A_352 : i32
      %lt3A_354 = arith.constant 781 : i32
      %lt3A_355 = arith.cmpi slt, %add3A_353, %lt3A_354 : i32
      %convert_element_type3A_356 = arith.extui %lt3A_355 : i1 to i32
      %cond3A_357 = arith.constant 0 : i32
      %cond3A_358 = arith.cmpi ne, %convert_element_type3A_356, %cond3A_357 : i32
      scf.if %cond3A_358 {
        %mul3A_427 = arith.constant 32 : i32
        %mul3A_428 = arith.muli %add3A_312, %mul3A_427 : i32
        %add3A_429 = arith.addi %add3A, %mul3A_428 : i32
        %mul3A_430 = arith.constant 128 : i32
        %mul3A_431 = arith.muli %add3A_429, %mul3A_430 : i32
        %dma_start3A = arith.constant 0 : i32
        %dma_start3A_432 = arith.constant 0 : i32
        %dma_start3A_433 = arith.constant 0 : i32
        %dma_start3A_434 = tpu.memref_slice %arg6[%dma_start3A, %dma_start3A_432, %dma_start3A_433] : memref<3x128x128xf32, #tpu.memory_space<vmem>> -> memref<1x128x128xf32, #tpu.memory_space<vmem>>
        %dma_start3A_435 = tpu.memref_squeeze %dma_start3A_434 : memref<1x128x128xf32, #tpu.memory_space<vmem>> -> memref<128x128xf32, #tpu.memory_space<vmem>>
        %dma_start3A_436 = arith.constant 0 : i32
        %dma_start3A_437 = tpu.memref_slice %arg4[%mul3A_431, %dma_start3A_436] : memref<100000x128xf32, #tpu.memory_space<hbm>> -> memref<128x128xf32, #tpu.memory_space<hbm>>
        %dma_start3A_438 = arith.constant 0 : i32
        %dma_start3A_439 = tpu.memref_slice %arg4[%mul3A_431, %dma_start3A_438] : memref<100000x128xf32, #tpu.memory_space<hbm>> -> memref<128x128xf32, #tpu.memory_space<hbm>>
        %dma_start3A_440 = arith.constant 0 : i32
        %dma_start3A_441 = arith.constant 0 : i32
        %dma_start3A_442 = tpu.memref_slice %arg6[%dma_start3A, %dma_start3A_440, %dma_start3A_441] : memref<3x128x128xf32, #tpu.memory_space<vmem>> -> memref<1x128x128xf32, #tpu.memory_space<vmem>>
        %dma_start3A_443 = tpu.memref_squeeze %dma_start3A_442 : memref<1x128x128xf32, #tpu.memory_space<vmem>> -> memref<128x128xf32, #tpu.memory_space<vmem>>
        tpu.enqueue_dma source(%dma_start3A_443 : memref<128x128xf32, #tpu.memory_space<vmem>>) target(%dma_start3A_439 : memref<128x128xf32, #tpu.memory_space<hbm>>) target_semaphore(%arg16 : memref<!tpu.dma_semaphore, #tpu.memory_space<semaphore_mem>>)
      } else {
      }
      %add3A_359 = arith.constant 2 : i32
      %add3A_360 = arith.addi %add3A_312, %add3A_359 : i32
      %mul3A_361 = arith.constant 32 : i32
      %mul3A_362 = arith.muli %add3A_360, %mul3A_361 : i32
      %add3A_363 = arith.addi %add3A, %mul3A_362 : i32
      %lt3A_364 = arith.constant 781 : i32
      %lt3A_365 = arith.cmpi slt, %add3A_363, %lt3A_364 : i32
      %convert_element_type3A_366 = arith.extui %lt3A_365 : i1 to i32
      %cond3A_367 = arith.constant 0 : i32
      %cond3A_368 = arith.cmpi ne, %convert_element_type3A_366, %cond3A_367 : i32
      scf.if %cond3A_368 {
        %add3A_427 = arith.constant 2 : i32
        %add3A_428 = arith.addi %add3A_312, %add3A_427 : i32
        %mul3A_429 = arith.constant 32 : i32
        %mul3A_430 = arith.muli %add3A_428, %mul3A_429 : i32
        %add3A_431 = arith.addi %add3A, %mul3A_430 : i32
        %mul3A_432 = arith.constant 128 : i32
        %mul3A_433 = arith.muli %add3A_431, %mul3A_432 : i32
        %dma_start3A = arith.constant 2 : i32
        %dma_start3A_434 = arith.constant 0 : i32
        %dma_start3A_435 = tpu.memref_slice %arg5[%dma_start3A, %dma_start3A_434] : memref<3x128xi32, #tpu.memory_space<vmem>> -> memref<1x128xi32, #tpu.memory_space<vmem>>
        %dma_start3A_436 = tpu.memref_squeeze %dma_start3A_435 : memref<1x128xi32, #tpu.memory_space<vmem>> -> memref<128xi32, #tpu.memory_space<vmem>>
        %dma_start3A_437 = tpu.memref_slice %arg3[%mul3A_433] : memref<100000xi32, #tpu.memory_space<hbm>> -> memref<128xi32, #tpu.memory_space<hbm>>
        %dma_start3A_438 = arith.constant 0 : i32
        %dma_start3A_439 = tpu.memref_slice %arg5[%dma_start3A, %dma_start3A_438] : memref<3x128xi32, #tpu.memory_space<vmem>> -> memref<1x128xi32, #tpu.memory_space<vmem>>
        %dma_start3A_440 = tpu.memref_squeeze %dma_start3A_439 : memref<1x128xi32, #tpu.memory_space<vmem>> -> memref<128xi32, #tpu.memory_space<vmem>>
        %dma_start3A_441 = tpu.memref_slice %arg3[%mul3A_433] : memref<100000xi32, #tpu.memory_space<hbm>> -> memref<128xi32, #tpu.memory_space<hbm>>
        tpu.enqueue_dma source(%dma_start3A_441 : memref<128xi32, #tpu.memory_space<hbm>>) target(%dma_start3A_440 : memref<128xi32, #tpu.memory_space<vmem>>) target_semaphore(%arg15 : memref<!tpu.dma_semaphore, #tpu.memory_space<semaphore_mem>>)
      } else {
      }
      %add3A_369 = arith.constant 2 : i32
      %add3A_370 = arith.addi %add3A_252, %add3A_369 : i32
      %add3A_371 = arith.constant 1 : i32
      %add3A_372 = arith.addi %add3A_370, %add3A_371 : i32
      %mul3A_373 = arith.constant 32 : i32
      %mul3A_374 = arith.muli %add3A_372, %mul3A_373 : i32
      %add3A_375 = arith.addi %add3A, %mul3A_374 : i32
      %lt3A_376 = arith.constant 781 : i32
      %lt3A_377 = arith.cmpi slt, %add3A_375, %lt3A_376 : i32
      %convert_element_type3A_378 = arith.extui %lt3A_377 : i1 to i32
      %cond3A_379 = arith.constant 0 : i32
      %cond3A_380 = arith.cmpi ne, %convert_element_type3A_378, %cond3A_379 : i32
      scf.if %cond3A_380 {
        %sub3A = arith.constant 2 : i32
        %sub3A_427 = arith.subi %add3A_370, %sub3A : i32
        %mul3A_428 = arith.constant 32 : i32
        %mul3A_429 = arith.muli %sub3A_427, %mul3A_428 : i32
        %add3A_430 = arith.addi %add3A, %mul3A_429 : i32
        %mul3A_431 = arith.constant 128 : i32
        %mul3A_432 = arith.muli %add3A_430, %mul3A_431 : i32
        %dma_wait3A = arith.constant 2 : i32
        %dma_wait3A_433 = arith.constant 0 : i32
        %dma_wait3A_434 = arith.constant 0 : i32
        %dma_wait3A_435 = tpu.memref_slice %arg6[%dma_wait3A, %dma_wait3A_433, %dma_wait3A_434] : memref<3x128x128xf32, #tpu.memory_space<vmem>> -> memref<1x128x128xf32, #tpu.memory_space<vmem>>
        %dma_wait3A_436 = tpu.memref_squeeze %dma_wait3A_435 : memref<1x128x128xf32, #tpu.memory_space<vmem>> -> memref<128x128xf32, #tpu.memory_space<vmem>>
        %dma_wait3A_437 = arith.constant 0 : i32
        %dma_wait3A_438 = tpu.memref_slice %arg4[%mul3A_432, %dma_wait3A_437] : memref<100000x128xf32, #tpu.memory_space<hbm>> -> memref<128x128xf32, #tpu.memory_space<hbm>>
        %dma_wait3A_439 = arith.constant 0 : i32
        %dma_wait3A_440 = tpu.memref_slice %arg4[%mul3A_432, %dma_wait3A_439] : memref<100000x128xf32, #tpu.memory_space<hbm>> -> memref<128x128xf32, #tpu.memory_space<hbm>>
        %dma_wait3A_441 = arith.constant 0 : i32
        %dma_wait3A_442 = arith.constant 0 : i32
        %dma_wait3A_443 = tpu.memref_slice %arg6[%dma_wait3A, %dma_wait3A_441, %dma_wait3A_442] : memref<3x128x128xf32, #tpu.memory_space<vmem>> -> memref<1x128x128xf32, #tpu.memory_space<vmem>>
        %dma_wait3A_444 = tpu.memref_squeeze %dma_wait3A_443 : memref<1x128x128xf32, #tpu.memory_space<vmem>> -> memref<128x128xf32, #tpu.memory_space<vmem>>
        tpu.wait_dma2 semaphore(%arg18 : memref<!tpu.dma_semaphore, #tpu.memory_space<semaphore_mem>>) src(%dma_wait3A_444 : memref<128x128xf32, #tpu.memory_space<vmem>>) dst(%dma_wait3A_440 : memref<128x128xf32, #tpu.memory_space<hbm>>)
      } else {
      }
      %add3A_381 = arith.constant 1 : i32
      %add3A_382 = arith.addi %add3A_370, %add3A_381 : i32
      %mul3A_383 = arith.constant 32 : i32
      %mul3A_384 = arith.muli %add3A_382, %mul3A_383 : i32
      %add3A_385 = arith.addi %add3A, %mul3A_384 : i32
      %lt3A_386 = arith.constant 781 : i32
      %lt3A_387 = arith.cmpi slt, %add3A_385, %lt3A_386 : i32
      %convert_element_type3A_388 = arith.extui %lt3A_387 : i1 to i32
      %cond3A_389 = arith.constant 0 : i32
      %cond3A_390 = arith.cmpi ne, %convert_element_type3A_388, %cond3A_389 : i32
      scf.if %cond3A_390 {
        %add3A_427 = arith.constant 1 : i32
        %add3A_428 = arith.addi %add3A_370, %add3A_427 : i32
        %mul3A_429 = arith.constant 32 : i32
        %mul3A_430 = arith.muli %add3A_428, %mul3A_429 : i32
        %add3A_431 = arith.addi %add3A, %mul3A_430 : i32
        %mul3A_432 = arith.constant 128 : i32
        %mul3A_433 = arith.muli %add3A_431, %mul3A_432 : i32
        %dma_wait3A = arith.constant 2 : i32
        %dma_wait3A_434 = arith.constant 0 : i32
        %dma_wait3A_435 = tpu.memref_slice %arg5[%dma_wait3A, %dma_wait3A_434] : memref<3x128xi32, #tpu.memory_space<vmem>> -> memref<1x128xi32, #tpu.memory_space<vmem>>
        %dma_wait3A_436 = tpu.memref_squeeze %dma_wait3A_435 : memref<1x128xi32, #tpu.memory_space<vmem>> -> memref<128xi32, #tpu.memory_space<vmem>>
        %dma_wait3A_437 = tpu.memref_slice %arg3[%mul3A_433] : memref<100000xi32, #tpu.memory_space<hbm>> -> memref<128xi32, #tpu.memory_space<hbm>>
        %dma_wait3A_438 = arith.constant 0 : i32
        %dma_wait3A_439 = tpu.memref_slice %arg5[%dma_wait3A, %dma_wait3A_438] : memref<3x128xi32, #tpu.memory_space<vmem>> -> memref<1x128xi32, #tpu.memory_space<vmem>>
        %dma_wait3A_440 = tpu.memref_squeeze %dma_wait3A_439 : memref<1x128xi32, #tpu.memory_space<vmem>> -> memref<128xi32, #tpu.memory_space<vmem>>
        %dma_wait3A_441 = tpu.memref_slice %arg3[%mul3A_433] : memref<100000xi32, #tpu.memory_space<hbm>> -> memref<128xi32, #tpu.memory_space<hbm>>
        tpu.wait_dma2 semaphore(%arg15 : memref<!tpu.dma_semaphore, #tpu.memory_space<semaphore_mem>>) src(%dma_wait3A_441 : memref<128xi32, #tpu.memory_space<hbm>>) dst(%dma_wait3A_440 : memref<128xi32, #tpu.memory_space<vmem>>)
      } else {
      }
      %add3A_391 = arith.constant 1 : i32
      %add3A_392 = arith.addi %add3A_370, %add3A_391 : i32
      %mul3A_393 = arith.constant 32 : i32
      %mul3A_394 = arith.muli %add3A_392, %mul3A_393 : i32
      %add3A_395 = arith.addi %add3A, %mul3A_394 : i32
      %lt3A_396 = arith.constant 781 : i32
      %lt3A_397 = arith.cmpi slt, %add3A_395, %lt3A_396 : i32
      %convert_element_type3A_398 = arith.extui %lt3A_397 : i1 to i32
      %cond3A_399 = arith.constant 0 : i32
      %cond3A_400 = arith.cmpi ne, %convert_element_type3A_398, %cond3A_399 : i32
      scf.if %cond3A_400 {
        %add3A_427 = arith.constant 1 : i32
        %add3A_428 = arith.addi %add3A_370, %add3A_427 : i32
        %dma_start3A = arith.constant 2 : i32
        %dma_start3A_429 = arith.constant 2 : i32
        %dma_start3A_430 = arith.constant 0 : i32
        %dma_start3A_431 = arith.constant 0 : i32
        %dma_start3A_432 = tpu.memref_slice %arg6[%dma_start3A_429, %dma_start3A_430, %dma_start3A_431] : memref<3x128x128xf32, #tpu.memory_space<vmem>> -> memref<1x128x128xf32, #tpu.memory_space<vmem>>
        %dma_start3A_433 = tpu.memref_squeeze %dma_start3A_432 : memref<1x128x128xf32, #tpu.memory_space<vmem>> -> memref<128x128xf32, #tpu.memory_space<vmem>>
        %dma_start3A_434 = arith.constant 0 : i32
        %dma_start3A_435 = tpu.memref_slice %arg5[%dma_start3A, %dma_start3A_434] : memref<3x128xi32, #tpu.memory_space<vmem>> -> memref<1x128xi32, #tpu.memory_space<vmem>>
        %dma_start3A_436 = tpu.memref_squeeze %dma_start3A_435 : memref<1x128xi32, #tpu.memory_space<vmem>> -> memref<128xi32, #tpu.memory_space<vmem>>
        %dma_start3A_437 = arith.constant 0 : i32
        %dma_start3A_438 = arith.constant 0 : i32
        %dma_start3A_439 = tpu.memref_slice %arg9[%dma_start3A_437, %dma_start3A_438] : memref<89x128xf32, #tpu.memory_space<vmem_shared>> -> memref<89x128xf32, #tpu.memory_space<vmem_shared>>
        tpu.enqueue_indirect_dma source(%dma_start3A_439 : memref<89x128xf32, #tpu.memory_space<vmem_shared>>) target(%dma_start3A_433 : memref<128x128xf32, #tpu.memory_space<vmem>>) offsets(%dma_start3A_436 : memref<128xi32, #tpu.memory_space<vmem>>) semaphore(%arg12 : memref<!tpu.dma_semaphore, #tpu.memory_space<semaphore_mem>>)
      } else {
      }
      %mul3A_401 = arith.constant 32 : i32
      %mul3A_402 = arith.muli %add3A_370, %mul3A_401 : i32
      %add3A_403 = arith.addi %add3A, %mul3A_402 : i32
      %lt3A_404 = arith.constant 781 : i32
      %lt3A_405 = arith.cmpi slt, %add3A_403, %lt3A_404 : i32
      %convert_element_type3A_406 = arith.extui %lt3A_405 : i1 to i32
      %cond3A_407 = arith.constant 0 : i32
      %cond3A_408 = arith.cmpi ne, %convert_element_type3A_406, %cond3A_407 : i32
      scf.if %cond3A_408 {
        %dma_wait3A = arith.constant 1 : i32
        %dma_wait3A_427 = arith.constant 1 : i32
        %dma_wait3A_428 = arith.constant 0 : i32
        %dma_wait3A_429 = arith.constant 0 : i32
        %dma_wait3A_430 = tpu.memref_slice %arg6[%dma_wait3A_427, %dma_wait3A_428, %dma_wait3A_429] : memref<3x128x128xf32, #tpu.memory_space<vmem>> -> memref<1x128x128xf32, #tpu.memory_space<vmem>>
        %dma_wait3A_431 = tpu.memref_squeeze %dma_wait3A_430 : memref<1x128x128xf32, #tpu.memory_space<vmem>> -> memref<128x128xf32, #tpu.memory_space<vmem>>
        %dma_wait3A_432 = arith.constant 0 : i32
        %dma_wait3A_433 = tpu.memref_slice %arg5[%dma_wait3A, %dma_wait3A_432] : memref<3x128xi32, #tpu.memory_space<vmem>> -> memref<1x128xi32, #tpu.memory_space<vmem>>
        %dma_wait3A_434 = tpu.memref_squeeze %dma_wait3A_433 : memref<1x128xi32, #tpu.memory_space<vmem>> -> memref<128xi32, #tpu.memory_space<vmem>>
        %dma_wait3A_435 = arith.constant 0 : i32
        %dma_wait3A_436 = arith.constant 0 : i32
        %dma_wait3A_437 = tpu.memref_slice %arg9[%dma_wait3A_435, %dma_wait3A_436] : memref<89x128xf32, #tpu.memory_space<vmem_shared>> -> memref<89x128xf32, #tpu.memory_space<vmem_shared>>
        tpu.wait_indirect_dma semaphore(%arg11 : memref<!tpu.dma_semaphore, #tpu.memory_space<semaphore_mem>>) src(%dma_wait3A_437 : memref<89x128xf32, #tpu.memory_space<vmem_shared>>) dst(%dma_wait3A_431 : memref<128x128xf32, #tpu.memory_space<vmem>>)
      } else {
      }
      %mul3A_409 = arith.constant 32 : i32
      %mul3A_410 = arith.muli %add3A_370, %mul3A_409 : i32
      %add3A_411 = arith.addi %add3A, %mul3A_410 : i32
      %lt3A_412 = arith.constant 781 : i32
      %lt3A_413 = arith.cmpi slt, %add3A_411, %lt3A_412 : i32
      %convert_element_type3A_414 = arith.extui %lt3A_413 : i1 to i32
      %cond3A_415 = arith.constant 0 : i32
      %cond3A_416 = arith.cmpi ne, %convert_element_type3A_414, %cond3A_415 : i32
      scf.if %cond3A_416 {
        %mul3A_427 = arith.constant 32 : i32
        %mul3A_428 = arith.muli %add3A_370, %mul3A_427 : i32
        %add3A_429 = arith.addi %add3A, %mul3A_428 : i32
        %mul3A_430 = arith.constant 128 : i32
        %mul3A_431 = arith.muli %add3A_429, %mul3A_430 : i32
        %dma_start3A = arith.constant 1 : i32
        %dma_start3A_432 = arith.constant 0 : i32
        %dma_start3A_433 = arith.constant 0 : i32
        %dma_start3A_434 = tpu.memref_slice %arg6[%dma_start3A, %dma_start3A_432, %dma_start3A_433] : memref<3x128x128xf32, #tpu.memory_space<vmem>> -> memref<1x128x128xf32, #tpu.memory_space<vmem>>
        %dma_start3A_435 = tpu.memref_squeeze %dma_start3A_434 : memref<1x128x128xf32, #tpu.memory_space<vmem>> -> memref<128x128xf32, #tpu.memory_space<vmem>>
        %dma_start3A_436 = arith.constant 0 : i32
        %dma_start3A_437 = tpu.memref_slice %arg4[%mul3A_431, %dma_start3A_436] : memref<100000x128xf32, #tpu.memory_space<hbm>> -> memref<128x128xf32, #tpu.memory_space<hbm>>
        %dma_start3A_438 = arith.constant 0 : i32
        %dma_start3A_439 = tpu.memref_slice %arg4[%mul3A_431, %dma_start3A_438] : memref<100000x128xf32, #tpu.memory_space<hbm>> -> memref<128x128xf32, #tpu.memory_space<hbm>>
        %dma_start3A_440 = arith.constant 0 : i32
        %dma_start3A_441 = arith.constant 0 : i32
        %dma_start3A_442 = tpu.memref_slice %arg6[%dma_start3A, %dma_start3A_440, %dma_start3A_441] : memref<3x128x128xf32, #tpu.memory_space<vmem>> -> memref<1x128x128xf32, #tpu.memory_space<vmem>>
        %dma_start3A_443 = tpu.memref_squeeze %dma_start3A_442 : memref<1x128x128xf32, #tpu.memory_space<vmem>> -> memref<128x128xf32, #tpu.memory_space<vmem>>
        tpu.enqueue_dma source(%dma_start3A_443 : memref<128x128xf32, #tpu.memory_space<vmem>>) target(%dma_start3A_439 : memref<128x128xf32, #tpu.memory_space<hbm>>) target_semaphore(%arg17 : memref<!tpu.dma_semaphore, #tpu.memory_space<semaphore_mem>>)
      } else {
      }
      %add3A_417 = arith.constant 2 : i32
      %add3A_418 = arith.addi %add3A_370, %add3A_417 : i32
      %mul3A_419 = arith.constant 32 : i32
      %mul3A_420 = arith.muli %add3A_418, %mul3A_419 : i32
      %add3A_421 = arith.addi %add3A, %mul3A_420 : i32
      %lt3A_422 = arith.constant 781 : i32
      %lt3A_423 = arith.cmpi slt, %add3A_421, %lt3A_422 : i32
      %convert_element_type3A_424 = arith.extui %lt3A_423 : i1 to i32
      %cond3A_425 = arith.constant 0 : i32
      %cond3A_426 = arith.cmpi ne, %convert_element_type3A_424, %cond3A_425 : i32
      scf.if %cond3A_426 {
        %add3A_427 = arith.constant 2 : i32
        %add3A_428 = arith.addi %add3A_370, %add3A_427 : i32
        %mul3A_429 = arith.constant 32 : i32
        %mul3A_430 = arith.muli %add3A_428, %mul3A_429 : i32
        %add3A_431 = arith.addi %add3A, %mul3A_430 : i32
        %mul3A_432 = arith.constant 128 : i32
        %mul3A_433 = arith.muli %add3A_431, %mul3A_432 : i32
        %dma_start3A = arith.constant 0 : i32
        %dma_start3A_434 = arith.constant 0 : i32
        %dma_start3A_435 = tpu.memref_slice %arg5[%dma_start3A, %dma_start3A_434] : memref<3x128xi32, #tpu.memory_space<vmem>> -> memref<1x128xi32, #tpu.memory_space<vmem>>
        %dma_start3A_436 = tpu.memref_squeeze %dma_start3A_435 : memref<1x128xi32, #tpu.memory_space<vmem>> -> memref<128xi32, #tpu.memory_space<vmem>>
        %dma_start3A_437 = tpu.memref_slice %arg3[%mul3A_433] : memref<100000xi32, #tpu.memory_space<hbm>> -> memref<128xi32, #tpu.memory_space<hbm>>
        %dma_start3A_438 = arith.constant 0 : i32
        %dma_start3A_439 = tpu.memref_slice %arg5[%dma_start3A, %dma_start3A_438] : memref<3x128xi32, #tpu.memory_space<vmem>> -> memref<1x128xi32, #tpu.memory_space<vmem>>
        %dma_start3A_440 = tpu.memref_squeeze %dma_start3A_439 : memref<1x128xi32, #tpu.memory_space<vmem>> -> memref<128xi32, #tpu.memory_space<vmem>>
        %dma_start3A_441 = tpu.memref_slice %arg3[%mul3A_433] : memref<100000xi32, #tpu.memory_space<hbm>> -> memref<128xi32, #tpu.memory_space<hbm>>
        tpu.enqueue_dma source(%dma_start3A_441 : memref<128xi32, #tpu.memory_space<hbm>>) target(%dma_start3A_440 : memref<128xi32, #tpu.memory_space<vmem>>) target_semaphore(%arg13 : memref<!tpu.dma_semaphore, #tpu.memory_space<semaphore_mem>>)
      } else {
      }
    }
    %scan3A_108 = arith.constant 7 : i32
    %add3A_109 = arith.constant 768 : i32
    %add3A_110 = arith.addi %add3A, %add3A_109 : i32
    %lt3A_111 = arith.constant 781 : i32
    %lt3A_112 = arith.cmpi slt, %add3A_110, %lt3A_111 : i32
    %convert_element_type3A_113 = arith.extui %lt3A_112 : i1 to i32
    %cond3A_114 = arith.constant 0 : i32
    %cond3A_115 = arith.cmpi ne, %convert_element_type3A_113, %cond3A_114 : i32
    scf.if %cond3A_115 {
      %add3A_244 = arith.constant 672 : i32
      %add3A_245 = arith.addi %add3A, %add3A_244 : i32
      %mul3A_246 = arith.constant 128 : i32
      %mul3A_247 = arith.muli %add3A_245, %mul3A_246 : i32
      %dma_wait3A = arith.constant 0 : i32
      %dma_wait3A_248 = arith.constant 0 : i32
      %dma_wait3A_249 = arith.constant 0 : i32
      %dma_wait3A_250 = tpu.memref_slice %arg6[%dma_wait3A, %dma_wait3A_248, %dma_wait3A_249] : memref<3x128x128xf32, #tpu.memory_space<vmem>> -> memref<1x128x128xf32, #tpu.memory_space<vmem>>
      %dma_wait3A_251 = tpu.memref_squeeze %dma_wait3A_250 : memref<1x128x128xf32, #tpu.memory_space<vmem>> -> memref<128x128xf32, #tpu.memory_space<vmem>>
      %dma_wait3A_252 = arith.constant 0 : i32
      %dma_wait3A_253 = tpu.memref_slice %arg4[%mul3A_247, %dma_wait3A_252] : memref<100000x128xf32, #tpu.memory_space<hbm>> -> memref<128x128xf32, #tpu.memory_space<hbm>>
      %dma_wait3A_254 = arith.constant 0 : i32
      %dma_wait3A_255 = tpu.memref_slice %arg4[%mul3A_247, %dma_wait3A_254] : memref<100000x128xf32, #tpu.memory_space<hbm>> -> memref<128x128xf32, #tpu.memory_space<hbm>>
      %dma_wait3A_256 = arith.constant 0 : i32
      %dma_wait3A_257 = arith.constant 0 : i32
      %dma_wait3A_258 = tpu.memref_slice %arg6[%dma_wait3A, %dma_wait3A_256, %dma_wait3A_257] : memref<3x128x128xf32, #tpu.memory_space<vmem>> -> memref<1x128x128xf32, #tpu.memory_space<vmem>>
      %dma_wait3A_259 = tpu.memref_squeeze %dma_wait3A_258 : memref<1x128x128xf32, #tpu.memory_space<vmem>> -> memref<128x128xf32, #tpu.memory_space<vmem>>
      tpu.wait_dma2 semaphore(%arg16 : memref<!tpu.dma_semaphore, #tpu.memory_space<semaphore_mem>>) src(%dma_wait3A_259 : memref<128x128xf32, #tpu.memory_space<vmem>>) dst(%dma_wait3A_255 : memref<128x128xf32, #tpu.memory_space<hbm>>)
    } else {
    }
    %add3A_116 = arith.constant 768 : i32
    %add3A_117 = arith.addi %add3A, %add3A_116 : i32
    %lt3A_118 = arith.constant 781 : i32
    %lt3A_119 = arith.cmpi slt, %add3A_117, %lt3A_118 : i32
    %convert_element_type3A_120 = arith.extui %lt3A_119 : i1 to i32
    %cond3A_121 = arith.constant 0 : i32
    %cond3A_122 = arith.cmpi ne, %convert_element_type3A_120, %cond3A_121 : i32
    scf.if %cond3A_122 {
      %add3A_244 = arith.constant 768 : i32
      %add3A_245 = arith.addi %add3A, %add3A_244 : i32
      %mul3A_246 = arith.constant 128 : i32
      %mul3A_247 = arith.muli %add3A_245, %mul3A_246 : i32
      %dma_wait3A = arith.constant 0 : i32
      %dma_wait3A_248 = arith.constant 0 : i32
      %dma_wait3A_249 = tpu.memref_slice %arg5[%dma_wait3A, %dma_wait3A_248] : memref<3x128xi32, #tpu.memory_space<vmem>> -> memref<1x128xi32, #tpu.memory_space<vmem>>
      %dma_wait3A_250 = tpu.memref_squeeze %dma_wait3A_249 : memref<1x128xi32, #tpu.memory_space<vmem>> -> memref<128xi32, #tpu.memory_space<vmem>>
      %dma_wait3A_251 = tpu.memref_slice %arg3[%mul3A_247] : memref<100000xi32, #tpu.memory_space<hbm>> -> memref<128xi32, #tpu.memory_space<hbm>>
      %dma_wait3A_252 = arith.constant 0 : i32
      %dma_wait3A_253 = tpu.memref_slice %arg5[%dma_wait3A, %dma_wait3A_252] : memref<3x128xi32, #tpu.memory_space<vmem>> -> memref<1x128xi32, #tpu.memory_space<vmem>>
      %dma_wait3A_254 = tpu.memref_squeeze %dma_wait3A_253 : memref<1x128xi32, #tpu.memory_space<vmem>> -> memref<128xi32, #tpu.memory_space<vmem>>
      %dma_wait3A_255 = tpu.memref_slice %arg3[%mul3A_247] : memref<100000xi32, #tpu.memory_space<hbm>> -> memref<128xi32, #tpu.memory_space<hbm>>
      tpu.wait_dma2 semaphore(%arg13 : memref<!tpu.dma_semaphore, #tpu.memory_space<semaphore_mem>>) src(%dma_wait3A_255 : memref<128xi32, #tpu.memory_space<hbm>>) dst(%dma_wait3A_254 : memref<128xi32, #tpu.memory_space<vmem>>)
    } else {
    }
    %add3A_123 = arith.constant 768 : i32
    %add3A_124 = arith.addi %add3A, %add3A_123 : i32
    %lt3A_125 = arith.constant 781 : i32
    %lt3A_126 = arith.cmpi slt, %add3A_124, %lt3A_125 : i32
    %convert_element_type3A_127 = arith.extui %lt3A_126 : i1 to i32
    %cond3A_128 = arith.constant 0 : i32
    %cond3A_129 = arith.cmpi ne, %convert_element_type3A_127, %cond3A_128 : i32
    scf.if %cond3A_129 {
      %dma_start3A = arith.constant 0 : i32
      %dma_start3A_244 = arith.constant 0 : i32
      %dma_start3A_245 = arith.constant 0 : i32
      %dma_start3A_246 = arith.constant 0 : i32
      %dma_start3A_247 = tpu.memref_slice %arg6[%dma_start3A_244, %dma_start3A_245, %dma_start3A_246] : memref<3x128x128xf32, #tpu.memory_space<vmem>> -> memref<1x128x128xf32, #tpu.memory_space<vmem>>
      %dma_start3A_248 = tpu.memref_squeeze %dma_start3A_247 : memref<1x128x128xf32, #tpu.memory_space<vmem>> -> memref<128x128xf32, #tpu.memory_space<vmem>>
      %dma_start3A_249 = arith.constant 0 : i32
      %dma_start3A_250 = tpu.memref_slice %arg5[%dma_start3A, %dma_start3A_249] : memref<3x128xi32, #tpu.memory_space<vmem>> -> memref<1x128xi32, #tpu.memory_space<vmem>>
      %dma_start3A_251 = tpu.memref_squeeze %dma_start3A_250 : memref<1x128xi32, #tpu.memory_space<vmem>> -> memref<128xi32, #tpu.memory_space<vmem>>
      %dma_start3A_252 = arith.constant 0 : i32
      %dma_start3A_253 = arith.constant 0 : i32
      %dma_start3A_254 = tpu.memref_slice %arg9[%dma_start3A_252, %dma_start3A_253] : memref<89x128xf32, #tpu.memory_space<vmem_shared>> -> memref<89x128xf32, #tpu.memory_space<vmem_shared>>
      tpu.enqueue_indirect_dma source(%dma_start3A_254 : memref<89x128xf32, #tpu.memory_space<vmem_shared>>) target(%dma_start3A_248 : memref<128x128xf32, #tpu.memory_space<vmem>>) offsets(%dma_start3A_251 : memref<128xi32, #tpu.memory_space<vmem>>) semaphore(%arg10 : memref<!tpu.dma_semaphore, #tpu.memory_space<semaphore_mem>>)
    } else {
    }
    %add3A_130 = arith.constant 736 : i32
    %add3A_131 = arith.addi %add3A, %add3A_130 : i32
    %lt3A_132 = arith.constant 781 : i32
    %lt3A_133 = arith.cmpi slt, %add3A_131, %lt3A_132 : i32
    %convert_element_type3A_134 = arith.extui %lt3A_133 : i1 to i32
    %cond3A_135 = arith.constant 0 : i32
    %cond3A_136 = arith.cmpi ne, %convert_element_type3A_134, %cond3A_135 : i32
    scf.if %cond3A_136 {
      %dma_wait3A = arith.constant 2 : i32
      %dma_wait3A_244 = arith.constant 2 : i32
      %dma_wait3A_245 = arith.constant 0 : i32
      %dma_wait3A_246 = arith.constant 0 : i32
      %dma_wait3A_247 = tpu.memref_slice %arg6[%dma_wait3A_244, %dma_wait3A_245, %dma_wait3A_246] : memref<3x128x128xf32, #tpu.memory_space<vmem>> -> memref<1x128x128xf32, #tpu.memory_space<vmem>>
      %dma_wait3A_248 = tpu.memref_squeeze %dma_wait3A_247 : memref<1x128x128xf32, #tpu.memory_space<vmem>> -> memref<128x128xf32, #tpu.memory_space<vmem>>
      %dma_wait3A_249 = arith.constant 0 : i32
      %dma_wait3A_250 = tpu.memref_slice %arg5[%dma_wait3A, %dma_wait3A_249] : memref<3x128xi32, #tpu.memory_space<vmem>> -> memref<1x128xi32, #tpu.memory_space<vmem>>
      %dma_wait3A_251 = tpu.memref_squeeze %dma_wait3A_250 : memref<1x128xi32, #tpu.memory_space<vmem>> -> memref<128xi32, #tpu.memory_space<vmem>>
      %dma_wait3A_252 = arith.constant 0 : i32
      %dma_wait3A_253 = arith.constant 0 : i32
      %dma_wait3A_254 = tpu.memref_slice %arg9[%dma_wait3A_252, %dma_wait3A_253] : memref<89x128xf32, #tpu.memory_space<vmem_shared>> -> memref<89x128xf32, #tpu.memory_space<vmem_shared>>
      tpu.wait_indirect_dma semaphore(%arg12 : memref<!tpu.dma_semaphore, #tpu.memory_space<semaphore_mem>>) src(%dma_wait3A_254 : memref<89x128xf32, #tpu.memory_space<vmem_shared>>) dst(%dma_wait3A_248 : memref<128x128xf32, #tpu.memory_space<vmem>>)
    } else {
    }
    %add3A_137 = arith.constant 736 : i32
    %add3A_138 = arith.addi %add3A, %add3A_137 : i32
    %lt3A_139 = arith.constant 781 : i32
    %lt3A_140 = arith.cmpi slt, %add3A_138, %lt3A_139 : i32
    %convert_element_type3A_141 = arith.extui %lt3A_140 : i1 to i32
    %cond3A_142 = arith.constant 0 : i32
    %cond3A_143 = arith.cmpi ne, %convert_element_type3A_141, %cond3A_142 : i32
    scf.if %cond3A_143 {
      %add3A_244 = arith.constant 736 : i32
      %add3A_245 = arith.addi %add3A, %add3A_244 : i32
      %mul3A_246 = arith.constant 128 : i32
      %mul3A_247 = arith.muli %add3A_245, %mul3A_246 : i32
      %dma_start3A = arith.constant 2 : i32
      %dma_start3A_248 = arith.constant 0 : i32
      %dma_start3A_249 = arith.constant 0 : i32
      %dma_start3A_250 = tpu.memref_slice %arg6[%dma_start3A, %dma_start3A_248, %dma_start3A_249] : memref<3x128x128xf32, #tpu.memory_space<vmem>> -> memref<1x128x128xf32, #tpu.memory_space<vmem>>
      %dma_start3A_251 = tpu.memref_squeeze %dma_start3A_250 : memref<1x128x128xf32, #tpu.memory_space<vmem>> -> memref<128x128xf32, #tpu.memory_space<vmem>>
      %dma_start3A_252 = arith.constant 0 : i32
      %dma_start3A_253 = tpu.memref_slice %arg4[%mul3A_247, %dma_start3A_252] : memref<100000x128xf32, #tpu.memory_space<hbm>> -> memref<128x128xf32, #tpu.memory_space<hbm>>
      %dma_start3A_254 = arith.constant 0 : i32
      %dma_start3A_255 = tpu.memref_slice %arg4[%mul3A_247, %dma_start3A_254] : memref<100000x128xf32, #tpu.memory_space<hbm>> -> memref<128x128xf32, #tpu.memory_space<hbm>>
      %dma_start3A_256 = arith.constant 0 : i32
      %dma_start3A_257 = arith.constant 0 : i32
      %dma_start3A_258 = tpu.memref_slice %arg6[%dma_start3A, %dma_start3A_256, %dma_start3A_257] : memref<3x128x128xf32, #tpu.memory_space<vmem>> -> memref<1x128x128xf32, #tpu.memory_space<vmem>>
      %dma_start3A_259 = tpu.memref_squeeze %dma_start3A_258 : memref<1x128x128xf32, #tpu.memory_space<vmem>> -> memref<128x128xf32, #tpu.memory_space<vmem>>
      tpu.enqueue_dma source(%dma_start3A_259 : memref<128x128xf32, #tpu.memory_space<vmem>>) target(%dma_start3A_255 : memref<128x128xf32, #tpu.memory_space<hbm>>) target_semaphore(%arg18 : memref<!tpu.dma_semaphore, #tpu.memory_space<semaphore_mem>>)
    } else {
    }
    %add3A_144 = arith.constant 800 : i32
    %add3A_145 = arith.addi %add3A, %add3A_144 : i32
    %lt3A_146 = arith.constant 781 : i32
    %lt3A_147 = arith.cmpi slt, %add3A_145, %lt3A_146 : i32
    %convert_element_type3A_148 = arith.extui %lt3A_147 : i1 to i32
    %cond3A_149 = arith.constant 0 : i32
    %cond3A_150 = arith.cmpi ne, %convert_element_type3A_148, %cond3A_149 : i32
    scf.if %cond3A_150 {
      %add3A_244 = arith.constant 800 : i32
      %add3A_245 = arith.addi %add3A, %add3A_244 : i32
      %mul3A_246 = arith.constant 128 : i32
      %mul3A_247 = arith.muli %add3A_245, %mul3A_246 : i32
      %dma_start3A = arith.constant 1 : i32
      %dma_start3A_248 = arith.constant 0 : i32
      %dma_start3A_249 = tpu.memref_slice %arg5[%dma_start3A, %dma_start3A_248] : memref<3x128xi32, #tpu.memory_space<vmem>> -> memref<1x128xi32, #tpu.memory_space<vmem>>
      %dma_start3A_250 = tpu.memref_squeeze %dma_start3A_249 : memref<1x128xi32, #tpu.memory_space<vmem>> -> memref<128xi32, #tpu.memory_space<vmem>>
      %dma_start3A_251 = tpu.memref_slice %arg3[%mul3A_247] : memref<100000xi32, #tpu.memory_space<hbm>> -> memref<128xi32, #tpu.memory_space<hbm>>
      %dma_start3A_252 = arith.constant 0 : i32
      %dma_start3A_253 = tpu.memref_slice %arg5[%dma_start3A, %dma_start3A_252] : memref<3x128xi32, #tpu.memory_space<vmem>> -> memref<1x128xi32, #tpu.memory_space<vmem>>
      %dma_start3A_254 = tpu.memref_squeeze %dma_start3A_253 : memref<1x128xi32, #tpu.memory_space<vmem>> -> memref<128xi32, #tpu.memory_space<vmem>>
      %dma_start3A_255 = tpu.memref_slice %arg3[%mul3A_247] : memref<100000xi32, #tpu.memory_space<hbm>> -> memref<128xi32, #tpu.memory_space<hbm>>
      tpu.enqueue_dma source(%dma_start3A_255 : memref<128xi32, #tpu.memory_space<hbm>>) target(%dma_start3A_254 : memref<128xi32, #tpu.memory_space<vmem>>) target_semaphore(%arg14 : memref<!tpu.dma_semaphore, #tpu.memory_space<semaphore_mem>>)
    } else {
    }
    %add3A_151 = arith.constant 800 : i32
    %add3A_152 = arith.addi %add3A, %add3A_151 : i32
    %lt3A_153 = arith.constant 781 : i32
    %lt3A_154 = arith.cmpi slt, %add3A_152, %lt3A_153 : i32
    %convert_element_type3A_155 = arith.extui %lt3A_154 : i1 to i32
    %cond3A_156 = arith.constant 0 : i32
    %cond3A_157 = arith.cmpi ne, %convert_element_type3A_155, %cond3A_156 : i32
    scf.if %cond3A_157 {
      %add3A_244 = arith.constant 704 : i32
      %add3A_245 = arith.addi %add3A, %add3A_244 : i32
      %mul3A_246 = arith.constant 128 : i32
      %mul3A_247 = arith.muli %add3A_245, %mul3A_246 : i32
      %dma_wait3A = arith.constant 1 : i32
      %dma_wait3A_248 = arith.constant 0 : i32
      %dma_wait3A_249 = arith.constant 0 : i32
      %dma_wait3A_250 = tpu.memref_slice %arg6[%dma_wait3A, %dma_wait3A_248, %dma_wait3A_249] : memref<3x128x128xf32, #tpu.memory_space<vmem>> -> memref<1x128x128xf32, #tpu.memory_space<vmem>>
      %dma_wait3A_251 = tpu.memref_squeeze %dma_wait3A_250 : memref<1x128x128xf32, #tpu.memory_space<vmem>> -> memref<128x128xf32, #tpu.memory_space<vmem>>
      %dma_wait3A_252 = arith.constant 0 : i32
      %dma_wait3A_253 = tpu.memref_slice %arg4[%mul3A_247, %dma_wait3A_252] : memref<100000x128xf32, #tpu.memory_space<hbm>> -> memref<128x128xf32, #tpu.memory_space<hbm>>
      %dma_wait3A_254 = arith.constant 0 : i32
      %dma_wait3A_255 = tpu.memref_slice %arg4[%mul3A_247, %dma_wait3A_254] : memref<100000x128xf32, #tpu.memory_space<hbm>> -> memref<128x128xf32, #tpu.memory_space<hbm>>
      %dma_wait3A_256 = arith.constant 0 : i32
      %dma_wait3A_257 = arith.constant 0 : i32
      %dma_wait3A_258 = tpu.memref_slice %arg6[%dma_wait3A, %dma_wait3A_256, %dma_wait3A_257] : memref<3x128x128xf32, #tpu.memory_space<vmem>> -> memref<1x128x128xf32, #tpu.memory_space<vmem>>
      %dma_wait3A_259 = tpu.memref_squeeze %dma_wait3A_258 : memref<1x128x128xf32, #tpu.memory_space<vmem>> -> memref<128x128xf32, #tpu.memory_space<vmem>>
      tpu.wait_dma2 semaphore(%arg17 : memref<!tpu.dma_semaphore, #tpu.memory_space<semaphore_mem>>) src(%dma_wait3A_259 : memref<128x128xf32, #tpu.memory_space<vmem>>) dst(%dma_wait3A_255 : memref<128x128xf32, #tpu.memory_space<hbm>>)
    } else {
    }
    %add3A_158 = arith.constant 800 : i32
    %add3A_159 = arith.addi %add3A, %add3A_158 : i32
    %lt3A_160 = arith.constant 781 : i32
    %lt3A_161 = arith.cmpi slt, %add3A_159, %lt3A_160 : i32
    %convert_element_type3A_162 = arith.extui %lt3A_161 : i1 to i32
    %cond3A_163 = arith.constant 0 : i32
    %cond3A_164 = arith.cmpi ne, %convert_element_type3A_162, %cond3A_163 : i32
    scf.if %cond3A_164 {
      %add3A_244 = arith.constant 800 : i32
      %add3A_245 = arith.addi %add3A, %add3A_244 : i32
      %mul3A_246 = arith.constant 128 : i32
      %mul3A_247 = arith.muli %add3A_245, %mul3A_246 : i32
      %dma_wait3A = arith.constant 1 : i32
      %dma_wait3A_248 = arith.constant 0 : i32
      %dma_wait3A_249 = tpu.memref_slice %arg5[%dma_wait3A, %dma_wait3A_248] : memref<3x128xi32, #tpu.memory_space<vmem>> -> memref<1x128xi32, #tpu.memory_space<vmem>>
      %dma_wait3A_250 = tpu.memref_squeeze %dma_wait3A_249 : memref<1x128xi32, #tpu.memory_space<vmem>> -> memref<128xi32, #tpu.memory_space<vmem>>
      %dma_wait3A_251 = tpu.memref_slice %arg3[%mul3A_247] : memref<100000xi32, #tpu.memory_space<hbm>> -> memref<128xi32, #tpu.memory_space<hbm>>
      %dma_wait3A_252 = arith.constant 0 : i32
      %dma_wait3A_253 = tpu.memref_slice %arg5[%dma_wait3A, %dma_wait3A_252] : memref<3x128xi32, #tpu.memory_space<vmem>> -> memref<1x128xi32, #tpu.memory_space<vmem>>
      %dma_wait3A_254 = tpu.memref_squeeze %dma_wait3A_253 : memref<1x128xi32, #tpu.memory_space<vmem>> -> memref<128xi32, #tpu.memory_space<vmem>>
      %dma_wait3A_255 = tpu.memref_slice %arg3[%mul3A_247] : memref<100000xi32, #tpu.memory_space<hbm>> -> memref<128xi32, #tpu.memory_space<hbm>>
      tpu.wait_dma2 semaphore(%arg14 : memref<!tpu.dma_semaphore, #tpu.memory_space<semaphore_mem>>) src(%dma_wait3A_255 : memref<128xi32, #tpu.memory_space<hbm>>) dst(%dma_wait3A_254 : memref<128xi32, #tpu.memory_space<vmem>>)
    } else {
    }
    %add3A_165 = arith.constant 800 : i32
    %add3A_166 = arith.addi %add3A, %add3A_165 : i32
    %lt3A_167 = arith.constant 781 : i32
    %lt3A_168 = arith.cmpi slt, %add3A_166, %lt3A_167 : i32
    %convert_element_type3A_169 = arith.extui %lt3A_168 : i1 to i32
    %cond3A_170 = arith.constant 0 : i32
    %cond3A_171 = arith.cmpi ne, %convert_element_type3A_169, %cond3A_170 : i32
    scf.if %cond3A_171 {
      %dma_start3A = arith.constant 1 : i32
      %dma_start3A_244 = arith.constant 1 : i32
      %dma_start3A_245 = arith.constant 0 : i32
      %dma_start3A_246 = arith.constant 0 : i32
      %dma_start3A_247 = tpu.memref_slice %arg6[%dma_start3A_244, %dma_start3A_245, %dma_start3A_246] : memref<3x128x128xf32, #tpu.memory_space<vmem>> -> memref<1x128x128xf32, #tpu.memory_space<vmem>>
      %dma_start3A_248 = tpu.memref_squeeze %dma_start3A_247 : memref<1x128x128xf32, #tpu.memory_space<vmem>> -> memref<128x128xf32, #tpu.memory_space<vmem>>
      %dma_start3A_249 = arith.constant 0 : i32
      %dma_start3A_250 = tpu.memref_slice %arg5[%dma_start3A, %dma_start3A_249] : memref<3x128xi32, #tpu.memory_space<vmem>> -> memref<1x128xi32, #tpu.memory_space<vmem>>
      %dma_start3A_251 = tpu.memref_squeeze %dma_start3A_250 : memref<1x128xi32, #tpu.memory_space<vmem>> -> memref<128xi32, #tpu.memory_space<vmem>>
      %dma_start3A_252 = arith.constant 0 : i32
      %dma_start3A_253 = arith.constant 0 : i32
      %dma_start3A_254 = tpu.memref_slice %arg9[%dma_start3A_252, %dma_start3A_253] : memref<89x128xf32, #tpu.memory_space<vmem_shared>> -> memref<89x128xf32, #tpu.memory_space<vmem_shared>>
      tpu.enqueue_indirect_dma source(%dma_start3A_254 : memref<89x128xf32, #tpu.memory_space<vmem_shared>>) target(%dma_start3A_248 : memref<128x128xf32, #tpu.memory_space<vmem>>) offsets(%dma_start3A_251 : memref<128xi32, #tpu.memory_space<vmem>>) semaphore(%arg11 : memref<!tpu.dma_semaphore, #tpu.memory_space<semaphore_mem>>)
    } else {
    }
    %add3A_172 = arith.constant 768 : i32
    %add3A_173 = arith.addi %add3A, %add3A_172 : i32
    %lt3A_174 = arith.constant 781 : i32
    %lt3A_175 = arith.cmpi slt, %add3A_173, %lt3A_174 : i32
    %convert_element_type3A_176 = arith.extui %lt3A_175 : i1 to i32
    %cond3A_177 = arith.constant 0 : i32
    %cond3A_178 = arith.cmpi ne, %convert_element_type3A_176, %cond3A_177 : i32
    scf.if %cond3A_178 {
      %dma_wait3A = arith.constant 0 : i32
      %dma_wait3A_244 = arith.constant 0 : i32
      %dma_wait3A_245 = arith.constant 0 : i32
      %dma_wait3A_246 = arith.constant 0 : i32
      %dma_wait3A_247 = tpu.memref_slice %arg6[%dma_wait3A_244, %dma_wait3A_245, %dma_wait3A_246] : memref<3x128x128xf32, #tpu.memory_space<vmem>> -> memref<1x128x128xf32, #tpu.memory_space<vmem>>
      %dma_wait3A_248 = tpu.memref_squeeze %dma_wait3A_247 : memref<1x128x128xf32, #tpu.memory_space<vmem>> -> memref<128x128xf32, #tpu.memory_space<vmem>>
      %dma_wait3A_249 = arith.constant 0 : i32
      %dma_wait3A_250 = tpu.memref_slice %arg5[%dma_wait3A, %dma_wait3A_249] : memref<3x128xi32, #tpu.memory_space<vmem>> -> memref<1x128xi32, #tpu.memory_space<vmem>>
      %dma_wait3A_251 = tpu.memref_squeeze %dma_wait3A_250 : memref<1x128xi32, #tpu.memory_space<vmem>> -> memref<128xi32, #tpu.memory_space<vmem>>
      %dma_wait3A_252 = arith.constant 0 : i32
      %dma_wait3A_253 = arith.constant 0 : i32
      %dma_wait3A_254 = tpu.memref_slice %arg9[%dma_wait3A_252, %dma_wait3A_253] : memref<89x128xf32, #tpu.memory_space<vmem_shared>> -> memref<89x128xf32, #tpu.memory_space<vmem_shared>>
      tpu.wait_indirect_dma semaphore(%arg10 : memref<!tpu.dma_semaphore, #tpu.memory_space<semaphore_mem>>) src(%dma_wait3A_254 : memref<89x128xf32, #tpu.memory_space<vmem_shared>>) dst(%dma_wait3A_248 : memref<128x128xf32, #tpu.memory_space<vmem>>)
    } else {
    }
    %add3A_179 = arith.constant 768 : i32
    %add3A_180 = arith.addi %add3A, %add3A_179 : i32
    %lt3A_181 = arith.constant 781 : i32
    %lt3A_182 = arith.cmpi slt, %add3A_180, %lt3A_181 : i32
    %convert_element_type3A_183 = arith.extui %lt3A_182 : i1 to i32
    %cond3A_184 = arith.constant 0 : i32
    %cond3A_185 = arith.cmpi ne, %convert_element_type3A_183, %cond3A_184 : i32
    scf.if %cond3A_185 {
      %add3A_244 = arith.constant 768 : i32
      %add3A_245 = arith.addi %add3A, %add3A_244 : i32
      %mul3A_246 = arith.constant 128 : i32
      %mul3A_247 = arith.muli %add3A_245, %mul3A_246 : i32
      %dma_start3A = arith.constant 0 : i32
      %dma_start3A_248 = arith.constant 0 : i32
      %dma_start3A_249 = arith.constant 0 : i32
      %dma_start3A_250 = tpu.memref_slice %arg6[%dma_start3A, %dma_start3A_248, %dma_start3A_249] : memref<3x128x128xf32, #tpu.memory_space<vmem>> -> memref<1x128x128xf32, #tpu.memory_space<vmem>>
      %dma_start3A_251 = tpu.memref_squeeze %dma_start3A_250 : memref<1x128x128xf32, #tpu.memory_space<vmem>> -> memref<128x128xf32, #tpu.memory_space<vmem>>
      %dma_start3A_252 = arith.constant 0 : i32
      %dma_start3A_253 = tpu.memref_slice %arg4[%mul3A_247, %dma_start3A_252] : memref<100000x128xf32, #tpu.memory_space<hbm>> -> memref<128x128xf32, #tpu.memory_space<hbm>>
      %dma_start3A_254 = arith.constant 0 : i32
      %dma_start3A_255 = tpu.memref_slice %arg4[%mul3A_247, %dma_start3A_254] : memref<100000x128xf32, #tpu.memory_space<hbm>> -> memref<128x128xf32, #tpu.memory_space<hbm>>
      %dma_start3A_256 = arith.constant 0 : i32
      %dma_start3A_257 = arith.constant 0 : i32
      %dma_start3A_258 = tpu.memref_slice %arg6[%dma_start3A, %dma_start3A_256, %dma_start3A_257] : memref<3x128x128xf32, #tpu.memory_space<vmem>> -> memref<1x128x128xf32, #tpu.memory_space<vmem>>
      %dma_start3A_259 = tpu.memref_squeeze %dma_start3A_258 : memref<1x128x128xf32, #tpu.memory_space<vmem>> -> memref<128x128xf32, #tpu.memory_space<vmem>>
      tpu.enqueue_dma source(%dma_start3A_259 : memref<128x128xf32, #tpu.memory_space<vmem>>) target(%dma_start3A_255 : memref<128x128xf32, #tpu.memory_space<hbm>>) target_semaphore(%arg16 : memref<!tpu.dma_semaphore, #tpu.memory_space<semaphore_mem>>)
    } else {
    }
    %add3A_186 = arith.constant 832 : i32
    %add3A_187 = arith.addi %add3A, %add3A_186 : i32
    %lt3A_188 = arith.constant 781 : i32
    %lt3A_189 = arith.cmpi slt, %add3A_187, %lt3A_188 : i32
    %convert_element_type3A_190 = arith.extui %lt3A_189 : i1 to i32
    %cond3A_191 = arith.constant 0 : i32
    %cond3A_192 = arith.cmpi ne, %convert_element_type3A_190, %cond3A_191 : i32
    scf.if %cond3A_192 {
      %add3A_244 = arith.constant 832 : i32
      %add3A_245 = arith.addi %add3A, %add3A_244 : i32
      %mul3A_246 = arith.constant 128 : i32
      %mul3A_247 = arith.muli %add3A_245, %mul3A_246 : i32
      %dma_start3A = arith.constant 2 : i32
      %dma_start3A_248 = arith.constant 0 : i32
      %dma_start3A_249 = tpu.memref_slice %arg5[%dma_start3A, %dma_start3A_248] : memref<3x128xi32, #tpu.memory_space<vmem>> -> memref<1x128xi32, #tpu.memory_space<vmem>>
      %dma_start3A_250 = tpu.memref_squeeze %dma_start3A_249 : memref<1x128xi32, #tpu.memory_space<vmem>> -> memref<128xi32, #tpu.memory_space<vmem>>
      %dma_start3A_251 = tpu.memref_slice %arg3[%mul3A_247] : memref<100000xi32, #tpu.memory_space<hbm>> -> memref<128xi32, #tpu.memory_space<hbm>>
      %dma_start3A_252 = arith.constant 0 : i32
      %dma_start3A_253 = tpu.memref_slice %arg5[%dma_start3A, %dma_start3A_252] : memref<3x128xi32, #tpu.memory_space<vmem>> -> memref<1x128xi32, #tpu.memory_space<vmem>>
      %dma_start3A_254 = tpu.memref_squeeze %dma_start3A_253 : memref<1x128xi32, #tpu.memory_space<vmem>> -> memref<128xi32, #tpu.memory_space<vmem>>
      %dma_start3A_255 = tpu.memref_slice %arg3[%mul3A_247] : memref<100000xi32, #tpu.memory_space<hbm>> -> memref<128xi32, #tpu.memory_space<hbm>>
      tpu.enqueue_dma source(%dma_start3A_255 : memref<128xi32, #tpu.memory_space<hbm>>) target(%dma_start3A_254 : memref<128xi32, #tpu.memory_space<vmem>>) target_semaphore(%arg15 : memref<!tpu.dma_semaphore, #tpu.memory_space<semaphore_mem>>)
    } else {
    }
    %add3A_193 = arith.constant 672 : i32
    %add3A_194 = arith.addi %add3A, %add3A_193 : i32
    %lt3A_195 = arith.constant 781 : i32
    %lt3A_196 = arith.cmpi slt, %add3A_194, %lt3A_195 : i32
    %add3A_197 = arith.constant 768 : i32
    %add3A_198 = arith.addi %add3A, %add3A_197 : i32
    %ge3A = arith.constant 781 : i32
    %ge3A_199 = arith.cmpi sge, %add3A_198, %ge3A : i32
    %and3A = arith.andi %lt3A_196, %ge3A_199 : i1
    %convert_element_type3A_200 = arith.extui %and3A : i1 to i32
    %cond3A_201 = arith.constant 0 : i32
    %cond3A_202 = arith.cmpi ne, %convert_element_type3A_200, %cond3A_201 : i32
    scf.if %cond3A_202 {
      %add3A_244 = arith.constant 672 : i32
      %add3A_245 = arith.addi %add3A, %add3A_244 : i32
      %mul3A_246 = arith.constant 128 : i32
      %mul3A_247 = arith.muli %add3A_245, %mul3A_246 : i32
      %dma_wait3A = arith.constant 0 : i32
      %dma_wait3A_248 = arith.constant 0 : i32
      %dma_wait3A_249 = arith.constant 0 : i32
      %dma_wait3A_250 = tpu.memref_slice %arg6[%dma_wait3A, %dma_wait3A_248, %dma_wait3A_249] : memref<3x128x128xf32, #tpu.memory_space<vmem>> -> memref<1x128x128xf32, #tpu.memory_space<vmem>>
      %dma_wait3A_251 = tpu.memref_squeeze %dma_wait3A_250 : memref<1x128x128xf32, #tpu.memory_space<vmem>> -> memref<128x128xf32, #tpu.memory_space<vmem>>
      %dma_wait3A_252 = arith.constant 0 : i32
      %dma_wait3A_253 = tpu.memref_slice %arg4[%mul3A_247, %dma_wait3A_252] : memref<100000x128xf32, #tpu.memory_space<hbm>> -> memref<128x128xf32, #tpu.memory_space<hbm>>
      %dma_wait3A_254 = arith.constant 0 : i32
      %dma_wait3A_255 = tpu.memref_slice %arg4[%mul3A_247, %dma_wait3A_254] : memref<100000x128xf32, #tpu.memory_space<hbm>> -> memref<128x128xf32, #tpu.memory_space<hbm>>
      %dma_wait3A_256 = arith.constant 0 : i32
      %dma_wait3A_257 = arith.constant 0 : i32
      %dma_wait3A_258 = tpu.memref_slice %arg6[%dma_wait3A, %dma_wait3A_256, %dma_wait3A_257] : memref<3x128x128xf32, #tpu.memory_space<vmem>> -> memref<1x128x128xf32, #tpu.memory_space<vmem>>
      %dma_wait3A_259 = tpu.memref_squeeze %dma_wait3A_258 : memref<1x128x128xf32, #tpu.memory_space<vmem>> -> memref<128x128xf32, #tpu.memory_space<vmem>>
      tpu.wait_dma2 semaphore(%arg16 : memref<!tpu.dma_semaphore, #tpu.memory_space<semaphore_mem>>) src(%dma_wait3A_259 : memref<128x128xf32, #tpu.memory_space<vmem>>) dst(%dma_wait3A_255 : memref<128x128xf32, #tpu.memory_space<hbm>>)
    } else {
    }
    %add3A_203 = arith.constant 704 : i32
    %add3A_204 = arith.addi %add3A, %add3A_203 : i32
    %lt3A_205 = arith.constant 781 : i32
    %lt3A_206 = arith.cmpi slt, %add3A_204, %lt3A_205 : i32
    %add3A_207 = arith.constant 800 : i32
    %add3A_208 = arith.addi %add3A, %add3A_207 : i32
    %ge3A_209 = arith.constant 781 : i32
    %ge3A_210 = arith.cmpi sge, %add3A_208, %ge3A_209 : i32
    %and3A_211 = arith.andi %lt3A_206, %ge3A_210 : i1
    %convert_element_type3A_212 = arith.extui %and3A_211 : i1 to i32
    %cond3A_213 = arith.constant 0 : i32
    %cond3A_214 = arith.cmpi ne, %convert_element_type3A_212, %cond3A_213 : i32
    scf.if %cond3A_214 {
      %add3A_244 = arith.constant 704 : i32
      %add3A_245 = arith.addi %add3A, %add3A_244 : i32
      %mul3A_246 = arith.constant 128 : i32
      %mul3A_247 = arith.muli %add3A_245, %mul3A_246 : i32
      %dma_wait3A = arith.constant 1 : i32
      %dma_wait3A_248 = arith.constant 0 : i32
      %dma_wait3A_249 = arith.constant 0 : i32
      %dma_wait3A_250 = tpu.memref_slice %arg6[%dma_wait3A, %dma_wait3A_248, %dma_wait3A_249] : memref<3x128x128xf32, #tpu.memory_space<vmem>> -> memref<1x128x128xf32, #tpu.memory_space<vmem>>
      %dma_wait3A_251 = tpu.memref_squeeze %dma_wait3A_250 : memref<1x128x128xf32, #tpu.memory_space<vmem>> -> memref<128x128xf32, #tpu.memory_space<vmem>>
      %dma_wait3A_252 = arith.constant 0 : i32
      %dma_wait3A_253 = tpu.memref_slice %arg4[%mul3A_247, %dma_wait3A_252] : memref<100000x128xf32, #tpu.memory_space<hbm>> -> memref<128x128xf32, #tpu.memory_space<hbm>>
      %dma_wait3A_254 = arith.constant 0 : i32
      %dma_wait3A_255 = tpu.memref_slice %arg4[%mul3A_247, %dma_wait3A_254] : memref<100000x128xf32, #tpu.memory_space<hbm>> -> memref<128x128xf32, #tpu.memory_space<hbm>>
      %dma_wait3A_256 = arith.constant 0 : i32
      %dma_wait3A_257 = arith.constant 0 : i32
      %dma_wait3A_258 = tpu.memref_slice %arg6[%dma_wait3A, %dma_wait3A_256, %dma_wait3A_257] : memref<3x128x128xf32, #tpu.memory_space<vmem>> -> memref<1x128x128xf32, #tpu.memory_space<vmem>>
      %dma_wait3A_259 = tpu.memref_squeeze %dma_wait3A_258 : memref<1x128x128xf32, #tpu.memory_space<vmem>> -> memref<128x128xf32, #tpu.memory_space<vmem>>
      tpu.wait_dma2 semaphore(%arg17 : memref<!tpu.dma_semaphore, #tpu.memory_space<semaphore_mem>>) src(%dma_wait3A_259 : memref<128x128xf32, #tpu.memory_space<vmem>>) dst(%dma_wait3A_255 : memref<128x128xf32, #tpu.memory_space<hbm>>)
    } else {
    }
    %add3A_215 = arith.constant 736 : i32
    %add3A_216 = arith.addi %add3A, %add3A_215 : i32
    %lt3A_217 = arith.constant 781 : i32
    %lt3A_218 = arith.cmpi slt, %add3A_216, %lt3A_217 : i32
    %add3A_219 = arith.constant 832 : i32
    %add3A_220 = arith.addi %add3A, %add3A_219 : i32
    %ge3A_221 = arith.constant 781 : i32
    %ge3A_222 = arith.cmpi sge, %add3A_220, %ge3A_221 : i32
    %and3A_223 = arith.andi %lt3A_218, %ge3A_222 : i1
    %convert_element_type3A_224 = arith.extui %and3A_223 : i1 to i32
    %cond3A_225 = arith.constant 0 : i32
    %cond3A_226 = arith.cmpi ne, %convert_element_type3A_224, %cond3A_225 : i32
    scf.if %cond3A_226 {
      %add3A_244 = arith.constant 736 : i32
      %add3A_245 = arith.addi %add3A, %add3A_244 : i32
      %mul3A_246 = arith.constant 128 : i32
      %mul3A_247 = arith.muli %add3A_245, %mul3A_246 : i32
      %dma_wait3A = arith.constant 2 : i32
      %dma_wait3A_248 = arith.constant 0 : i32
      %dma_wait3A_249 = arith.constant 0 : i32
      %dma_wait3A_250 = tpu.memref_slice %arg6[%dma_wait3A, %dma_wait3A_248, %dma_wait3A_249] : memref<3x128x128xf32, #tpu.memory_space<vmem>> -> memref<1x128x128xf32, #tpu.memory_space<vmem>>
      %dma_wait3A_251 = tpu.memref_squeeze %dma_wait3A_250 : memref<1x128x128xf32, #tpu.memory_space<vmem>> -> memref<128x128xf32, #tpu.memory_space<vmem>>
      %dma_wait3A_252 = arith.constant 0 : i32
      %dma_wait3A_253 = tpu.memref_slice %arg4[%mul3A_247, %dma_wait3A_252] : memref<100000x128xf32, #tpu.memory_space<hbm>> -> memref<128x128xf32, #tpu.memory_space<hbm>>
      %dma_wait3A_254 = arith.constant 0 : i32
      %dma_wait3A_255 = tpu.memref_slice %arg4[%mul3A_247, %dma_wait3A_254] : memref<100000x128xf32, #tpu.memory_space<hbm>> -> memref<128x128xf32, #tpu.memory_space<hbm>>
      %dma_wait3A_256 = arith.constant 0 : i32
      %dma_wait3A_257 = arith.constant 0 : i32
      %dma_wait3A_258 = tpu.memref_slice %arg6[%dma_wait3A, %dma_wait3A_256, %dma_wait3A_257] : memref<3x128x128xf32, #tpu.memory_space<vmem>> -> memref<1x128x128xf32, #tpu.memory_space<vmem>>
      %dma_wait3A_259 = tpu.memref_squeeze %dma_wait3A_258 : memref<1x128x128xf32, #tpu.memory_space<vmem>> -> memref<128x128xf32, #tpu.memory_space<vmem>>
      tpu.wait_dma2 semaphore(%arg18 : memref<!tpu.dma_semaphore, #tpu.memory_space<semaphore_mem>>) src(%dma_wait3A_259 : memref<128x128xf32, #tpu.memory_space<vmem>>) dst(%dma_wait3A_255 : memref<128x128xf32, #tpu.memory_space<hbm>>)
    } else {
    }
    %add3A_227 = arith.constant 768 : i32
    %add3A_228 = arith.addi %add3A, %add3A_227 : i32
    %lt3A_229 = arith.constant 781 : i32
    %lt3A_230 = arith.cmpi slt, %add3A_228, %lt3A_229 : i32
    %add3A_231 = arith.constant 864 : i32
    %add3A_232 = arith.addi %add3A, %add3A_231 : i32
    %ge3A_233 = arith.constant 781 : i32
    %ge3A_234 = arith.cmpi sge, %add3A_232, %ge3A_233 : i32
    %and3A_235 = arith.andi %lt3A_230, %ge3A_234 : i1
    %convert_element_type3A_236 = arith.extui %and3A_235 : i1 to i32
    %cond3A_237 = arith.constant 0 : i32
    %cond3A_238 = arith.cmpi ne, %convert_element_type3A_236, %cond3A_237 : i32
    scf.if %cond3A_238 {
      %add3A_244 = arith.constant 768 : i32
      %add3A_245 = arith.addi %add3A, %add3A_244 : i32
      %mul3A_246 = arith.constant 128 : i32
      %mul3A_247 = arith.muli %add3A_245, %mul3A_246 : i32
      %dma_wait3A = arith.constant 0 : i32
      %dma_wait3A_248 = arith.constant 0 : i32
      %dma_wait3A_249 = arith.constant 0 : i32
      %dma_wait3A_250 = tpu.memref_slice %arg6[%dma_wait3A, %dma_wait3A_248, %dma_wait3A_249] : memref<3x128x128xf32, #tpu.memory_space<vmem>> -> memref<1x128x128xf32, #tpu.memory_space<vmem>>
      %dma_wait3A_251 = tpu.memref_squeeze %dma_wait3A_250 : memref<1x128x128xf32, #tpu.memory_space<vmem>> -> memref<128x128xf32, #tpu.memory_space<vmem>>
      %dma_wait3A_252 = arith.constant 0 : i32
      %dma_wait3A_253 = tpu.memref_slice %arg4[%mul3A_247, %dma_wait3A_252] : memref<100000x128xf32, #tpu.memory_space<hbm>> -> memref<128x128xf32, #tpu.memory_space<hbm>>
      %dma_wait3A_254 = arith.constant 0 : i32
      %dma_wait3A_255 = tpu.memref_slice %arg4[%mul3A_247, %dma_wait3A_254] : memref<100000x128xf32, #tpu.memory_space<hbm>> -> memref<128x128xf32, #tpu.memory_space<hbm>>
      %dma_wait3A_256 = arith.constant 0 : i32
      %dma_wait3A_257 = arith.constant 0 : i32
      %dma_wait3A_258 = tpu.memref_slice %arg6[%dma_wait3A, %dma_wait3A_256, %dma_wait3A_257] : memref<3x128x128xf32, #tpu.memory_space<vmem>> -> memref<1x128x128xf32, #tpu.memory_space<vmem>>
      %dma_wait3A_259 = tpu.memref_squeeze %dma_wait3A_258 : memref<1x128x128xf32, #tpu.memory_space<vmem>> -> memref<128x128xf32, #tpu.memory_space<vmem>>
      tpu.wait_dma2 semaphore(%arg16 : memref<!tpu.dma_semaphore, #tpu.memory_space<semaphore_mem>>) src(%dma_wait3A_259 : memref<128x128xf32, #tpu.memory_space<vmem>>) dst(%dma_wait3A_255 : memref<128x128xf32, #tpu.memory_space<hbm>>)
    } else {
    }
    %eq3A_239 = arith.constant 13 : i32
    %eq3A_240 = arith.cmpi eq, %add3A, %eq3A_239 : i32
    %convert_element_type3A_241 = arith.extui %eq3A_240 : i1 to i32
    %cond3A_242 = arith.constant 0 : i32
    %cond3A_243 = arith.cmpi ne, %convert_element_type3A_241, %cond3A_242 : i32
    scf.if %cond3A_243 {
      "tpu.region"() ({
        %run_scoped3A_258 = tpu.sem_alloc : memref<!tpu.dma_semaphore, #tpu.memory_space<semaphore_mem>>
        %dma_start3A_259 = arith.constant 99968 : i32
        %dma_start3A_260 = tpu.memref_slice %arg3[%dma_start3A_259] : memref<100000xi32, #tpu.memory_space<hbm>> -> memref<32xi32, #tpu.memory_space<hbm>>
        %dma_start3A_261 = arith.constant 99968 : i32
        %dma_start3A_262 = tpu.memref_slice %arg3[%dma_start3A_261] : memref<100000xi32, #tpu.memory_space<hbm>> -> memref<32xi32, #tpu.memory_space<hbm>>
        tpu.enqueue_dma source(%dma_start3A_262 : memref<32xi32, #tpu.memory_space<hbm>>) target(%arg8 : memref<32xi32, #tpu.memory_space<vmem>>) target_semaphore(%run_scoped3A_258 : memref<!tpu.dma_semaphore, #tpu.memory_space<semaphore_mem>>)
        %dma_wait3A_263 = arith.constant 99968 : i32
        %dma_wait3A_264 = tpu.memref_slice %arg3[%dma_wait3A_263] : memref<100000xi32, #tpu.memory_space<hbm>> -> memref<32xi32, #tpu.memory_space<hbm>>
        %dma_wait3A_265 = arith.constant 99968 : i32
        %dma_wait3A_266 = tpu.memref_slice %arg3[%dma_wait3A_265] : memref<100000xi32, #tpu.memory_space<hbm>> -> memref<32xi32, #tpu.memory_space<hbm>>
        tpu.wait_dma2 semaphore(%run_scoped3A_258 : memref<!tpu.dma_semaphore, #tpu.memory_space<semaphore_mem>>) src(%dma_wait3A_266 : memref<32xi32, #tpu.memory_space<hbm>>) dst(%arg8 : memref<32xi32, #tpu.memory_space<vmem>>)
        tpu.yield
      }) : () -> ()
      %dma_start3A = arith.constant 0 : i32
      %dma_start3A_244 = arith.constant 0 : i32
      %dma_start3A_245 = arith.constant 0 : i32
      %dma_start3A_246 = tpu.memref_slice %arg6[%dma_start3A, %dma_start3A_244, %dma_start3A_245] : memref<3x128x128xf32, #tpu.memory_space<vmem>> -> memref<1x32x128xf32, #tpu.memory_space<vmem>>
      %dma_start3A_247 = tpu.memref_squeeze %dma_start3A_246 : memref<1x32x128xf32, #tpu.memory_space<vmem>> -> memref<32x128xf32, #tpu.memory_space<vmem>>
      %dma_start3A_248 = arith.constant 0 : i32
      %dma_start3A_249 = arith.constant 0 : i32
      %dma_start3A_250 = tpu.memref_slice %arg9[%dma_start3A_248, %dma_start3A_249] : memref<89x128xf32, #tpu.memory_space<vmem_shared>> -> memref<89x128xf32, #tpu.memory_space<vmem_shared>>
      tpu.enqueue_indirect_dma source(%dma_start3A_250 : memref<89x128xf32, #tpu.memory_space<vmem_shared>>) target(%dma_start3A_247 : memref<32x128xf32, #tpu.memory_space<vmem>>) offsets(%arg8 : memref<32xi32, #tpu.memory_space<vmem>>) semaphore(%arg10 : memref<!tpu.dma_semaphore, #tpu.memory_space<semaphore_mem>>)
      %dma_wait3A = arith.constant 0 : i32
      %dma_wait3A_251 = arith.constant 0 : i32
      %dma_wait3A_252 = arith.constant 0 : i32
      %dma_wait3A_253 = tpu.memref_slice %arg6[%dma_wait3A, %dma_wait3A_251, %dma_wait3A_252] : memref<3x128x128xf32, #tpu.memory_space<vmem>> -> memref<1x32x128xf32, #tpu.memory_space<vmem>>
      %dma_wait3A_254 = tpu.memref_squeeze %dma_wait3A_253 : memref<1x32x128xf32, #tpu.memory_space<vmem>> -> memref<32x128xf32, #tpu.memory_space<vmem>>
      %dma_wait3A_255 = arith.constant 0 : i32
      %dma_wait3A_256 = arith.constant 0 : i32
      %dma_wait3A_257 = tpu.memref_slice %arg9[%dma_wait3A_255, %dma_wait3A_256] : memref<89x128xf32, #tpu.memory_space<vmem_shared>> -> memref<89x128xf32, #tpu.memory_space<vmem_shared>>
      tpu.wait_indirect_dma semaphore(%arg10 : memref<!tpu.dma_semaphore, #tpu.memory_space<semaphore_mem>>) src(%dma_wait3A_257 : memref<89x128xf32, #tpu.memory_space<vmem_shared>>) dst(%dma_wait3A_254 : memref<32x128xf32, #tpu.memory_space<vmem>>)
      %run_scoped3A = arith.constant 0 : i32
      "tpu.region"() ({
        %run_scoped3A_258 = tpu.sem_alloc : memref<!tpu.dma_semaphore, #tpu.memory_space<semaphore_mem>>
        %dma_start3A_259 = arith.constant 0 : i32
        %dma_start3A_260 = arith.constant 0 : i32
        %dma_start3A_261 = tpu.memref_slice %arg6[%run_scoped3A, %dma_start3A_259, %dma_start3A_260] : memref<3x128x128xf32, #tpu.memory_space<vmem>> -> memref<1x32x128xf32, #tpu.memory_space<vmem>>
        %dma_start3A_262 = tpu.memref_squeeze %dma_start3A_261 : memref<1x32x128xf32, #tpu.memory_space<vmem>> -> memref<32x128xf32, #tpu.memory_space<vmem>>
        %dma_start3A_263 = arith.constant 99968 : i32
        %dma_start3A_264 = arith.constant 0 : i32
        %dma_start3A_265 = tpu.memref_slice %arg4[%dma_start3A_263, %dma_start3A_264] : memref<100000x128xf32, #tpu.memory_space<hbm>> -> memref<32x128xf32, #tpu.memory_space<hbm>>
        %dma_start3A_266 = arith.constant 99968 : i32
        %dma_start3A_267 = arith.constant 0 : i32
        %dma_start3A_268 = tpu.memref_slice %arg4[%dma_start3A_266, %dma_start3A_267] : memref<100000x128xf32, #tpu.memory_space<hbm>> -> memref<32x128xf32, #tpu.memory_space<hbm>>
        %dma_start3A_269 = arith.constant 0 : i32
        %dma_start3A_270 = arith.constant 0 : i32
        %dma_start3A_271 = tpu.memref_slice %arg6[%run_scoped3A, %dma_start3A_269, %dma_start3A_270] : memref<3x128x128xf32, #tpu.memory_space<vmem>> -> memref<1x32x128xf32, #tpu.memory_space<vmem>>
        %dma_start3A_272 = tpu.memref_squeeze %dma_start3A_271 : memref<1x32x128xf32, #tpu.memory_space<vmem>> -> memref<32x128xf32, #tpu.memory_space<vmem>>
        tpu.enqueue_dma source(%dma_start3A_272 : memref<32x128xf32, #tpu.memory_space<vmem>>) target(%dma_start3A_268 : memref<32x128xf32, #tpu.memory_space<hbm>>) target_semaphore(%run_scoped3A_258 : memref<!tpu.dma_semaphore, #tpu.memory_space<semaphore_mem>>)
        %dma_wait3A_273 = arith.constant 0 : i32
        %dma_wait3A_274 = arith.constant 0 : i32
        %dma_wait3A_275 = tpu.memref_slice %arg6[%run_scoped3A, %dma_wait3A_273, %dma_wait3A_274] : memref<3x128x128xf32, #tpu.memory_space<vmem>> -> memref<1x32x128xf32, #tpu.memory_space<vmem>>
        %dma_wait3A_276 = tpu.memref_squeeze %dma_wait3A_275 : memref<1x32x128xf32, #tpu.memory_space<vmem>> -> memref<32x128xf32, #tpu.memory_space<vmem>>
        %dma_wait3A_277 = arith.constant 99968 : i32
        %dma_wait3A_278 = arith.constant 0 : i32
        %dma_wait3A_279 = tpu.memref_slice %arg4[%dma_wait3A_277, %dma_wait3A_278] : memref<100000x128xf32, #tpu.memory_space<hbm>> -> memref<32x128xf32, #tpu.memory_space<hbm>>
        %dma_wait3A_280 = arith.constant 99968 : i32
        %dma_wait3A_281 = arith.constant 0 : i32
        %dma_wait3A_282 = tpu.memref_slice %arg4[%dma_wait3A_280, %dma_wait3A_281] : memref<100000x128xf32, #tpu.memory_space<hbm>> -> memref<32x128xf32, #tpu.memory_space<hbm>>
        %dma_wait3A_283 = arith.constant 0 : i32
        %dma_wait3A_284 = arith.constant 0 : i32
        %dma_wait3A_285 = tpu.memref_slice %arg6[%run_scoped3A, %dma_wait3A_283, %dma_wait3A_284] : memref<3x128x128xf32, #tpu.memory_space<vmem>> -> memref<1x32x128xf32, #tpu.memory_space<vmem>>
        %dma_wait3A_286 = tpu.memref_squeeze %dma_wait3A_285 : memref<1x32x128xf32, #tpu.memory_space<vmem>> -> memref<32x128xf32, #tpu.memory_space<vmem>>
        tpu.wait_dma2 semaphore(%run_scoped3A_258 : memref<!tpu.dma_semaphore, #tpu.memory_space<semaphore_mem>>) src(%dma_wait3A_286 : memref<32x128xf32, #tpu.memory_space<vmem>>) dst(%dma_wait3A_282 : memref<32x128xf32, #tpu.memory_space<hbm>>)
        tpu.yield
      }) : () -> ()
    } else {
    }
    return
  }
}

</mosaic_0001>

<sc_bundles>
// kernel: kernel.3.cloned.1.call-start
scs
__scs_entry_jumppad:
0x0: {  	(pc) =	sbr.rel $0x88, $3  }
0x1: {  	(tag) =	ssettag $0x0;
	lr =	simm.s32 $0x1  }
0x2: {  	[smem:$0x3F9F] =	sst lr;
	_ =	strace $0xD0000000  }
0x3: {  	_ = 	snop  }
0x4: {  	_ = 	snop  }
0x5: {  	_ = 	snop  }
0x6: {  	_ = 	snop  }
0x7: {  	_ = 	snop  }
__scs_overlays_trampoline_lowered:
0x8: {  	[smem:$0x3FAE] =	sst s0  }
0x9: {  	[smem:$0x3FAF] =	sst s1  }
0xa: {  	[smem:$0x3FB0] =	sst s2  }
0xb: {  	[smem:$0x3FB1] =	sst s3  }
0xc: {  	[smem:$0x3FB2] =	sst s4  }
0xd: {  	[smem:$0x3FB3] =	sst s5  }
0xe: {  	[smem:$0x3FB4] =	sst s6  }
0xf: {  	[smem:$0x3FB5] =	sst s7  }
0x10: {  	[smem:$0x3FB6] =	sst s8  }
0x11: {  	[smem:$0x3FB7] =	sst s9;
	s0 =	simm.s32 @!p0 $0x0  }
0x12: {  	s1 =	sld [smem:$0x3F9D];
	s0 =	simm.s32 @p0 $0x1  }
0x13: {  	[smem:$0x3FB8] =	sst s0;
	s0 =	simm.s32 @!p1 $0x0  }
0x14: {  	s2 =	sld [smem:$0x3F9C];
	s0 =	simm.s32 @p1 $0x1  }
0x15: {  	[smem:$0x3FB9] =	sst s0;
	s0 =	simm.s32 @!p2 $0x0  }
0x16: {  	s3 =	sld [smem:$0x3FDB];
	s0 =	simm.s32 @p2 $0x1  }
0x17: {  	s4 =	simm.s32 $0x1BF5;
	[smem:$0x3FBB] =	sst s0  }
0x18: {  	s0 =	sld [smem:$0x3F9E];
	_ =	swait.ge [sflag:s4], $0x0  }
0x19: {  	s7 =	sld [smem:$0x3F9F]  }
0x1a: {  	s8 =	sadd.s32 $0xFFFFE003, lr  }
0x1b: {  	s9 =	sadd.s32 $0xFFFFFEF7, lr;
	s5 =	simm.s32 $0xFFFFFFFF;
	p2 =	slt.u32 s8, $0xFFFFF086  }
0x1c: {  	p1 =	slt.u32 s9, $0xF7A;
	s5 =	simm.s32 @!p2 $0x0  }
0x1d: {  	s5 =	simm.s32 @p1 $0x1;
	p0 =	seq.s32 s7, s2  }
0x1e: {  	s7 =	smul.u32 @!p0 $0xF7A, s2;
	p2 =	seq.s32 @!p0 s5, $0x0  }
0x1f: {  	s9 =	smul.u32 $0xF7A, s1;
	s8 =	simm.s32 @!p0 $0x1BF5;
	p2 =	por !p2, p0  }
0x20: {  	[sflag:s8] =	ssyncset.s32 @!p0 $0xFFFFF086;
	s6 =	sadd.s32 @!p0 s3, s7;
	s7 =	simm.s32 @!p0 $0x108  }
0x21: {  	s3 =	sadd.s32 s3, s9;
	s6 =	sadd.s32 @!p0 $0x88, s6;
	s7 =	simm.s32 @p2 $0x1082  }
0x22: {  	[simem:s7], [sflag:s8] =	dma.local @!p0 [hbm:s6], $0xF7A  }
0x23: {  	s9 =	sor.u32 $0xD0000000, s2;
	s6 =	simm.s32 $0x108;
	_ =	swait.ge @!p0 [sflag:s8], $0x0  }
0x24: {  	s3 =	sadd.s32 $0x88, s3;
	s6 =	simm.s32 @!p1 $0x1082;
	[sflag:s4] =	ssyncset.s32 $0xFFFFF086  }
0x25: {  	[simem:s6], [sflag:s4] =	dma.local [hbm:s3], $0xF7A  }
0x26: {  	[smem:$0x3F9F] =	sst s1;
	(tag) =	ssettag s2;
	_ =	strace s9  }
0x27: {  	s1 =	sld [smem:$0x3FAF]  }
0x28: {  	s2 =	sld [smem:$0x3FB0]  }
0x29: {  	s4 =	sld [smem:$0x3FB2]  }
0x2a: {  	p0 =	seq.s32 s5, $0x0;
	s5 =	sld [smem:$0x3FB3]  }
0x2b: {  	s6 =	sld [smem:$0x3FB4]  }
0x2c: {  	s7 =	sld [smem:$0x3FB5]  }
0x2d: {  	s3 =	simm.s32 $0x108;
	s8 =	sld [smem:$0x3FB6]  }
0x2e: {  	s3 =	simm.s32 @!p0 $0x1082;
	s9 =	sld [smem:$0x3FB7]  }
0x2f: {  	lr =	sadd.s32 s0, s3;
	s0 =	sld [smem:$0x3FAE]  }
0x30: {  	s3 =	sld [smem:$0x3FB1]  }
0x31: {  	[smem:$0x3FBA] =	sst s10  }
0x32: {  	s10 =	sld [smem:$0x3FB8];
	_ =	sdelay $0x3  }
0x33: {  	p0 =	seq.s32 s10, $0x1;
	s10 =	sld [smem:$0x3FBA];
	_ =	sdelay $0x3  }
0x34: {  	[smem:$0x3FBA] =	sst s10  }
0x35: {  	s10 =	sld [smem:$0x3FB9];
	_ =	sdelay $0x3  }
0x36: {  	p1 =	seq.s32 s10, $0x1;
	s10 =	sld [smem:$0x3FBA];
	_ =	sdelay $0x3  }
0x37: {  	[smem:$0x3FBA] =	sst s10  }
0x38: {  	s10 =	sld [smem:$0x3FBB]  }
0x39: {  	_ = 	snop;
	(pc) =	sbr.ind lr, $3  }
0x3a: {  	_ = 	snop  }
0x3b: {  	_ = 	snop  }
0x3c: {  	p2 =	seq.s32 s10, $0x1;
	s10 =	sld [smem:$0x3FBA]  }
0x3d: {  	_ =	shalt  }
0x3e: {  	_ =	shalt  }
0x3f: {  	_ =	shalt  }
0x40: {  	_ =	shalt  }
0x41: {  	_ =	shalt  }
0x42: {  	_ =	shalt  }
0x43: {  	_ =	shalt  }
0x44: {  	_ =	shalt  }
0x45: {  	_ =	shalt  }
0x46: {  	_ =	shalt  }
0x47: {  	_ =	shalt  }
0x48: {  	_ =	shalt  }
0x49: {  	_ =	shalt  }
0x4a: {  	_ =	shalt  }
0x4b: {  	_ =	shalt  }
0x4c: {  	_ =	shalt  }
0x4d: {  	_ =	shalt  }
0x4e: {  	_ =	shalt  }
0x4f: {  	_ =	shalt  }
0x50: {  	_ =	shalt  }
0x51: {  	_ =	shalt  }
0x52: {  	_ =	shalt  }
0x53: {  	_ =	shalt  }
0x54: {  	_ =	shalt  }
0x55: {  	_ =	shalt  }
0x56: {  	_ =	shalt  }
0x57: {  	_ =	shalt  }
0x58: {  	_ =	shalt  }
0x59: {  	_ =	shalt  }
0x5a: {  	_ =	shalt  }
0x5b: {  	_ =	shalt  }
0x5c: {  	_ =	shalt  }
0x5d: {  	_ =	shalt  }
0x5e: {  	_ =	shalt  }
0x5f: {  	_ =	shalt  }
0x60: {  	_ =	shalt  }
0x61: {  	_ =	shalt  }
0x62: {  	_ =	shalt  }
0x63: {  	_ =	shalt  }
0x64: {  	_ =	shalt  }
0x65: {  	_ =	shalt  }
0x66: {  	_ =	shalt  }
0x67: {  	_ =	shalt  }
0x68: {  	_ =	shalt  }
0x69: {  	_ =	shalt  }
0x6a: {  	_ =	shalt  }
0x6b: {  	_ =	shalt  }
0x6c: {  	_ =	shalt  }
0x6d: {  	_ =	shalt  }
0x6e: {  	_ =	shalt  }
0x6f: {  	_ =	shalt  }
0x70: {  	_ =	shalt  }
0x71: {  	_ =	shalt  }
0x72: {  	_ =	shalt  }
0x73: {  	_ =	shalt  }
0x74: {  	_ =	shalt  }
0x75: {  	_ =	shalt  }
0x76: {  	_ =	shalt  }
0x77: {  	_ =	shalt  }
0x78: {  	_ =	shalt  }
0x79: {  	_ =	shalt  }
0x7a: {  	_ =	shalt  }
0x7b: {  	_ =	shalt  }
0x7c: {  	_ =	shalt  }
0x7d: {  	_ =	shalt  }
0x7e: {  	_ =	shalt  }
0x7f: {  	_ =	shalt  }
0x80: {  	_ =	shalt  }
0x81: {  	_ =	shalt  }
0x82: {  	_ =	shalt  }
0x83: {  	_ =	shalt  }
0x84: {  	_ =	shalt  }
0x85: {  	_ =	shalt  }
0x86: {  	_ =	shalt  }
0x87: {  	_ =	shalt  }
.Lfunc_end0:
.L_simem_size_0:
called_computation_lowered:
.L_overlay_start_0:
0x88: {  	s2 =	sld [smem:$0x3FD9]  }
0x89: {  	s3 =	sld [smem:$0x3FFE];
	_ =	sdelay $0x1  }
0x8a: {  	s1 =	srdreg.scid  }
0x8b: {  	s0 =	sand.u32 $0x1, s1  }
0x8c: {  	s18 =	sshll.u32 s0, $0xA;
	s2 =	sadd.s32 s3, s2  }
0x8d: {  	s2 =	sadd.s32 s2, s18  }
0x8e: {  	[smem:$0x3FC6] =	sst s2  }
0x8f: {  	_ = 	snop  }
0x90: {  	s2 =	sld [smem:$0x3FC9]  }
0x91: {  	s19 =	sld [smem:$0x3FC8]  }
0x92: {  	s4 =	sld [smem:$0x3FD0];
	(tm) =	ssettm $0x1  }
0x93: {  	s5 =	sld [smem:$0x3FFB];
	_ =	sdelay $0x3  }
0x94: {  	_ =	strace s5  }
0x95: {  	s5 =	sld [smem:$0x3FFC];
	_ =	sdelay $0x3  }
0x96: {  	_ =	strace s5  }
0x97: {  	s5 =	sld [smem:$0x3FFD];
	_ =	sdelay $0x3  }
0x98: {  	_ =	strace s5  }
0x99: {  	_ =	strace $0x8FFFFFFF  }
0x9a: {  	s20 =	sld [smem:$0x3FDB];
	_ =	sdelay $0x1  }
0x9b: {  	s6 =	simm.s32 $_scs_section_size  }
0x9c: {  	s7 =	simm.s32 $_size__tile_overlayer_lowered;
	s8 =	simm.s32 $_tile_overlayer_lowered  }
0x9d: {  	s23 =	simm.s32 $0x1BFF;
	s22 =	sshll.u32 s8, $0x1;
	s5 =	sadd.s32 s6, s20  }
0x9e: {  	s9 =	simm.s32 $0x0;
	s21 =	sshll.u32 s7, $0x1;
	s7 =	sadd.s32 s22, s5  }
0x9f: {  	[timem:s9], [sflag:s23] =	dma.local [hbm:s7], s21  }
0xa0: {  	_ =	swait.ge [sflag:s23], s21  }
0xa1: {  	s6 =	ssub.s32 $0x0, s21;
	[sflag:s23] =	ssyncset.done $0x0  }
0xa2: {  	[sflag:s23] =	ssyncadd.s32 s6;
	_ =	sdelay $0x1  }
0xa3: {  	s24 =	simm.s32 $0x1B8B  }
0xa4: {  	_ =	swait.ge [sflag:s24], $0x1  }
0xa5: {  	[sflag:s24] =	ssyncset.done $0x0  }
0xa6: {  	s25 =	simm.s32 $0x1B8E;
	[sflag:s24] =	ssyncadd.s32 $0xFFFFFFFF  }
0xa7: {  	s26 =	simm.s32 $execute0_lowered;
	[smem:$0x3FD2] =	sst s25  }
0xa8: {  	s6 =	sshll.u32 s26, $0x1;
	_ =	strace $0x80000046;
	[dreg:$0x1] =	wrdreg $0xFFFFFFFF  }
0xa9: {  	s28 =	simm.s32 $_size_execute0_lowered;
	s5 =	sadd.s32 s5, s6;
	[dreg:$0x0] =	wrdreg $0x0  }
0xaa: {  	s6 =	sshll.u32 s28, $0x1;
	[dreg:$0x2] =	wrdreg s5  }
0xab: {  	[dreg:$0x3] =	wrdreg s6  }
0xac: {  	[dreg:$0x4] =	wrdreg $0xC0  }
0xad: {  	_ =	task [dreg:s9], $0x5FFFF  }
0xae: {  	[dreg:$0x1] =	wrdreg $0xFFFFFFFF  }
0xaf: {  	[dreg:$0x0] =	wrdreg $0x60  }
0xb0: {  	[dreg:$0x2] =	wrdreg s19  }
0xb1: {  	[dreg:$0x3] =	wrdreg s2  }
0xb2: {  	[dreg:$0x4] =	wrdreg s4  }
0xb3: {  	[dreg:$0x5] =	wrdreg $0xC6800  }
0xb4: {  	[dreg:$0x6] =	wrdreg $0x9  }
0xb5: {  	_ =	task.clear_ibuf [dreg:s9], $0x7FFFF;
	_ =	strace $0x90000046  }
0xb6: {  	s29 =	simm.s32 $0x9;
	_ =	strace $0x80000048  }
0xb7: {  	_ =	swait.ge [sflag:s29], $0x1  }
0xb8: {  	[sflag:s29] =	ssyncadd.s32 $0xFFFFFFFF  }
0xb9: {  	_ =	strace $0x90000048  }
0xba: {  	_ =	sfence  }
0xbb: {  	s30 =	sld [smem:$0x0];
	_ =	sdelay $0x2  }
0xbc: {  	s31 =	sshll.u32 s1, $0xD;
	s1 =	sshrl.u32 s1, $0x2  }
0xbd: {  	s3 =	sand.u32 $0x4000, s31;
	s1 =	sadd.s32 s1, s30  }
0xbe: {  	s0 =	sor.u32 s3, s0;
	s1 =	sshll.u32 s1, $0x11  }
0xbf: {  	s0 =	sor.u32 s1, s0  }
0xc0: {  	s0 =	sadd.s32 $0x8F2B, s0  }
0xc1: {  	[sflag:s0] =	ssyncadd.remote.s32 $0x1  }
0xc2: {  	_ =	sfence.sel $0xFFFF  }
0xc3: {  	[dreg:$0x0] =	wrdreg $0xFFFFFFFF;
	(pc) =	sbr.abs _section_cstart, $3  }
0xc4: {  	[dreg:$0x1] =	wrdreg $0xFFFFFFFF  }
0xc5: {  	_ =	task.clear_ibuf [dreg:s9], $0x2FFFF;
	_ =	strace $0x9FFFFFFF  }
0xc6: {  	(tm) =	ssettm $0x7FFFFFFF  }
0xc7: {  	_ =	shalt  }
tec
execute0_lowered:
.L_overlay_start_1:
0x0: {  	(tag) =	ssettag $0x1  }
0x1: {  	s0 =	rddreg [dreg:$0x0]  }
0x2: {  	s1 =	rddreg [dreg:$0x1]  }
0x3: {  	s5 =	rddreg [dreg:$0x2]  }
0x4: {  	s2 =	rddreg [dreg:$0x3]  }
0x5: {  	s4 =	srdreg.scid;
	s12 =	stileid.u32;
	s3 =	simm.s32 $0x0  }
0x6: {  	s28 =	simm.s32 $0x5;
	s29 =	simm.s32 $0x4200;
	s30 =	simm.s32 $0x1  }
0x7: {  	s31 =	simm.s32 $0x100;
	s6 =	sand.u32 $0x1, s4;
	s9 =	sshll.u32 s12, $0x1  }
0x8: {  	[smem:$0x7FF] =	sst s3;
	s13 =	sadd.s32 $0x580, s0;
	s14 =	sadd.s32 $0x2C00, s2  }
0x9: {  	s15 =	sshll.u32 s12, $0x7;
	s22 =	sshll.u32 s12, $0x5;
	s23 =	sadd.s32 $0x30D0, s1  }
0xa: {  	s24 =	sadd.s32 $0x186800, s5;
	_ =	strace $0x80000047;
	[dreg:$0x6] =	wrdreg s13  }
0xb: {  	p0 =	sgt.u32 s12, $0xA;
	p3 =	sne.s32 s12, $0xB;
	[dreg:$0x7] =	wrdreg s14  }
0xc: {  	s7 =	ssub.s32 $0x2, s6;
	s8 =	sor.u32 s6, s9;
	[dreg:$0xe] =	wrdreg s23  }
0xd: {  	s0 =	sadd.s32 s0, s15;
	[dreg:$0xf] =	wrdreg s24;
	s25 =	sshll.u32 s6, $0x4  }
0xe: {  	s6 =	sshll.u32 s6, $0xB;
	s24 =	simm.s32 $0xA;
	s23 =	simm.s32 $0x9  }
0xf: {  	s10 =	sshrl.u32 s7, $0x1;
	s9 =	sor.u32 $0x20, s8;
	s11 =	sshll.u32 s8, $0x4  }
0x10: {  	[dreg:$0x8] =	wrdreg s0;
	s17 =	sshll.u32 s8, $0xB;
	s13 =	sor.u32 $0xC0, s8  }
0x11: {  	p1 =	sgt.u32 s8, $0xC;
	s7 =	ssub.s32 s7, s10;
	s10 =	sshll.u32 s9, $0x4  }
0x12: {  	s4 =	sadd.s32 s1, s11;
	s11 =	sshll.u32 s12, $0xC;
	s18 =	sshll.u32 s9, $0xB  }
0x13: {  	p2 =	sne.s32 @p1 s8, $0xD;
	s8 =	simm.s32 $0x3;
	s10 =	sadd.s32 s1, s10  }
0x14: {  	s9 =	simm.s32 $0x8;
	s19 =	sadd.s32 $0x400, s4;
	[dreg:$0x5] =	wrdreg s10  }
0x15: {  	s16 =	sshrl.u32 s11, $0x2;
	s20 =	sadd.s32 $0x600, s4;
	[dreg:$0xa] =	wrdreg s19  }
0x16: {  	p2 =	por p2, !p1;
	s0 =	sadd.s32 s16, s2;
	[dreg:$0xc] =	wrdreg s20  }
0x17: {  	s10 =	sadd.s32 s5, s17;
	[dreg:$0x9] =	wrdreg s0;
	s0 =	sadd.s32 s5, s18  }
0x18: {  	s14 =	sadd.s32 $0x170000, s10;
	s21 =	sadd.s32 $0x180000, s10;
	s5 =	sadd.s32 s11, s5  }
0x19: {  	s18 =	smax.u32 s7, $0x1;
	s7 =	simm.s32 $0x7;
	[dreg:$0xb] =	wrdreg s0  }
0x1a: {  	[dreg:$0xd] =	wrdreg s21;
	s0 =	sadd.s32 s22, s1;
	s26 =	sadd.s32 s6, s5  }
0x1b: {  	s22 =	simm.s32 $0x80;
	s1 =	simm.s32 $0x8200;
	s6 =	simm.s32 $0x2  }
0x1c: {  	s5 =	simm.s32 $0x0;
	s19 =	sadd.s32 s25, s0;
	s21 =	sadd.s32 $0x40000, s26  }
0x1d: {  	s25 =	simm.s32 $0x4;
	s26 =	simm.s32 $0x200;
	s0 =	simm.s32 $0x6  }
.LBB2_1:
.Ltmp0:
0x1e: {  	(pc) =	sbr.rel @p0 .LBB2_3-.Ltmp0, $4  }
0x1f: {  	_ = 	snop  }
0x20: {  	[tilespmem:s3], [sflag:$0x4] =	stream.linear.gather [hbm4b:s4+s3], $0x80, $0x38;
	[tilespmem:$0xC948] =	vst v63  }
0x21: {  	s11 =	rddreg [dreg:$0x5]  }
0x22: {  	[tilespmem:s22], [sflag:$0x5] =	stream.linear.gather [hbm4b:s11+s3], $0x80, $0x38;
	[tilespmem:$0xC948] =	vst v63  }
0x23: {  	s11 =	rddreg [dreg:$0x8];
	s12 =	simm.s32 $0xC200  }
0x24: {  	[tilespmem:s12], [sflag:$0xA] =	stream.linear.gather [hbm4b:s11+s3], $0x400, $0x38;
	[tilespmem:$0xC948] =	vst v63  }
0x25: {  	_ =	swait.ge [sflag:s24], $0x400  }
0x26: {  	[sflag:s24] =	ssyncset.done $0x0  }
0x27: {  	[sflag:s24] =	ssyncadd.s32 $0xFFFFFC00  }
0x28: {  	v0 =	vld [tilespmem:$0xC200]  }
0x29: {  	v1 =	vld [tilespmem:$0xC210]  }
0x2a: {  	v2 =	vld [tilespmem:$0xC220]  }
0x2b: {  	v3 =	vld [tilespmem:$0xC230]  }
0x2c: {  	v4 =	vld [tilespmem:$0xC240]  }
0x2d: {  	v5 =	vld [tilespmem:$0xC250];
	v0 =	vmul.f32 $1.059997900e-01, v0  }
0x2e: {  	v6 =	vld [tilespmem:$0xC260];
	v1 =	vmul.f32 $1.059997900e-01, v1  }
0x2f: {  	v56 =	vld [tilespmem:$0xC270];
	v55 =	vmul.f32 $1.059997900e-01, v2;
	[tilespmem:$0xC200] =	vst v0  }
0x30: {  	v58 =	vld [tilespmem:$0xC280];
	v57 =	vmul.f32 $1.059997900e-01, v3;
	[tilespmem:$0xC210] =	vst v1  }
0x31: {  	v60 =	vld [tilespmem:$0xC290];
	v59 =	vmul.f32 $1.059997900e-01, v4;
	[tilespmem:$0xC220] =	vst v55  }
0x32: {  	v62 =	vld [tilespmem:$0xC2A0];
	v61 =	vmul.f32 $1.059997900e-01, v5;
	[tilespmem:$0xC230] =	vst v57  }
0x33: {  	v9 =	vld [tilespmem:$0xC2B0];
	v63 =	vmul.f32 $1.059997900e-01, v6;
	[tilespmem:$0xC240] =	vst v59  }
0x34: {  	v11 =	vld [tilespmem:$0xC2C0];
	v10 =	vmul.f32 $1.059997900e-01, v56;
	[tilespmem:$0xC250] =	vst v61  }
0x35: {  	v13 =	vld [tilespmem:$0xC2D0];
	v12 =	vmul.f32 $1.059997900e-01, v58;
	[tilespmem:$0xC260] =	vst v63  }
0x36: {  	v15 =	vld [tilespmem:$0xC2E0];
	v14 =	vmul.f32 $1.059997900e-01, v60;
	[tilespmem:$0xC270] =	vst v10  }
0x37: {  	v17 =	vld [tilespmem:$0xC2F0];
	v16 =	vmul.f32 $1.059997900e-01, v62;
	[tilespmem:$0xC280] =	vst v12  }
0x38: {  	v19 =	vld [tilespmem:$0xC300];
	v18 =	vmul.f32 $1.059997900e-01, v9;
	[tilespmem:$0xC290] =	vst v14  }
0x39: {  	v21 =	vld [tilespmem:$0xC310];
	v20 =	vmul.f32 $1.059997900e-01, v11;
	[tilespmem:$0xC2A0] =	vst v16  }
0x3a: {  	v23 =	vld [tilespmem:$0xC320];
	v22 =	vmul.f32 $1.059997900e-01, v13;
	[tilespmem:$0xC2B0] =	vst v18  }
0x3b: {  	v25 =	vld [tilespmem:$0xC330];
	v24 =	vmul.f32 $1.059997900e-01, v15;
	[tilespmem:$0xC2C0] =	vst v20  }
0x3c: {  	v27 =	vld [tilespmem:$0xC340];
	v26 =	vmul.f32 $1.059997900e-01, v17;
	[tilespmem:$0xC2D0] =	vst v22  }
0x3d: {  	v29 =	vld [tilespmem:$0xC350];
	v28 =	vmul.f32 $1.059997900e-01, v19;
	[tilespmem:$0xC2E0] =	vst v24  }
0x3e: {  	v31 =	vld [tilespmem:$0xC360];
	v30 =	vmul.f32 $1.059997900e-01, v21;
	[tilespmem:$0xC2F0] =	vst v26  }
0x3f: {  	v33 =	vld [tilespmem:$0xC370];
	v32 =	vmul.f32 $1.059997900e-01, v23;
	[tilespmem:$0xC300] =	vst v28  }
0x40: {  	v35 =	vld [tilespmem:$0xC380];
	v34 =	vmul.f32 $1.059997900e-01, v25;
	[tilespmem:$0xC310] =	vst v30  }
0x41: {  	v37 =	vld [tilespmem:$0xC390];
	v36 =	vmul.f32 $1.059997900e-01, v27;
	[tilespmem:$0xC320] =	vst v32  }
0x42: {  	v39 =	vld [tilespmem:$0xC3A0];
	v38 =	vmul.f32 $1.059997900e-01, v29;
	[tilespmem:$0xC330] =	vst v34  }
0x43: {  	v41 =	vld [tilespmem:$0xC3B0];
	v40 =	vmul.f32 $1.059997900e-01, v31;
	[tilespmem:$0xC340] =	vst v36  }
0x44: {  	v43 =	vld [tilespmem:$0xC3C0];
	v42 =	vmul.f32 $1.059997900e-01, v33;
	[tilespmem:$0xC350] =	vst v38  }
0x45: {  	v45 =	vld [tilespmem:$0xC3D0];
	v44 =	vmul.f32 $1.059997900e-01, v35;
	[tilespmem:$0xC360] =	vst v40  }
0x46: {  	v47 =	vld [tilespmem:$0xC3E0];
	v46 =	vmul.f32 $1.059997900e-01, v37;
	[tilespmem:$0xC370] =	vst v42  }
0x47: {  	v49 =	vld [tilespmem:$0xC3F0];
	v48 =	vmul.f32 $1.059997900e-01, v39;
	[tilespmem:$0xC380] =	vst v44  }
0x48: {  	v51 =	vld [tilespmem:$0xC400];
	v50 =	vmul.f32 $1.059997900e-01, v41;
	[tilespmem:$0xC390] =	vst v46  }
0x49: {  	v53 =	vld [tilespmem:$0xC410];
	v52 =	vmul.f32 $1.059997900e-01, v43;
	[tilespmem:$0xC3A0] =	vst v48  }
0x4a: {  	v54 =	vmul.f32 $1.059997900e-01, v45;
	[tilespmem:$0xC3B0] =	vst v50;
	v55 =	vld [tilespmem:$0xC420]  }
0x4b: {  	v56 =	vmul.f32 $1.059997900e-01, v47;
	[tilespmem:$0xC3C0] =	vst v52;
	v57 =	vld [tilespmem:$0xC430]  }
0x4c: {  	v58 =	vmul.f32 $1.059997900e-01, v49;
	[tilespmem:$0xC3D0] =	vst v54;
	v59 =	vld [tilespmem:$0xC440]  }
0x4d: {  	v60 =	vmul.f32 $1.059997900e-01, v51;
	[tilespmem:$0xC3E0] =	vst v56;
	v61 =	vld [tilespmem:$0xC450]  }
0x4e: {  	v62 =	vmul.f32 $1.059997900e-01, v53;
	[tilespmem:$0xC3F0] =	vst v58;
	v63 =	vld [tilespmem:$0xC460]  }
0x4f: {  	[tilespmem:$0xC400] =	vst v60;
	v10 =	vld [tilespmem:$0xC470];
	v9 =	vmul.f32 $1.059997900e-01, v55  }
0x50: {  	[tilespmem:$0xC410] =	vst v62;
	v12 =	vld [tilespmem:$0xC480];
	v11 =	vmul.f32 $1.059997900e-01, v57  }
0x51: {  	v14 =	vld [tilespmem:$0xC490];
	v13 =	vmul.f32 $1.059997900e-01, v59;
	[tilespmem:$0xC420] =	vst v9  }
0x52: {  	v16 =	vld [tilespmem:$0xC4A0];
	v15 =	vmul.f32 $1.059997900e-01, v61;
	[tilespmem:$0xC430] =	vst v11  }
0x53: {  	v18 =	vld [tilespmem:$0xC4B0];
	v17 =	vmul.f32 $1.059997900e-01, v63;
	[tilespmem:$0xC440] =	vst v13  }
0x54: {  	v20 =	vld [tilespmem:$0xC4C0];
	v19 =	vmul.f32 $1.059997900e-01, v10;
	[tilespmem:$0xC450] =	vst v15  }
0x55: {  	v22 =	vld [tilespmem:$0xC4D0];
	v21 =	vmul.f32 $1.059997900e-01, v12;
	[tilespmem:$0xC460] =	vst v17  }
0x56: {  	v24 =	vld [tilespmem:$0xC4E0];
	v23 =	vmul.f32 $1.059997900e-01, v14;
	[tilespmem:$0xC470] =	vst v19  }
0x57: {  	v26 =	vld [tilespmem:$0xC4F0];
	v25 =	vmul.f32 $1.059997900e-01, v16;
	[tilespmem:$0xC480] =	vst v21  }
0x58: {  	v28 =	vld [tilespmem:$0xC500];
	v27 =	vmul.f32 $1.059997900e-01, v18;
	[tilespmem:$0xC490] =	vst v23  }
0x59: {  	v30 =	vld [tilespmem:$0xC510];
	v29 =	vmul.f32 $1.059997900e-01, v20;
	[tilespmem:$0xC4A0] =	vst v25  }
0x5a: {  	v32 =	vld [tilespmem:$0xC520];
	v31 =	vmul.f32 $1.059997900e-01, v22;
	[tilespmem:$0xC4B0] =	vst v27  }
0x5b: {  	v34 =	vld [tilespmem:$0xC530];
	v33 =	vmul.f32 $1.059997900e-01, v24;
	[tilespmem:$0xC4C0] =	vst v29  }
0x5c: {  	v36 =	vld [tilespmem:$0xC540];
	v35 =	vmul.f32 $1.059997900e-01, v26;
	[tilespmem:$0xC4D0] =	vst v31  }
0x5d: {  	v38 =	vld [tilespmem:$0xC550];
	v37 =	vmul.f32 $1.059997900e-01, v28;
	[tilespmem:$0xC4E0] =	vst v33  }
0x5e: {  	v40 =	vld [tilespmem:$0xC560];
	v39 =	vmul.f32 $1.059997900e-01, v30;
	[tilespmem:$0xC4F0] =	vst v35  }
0x5f: {  	v42 =	vld [tilespmem:$0xC570];
	v41 =	vmul.f32 $1.059997900e-01, v32;
	[tilespmem:$0xC500] =	vst v37  }
0x60: {  	v44 =	vld [tilespmem:$0xC580];
	v43 =	vmul.f32 $1.059997900e-01, v34;
	[tilespmem:$0xC510] =	vst v39  }
0x61: {  	v46 =	vld [tilespmem:$0xC590];
	v45 =	vmul.f32 $1.059997900e-01, v36;
	[tilespmem:$0xC520] =	vst v41  }
0x62: {  	v48 =	vld [tilespmem:$0xC5A0];
	v47 =	vmul.f32 $1.059997900e-01, v38;
	[tilespmem:$0xC530] =	vst v43  }
0x63: {  	v50 =	vld [tilespmem:$0xC5B0];
	v49 =	vmul.f32 $1.059997900e-01, v40;
	[tilespmem:$0xC540] =	vst v45  }
0x64: {  	v52 =	vld [tilespmem:$0xC5C0];
	v51 =	vmul.f32 $1.059997900e-01, v42;
	[tilespmem:$0xC550] =	vst v47  }
0x65: {  	v54 =	vld [tilespmem:$0xC5D0];
	v53 =	vmul.f32 $1.059997900e-01, v44;
	[tilespmem:$0xC560] =	vst v49  }
0x66: {  	v56 =	vld [tilespmem:$0xC5E0];
	v55 =	vmul.f32 $1.059997900e-01, v46;
	[tilespmem:$0xC570] =	vst v51  }
0x67: {  	v58 =	vld [tilespmem:$0xC5F0];
	v57 =	vmul.f32 $1.059997900e-01, v48;
	[tilespmem:$0xC580] =	vst v53  }
0x68: {  	v59 =	vmul.f32 $1.059997900e-01, v50;
	[tilespmem:$0xC590] =	vst v55  }
0x69: {  	v60 =	vmul.f32 $1.059997900e-01, v52;
	[tilespmem:$0xC5A0] =	vst v57  }
0x6a: {  	v61 =	vmul.f32 $1.059997900e-01, v54;
	[tilespmem:$0xC5B0] =	vst v59  }
0x6b: {  	v62 =	vmul.f32 $1.059997900e-01, v56;
	[tilespmem:$0xC5C0] =	vst v60  }
0x6c: {  	v63 =	vmul.f32 $1.059997900e-01, v58;
	[tilespmem:$0xC5D0] =	vst v61  }
0x6d: {  	[tilespmem:$0xC5E0] =	vst v62  }
.Ltmp1:
0x6e: {  	s20 =	rddreg [dreg:$0x9];
	[tilespmem:$0xC5F0] =	vst v63;
	(pc) =	sbr.rel .LBB2_4-.Ltmp1, $4  }
0x6f: {  	[spmem:s20] =	stream.linear.scatter [tilespmem:s12], [sflag:$0xA], $0x400, $0x38;
	[tilespmem:$0xC948] =	vst v63  }
0x70: {  	_ =	swait.ge [sflag:s24], $0x400  }
0x71: {  	[sflag:s24] =	ssyncset.done $0x0  }
0x72: {  	[sflag:s24] =	ssyncadd.s32 $0xFFFFFC00  }
.LBB2_3:
0x73: {  	s11 =	simm.s32 @!p3 $0x0;
	s12 =	simm.s32 @!p3 $0xC200;
	s15 =	rddreg [dreg:$0x6]  }
0x74: {  	[tilespmem:s12], [sflag:$0xA] =	stream.linear.gather @!p3 [hbm4b:s15+s11], $0x80, $0x38;
	[tilespmem:$0xC948] =	vst v63  }
0x75: {  	s11 =	simm.s32 @!p3 $0xA  }
0x76: {  	_ =	swait.ge @!p3 [sflag:s11], $0x80  }
0x77: {  	[sflag:s11] =	ssyncset.done @!p3 $0x0  }
0x78: {  	[sflag:s11] =	ssyncadd.s32 @!p3 $0xFFFFFF80  }
0x79: {  	v0 =	vld @!p3 [tilespmem:$0xC200]  }
0x7a: {  	v1 =	vld @!p3 [tilespmem:$0xC210]  }
0x7b: {  	v2 =	vld @!p3 [tilespmem:$0xC220]  }
0x7c: {  	v3 =	vld @!p3 [tilespmem:$0xC230]  }
0x7d: {  	v4 =	vld @!p3 [tilespmem:$0xC240]  }
0x7e: {  	v5 =	vld @!p3 [tilespmem:$0xC250];
	v0 =	vmul.f32 @!p3 $1.059997900e-01, v0  }
0x7f: {  	v6 =	vld @!p3 [tilespmem:$0xC260];
	v1 =	vmul.f32 @!p3 $1.059997900e-01, v1  }
0x80: {  	[tilespmem:$0xC200] =	vst @!p3 v0;
	v0 =	vmul.f32 @!p3 $1.059997900e-01, v2;
	v2 =	vld @!p3 [tilespmem:$0xC270]  }
0x81: {  	[tilespmem:$0xC210] =	vst @!p3 v1;
	v1 =	vmul.f32 @!p3 $1.059997900e-01, v3  }
0x82: {  	[tilespmem:$0xC220] =	vst @!p3 v0;
	v0 =	vmul.f32 @!p3 $1.059997900e-01, v4  }
0x83: {  	[tilespmem:$0xC230] =	vst @!p3 v1;
	v1 =	vmul.f32 @!p3 $1.059997900e-01, v5  }
0x84: {  	[tilespmem:$0xC240] =	vst @!p3 v0;
	v0 =	vmul.f32 @!p3 $1.059997900e-01, v6  }
0x85: {  	[tilespmem:$0xC250] =	vst @!p3 v1;
	v1 =	vmul.f32 @!p3 $1.059997900e-01, v2  }
0x86: {  	[tilespmem:$0xC260] =	vst @!p3 v0  }
0x87: {  	s15 =	rddreg [dreg:$0x7];
	[tilespmem:$0xC270] =	vst @!p3 v1  }
0x88: {  	[spmem:s15] =	stream.linear.scatter @!p3 [tilespmem:s12], [sflag:$0xA], $0x80, $0x38;
	[tilespmem:$0xC948] =	vst v63  }
0x89: {  	_ =	swait.ge @!p3 [sflag:s11], $0x80  }
0x8a: {  	[sflag:s11] =	ssyncset.done @!p3 $0x0  }
0x8b: {  	[sflag:s11] =	ssyncadd.s32 @!p3 $0xFFFFFF80  }
.LBB2_4:
0x8c: {  	[bflag:$0x0] =	sbarrier.arrive $0xFFFF  }
0x8d: {  	_ =	swait.ge [sflag:s25], $0x80  }
0x8e: {  	[sflag:s25] =	ssyncset.done $0x0  }
0x8f: {  	s11 =	simm.s32 $0x0;
	[sflag:s25] =	ssyncadd.s32 $0xFFFFFF80  }
0x90: {  	[tilespmem:s26], [sflag:$0x1] =	stream.indirect.gather [spmem:s2], $0x80, s11, s22, $0xb8;
	[tilespmem:$0xC948] =	vst v63  }
0x91: {  	_ =	swait.ge [sflag:s28], $0x80  }
0x92: {  	[sflag:s28] =	ssyncset.done $0x0  }
0x93: {  	[sflag:s28] =	ssyncadd.s32 $0xFFFFFF80  }
0x94: {  	[tilespmem:s29], [sflag:$0x2] =	stream.indirect.gather [spmem:s2], $0x80, s22, s22, $0xb8;
	[tilespmem:$0xC948] =	vst v63  }
0x95: {  	_ =	swait.ge [sflag:s30], $0x4000  }
0x96: {  	[sflag:s30] =	ssyncset.done $0x0  }
0x97: {  	[sflag:s30] =	ssyncadd.s32 $0xFFFFC000  }
0x98: {  	[hbm4b:s10+s11] =	stream.linear.scatter [tilespmem:s26], [sflag:$0x7], $0x4000, $0x38;
	[tilespmem:$0xC948] =	vst v63  }
0x99: {  	s12 =	rddreg [dreg:$0xa]  }
0x9a: {  	[tilespmem:s31], [sflag:$0x6] =	stream.linear.gather [hbm4b:s12+s11], $0x80, $0x38;
	[tilespmem:$0xC948] =	vst v63  }
0x9b: {  	_ =	swait.ge [sflag:s0], $0x80  }
0x9c: {  	[sflag:s0] =	ssyncset.done $0x0  }
0x9d: {  	[sflag:s0] =	ssyncadd.s32 $0xFFFFFF80  }
0x9e: {  	[tilespmem:s1], [sflag:$0x3] =	stream.indirect.gather [spmem:s2], $0x80, s31, s22, $0xb8;
	[tilespmem:$0xC948] =	vst v63  }
0x9f: {  	_ =	swait.ge [sflag:s6], $0x4000  }
0xa0: {  	[sflag:s6] =	ssyncset.done $0x0  }
0xa1: {  	s17 =	rddreg [dreg:$0xb];
	[sflag:s6] =	ssyncadd.s32 $0xFFFFC000  }
0xa2: {  	[hbm4b:s17+s11] =	stream.linear.scatter [tilespmem:s29], [sflag:$0x8], $0x4000, $0x38;
	[tilespmem:$0xC948] =	vst v63  }
0xa3: {  	s20 =	rddreg [dreg:$0xc]  }
0xa4: {  	[tilespmem:s11], [sflag:$0x4] =	stream.linear.gather [hbm4b:s20+s11], $0x80, $0x38;
	[tilespmem:$0xC948] =	vst v63  }
0xa5: {  	_ =	swait.ge [sflag:s7], $0x4000  }
0xa6: {  	[sflag:s7] =	ssyncset.done $0x0  }
0xa7: {  	[sflag:s7] =	ssyncadd.s32 $0xFFFFC000  }
0xa8: {  	_ =	swait.ge [sflag:s25], $0x80  }
0xa9: {  	[sflag:s25] =	ssyncset.done $0x0  }
0xaa: {  	[sflag:s25] =	ssyncadd.s32 $0xFFFFFF80  }
0xab: {  	[tilespmem:s26], [sflag:$0x1] =	stream.indirect.gather [spmem:s2], $0x80, s3, s22, $0xb8;
	[tilespmem:$0xC948] =	vst v63  }
0xac: {  	_ =	swait.ge [sflag:s8], $0x4000  }
0xad: {  	[sflag:s8] =	ssyncset.done $0x0  }
0xae: {  	s15 =	sadd.s32 $0x0, s19;
	s12 =	sadd.s32 $0xFFFE0000, s21;
	[sflag:s8] =	ssyncadd.s32 $0xFFFFC000  }
0xaf: {  	[hbm4b:s12+s3] =	stream.linear.scatter [tilespmem:s1], [sflag:$0x9], $0x4000, $0x38;
	[tilespmem:$0xC948] =	vst v63  }
0xb0: {  	s16 =	sadd.s32 $0x800, s15  }
0xb1: {  	[tilespmem:s22], [sflag:$0x5] =	stream.linear.gather [hbm4b:s16+s3], $0x80, $0x38;
	[tilespmem:$0xC948] =	vst v63  }
0xb2: {  	_ =	swait.ge [sflag:s9], $0x4000  }
0xb3: {  	[sflag:s9] =	ssyncset.done $0x0  }
0xb4: {  	[sflag:s9] =	ssyncadd.s32 $0xFFFFC000  }
0xb5: {  	_ =	swait.ge [sflag:s28], $0x80  }
0xb6: {  	[sflag:s28] =	ssyncset.done $0x0  }
0xb7: {  	[sflag:s28] =	ssyncadd.s32 $0xFFFFFF80  }
0xb8: {  	[tilespmem:s29], [sflag:$0x2] =	stream.indirect.gather [spmem:s2], $0x80, s22, s22, $0xb8;
	[tilespmem:$0xC948] =	vst v63  }
0xb9: {  	_ =	swait.ge [sflag:s30], $0x4000  }
0xba: {  	[sflag:s30] =	ssyncset.done $0x0  }
0xbb: {  	s17 =	sadd.s32 $0xFFFF0000, s21;
	[sflag:s30] =	ssyncadd.s32 $0xFFFFC000  }
0xbc: {  	[hbm4b:s17+s3] =	stream.linear.scatter [tilespmem:s26], [sflag:$0x7], $0x4000, $0x38;
	[tilespmem:$0xC948] =	vst v63  }
0xbd: {  	s20 =	sadd.s32 $0xA00, s15  }
0xbe: {  	[tilespmem:s31], [sflag:$0x6] =	stream.linear.gather [hbm4b:s20+s3], $0x80, $0x38;
	[tilespmem:$0xC948] =	vst v63  }
0xbf: {  	_ =	swait.ge [sflag:s23], $0x4000  }
0xc0: {  	[sflag:s23] =	ssyncset.done $0x0  }
0xc1: {  	[sflag:s23] =	ssyncadd.s32 $0xFFFFC000  }
0xc2: {  	_ =	swait.ge [sflag:s0], $0x80  }
0xc3: {  	[sflag:s0] =	ssyncset.done $0x0  }
0xc4: {  	[sflag:s0] =	ssyncadd.s32 $0xFFFFFF80  }
0xc5: {  	[tilespmem:s1], [sflag:$0x3] =	stream.indirect.gather [spmem:s2], $0x80, s31, s22, $0xb8;
	[tilespmem:$0xC948] =	vst v63  }
0xc6: {  	p5 =	sgt.u32 s13, $0x30C;
	s11 =	simm.s32 $0x600;
	_ =	swait.ge [sflag:s6], $0x4000  }
0xc7: {  	s15 =	sadd.s32 @!p5 $0x0, s19;
	s12 =	sadd.s32 $0x30000, s21;
	[sflag:s6] =	ssyncset.done $0x0  }
0xc8: {  	s16 =	simm.s32 @!p5 $0x0;
	s20 =	smov.u32 s13;
	[sflag:s6] =	ssyncadd.s32 $0xFFFFC000  }
0xc9: {  	[hbm4b:s21+s3] =	stream.linear.scatter [tilespmem:s29], [sflag:$0x8], $0x4000, $0x38;
	[tilespmem:$0xC948] =	vst v63  }
.LBB2_5:
0xca: {  	s17 =	sadd.s32 @!p5 $0xC00, s15  }
0xcb: {  	s20 =	sadd.s32 $0x60, s20;
	s15 =	smov.u32 s11;
	s11 =	sadd.s32 $0x600, s11  }
0xcc: {  	[tilespmem:s16], [sflag:$0x4] =	stream.linear.gather @!p5 [hbm4b:s17+s16], $0x80, $0x38;
	[tilespmem:$0xC948] =	vst v63  }
0xcd: {  	p4 =	sne.s32 s11, $0x2A00;
	_ =	swait.ge [sflag:s7], $0x4000  }
0xce: {  	[sflag:s7] =	ssyncset.done $0x0  }
0xcf: {  	[sflag:s7] =	ssyncadd.s32 $0xFFFFC000  }
0xd0: {  	_ =	swait.ge [sflag:s25], $0x80  }
0xd1: {  	[sflag:s25] =	ssyncset.done $0x0  }
0xd2: {  	[sflag:s25] =	ssyncadd.s32 $0xFFFFFF80  }
0xd3: {  	[tilespmem:s26], [sflag:$0x1] =	stream.indirect.gather [spmem:s2], $0x80, s3, s22, $0xb8;
	[tilespmem:$0xC948] =	vst v63  }
0xd4: {  	_ =	swait.ge [sflag:s8], $0x4000  }
0xd5: {  	[sflag:s8] =	ssyncset.done $0x0  }
0xd6: {  	s16 =	sadd.s32 $0xFFFE0000, s12;
	s17 =	sadd.s32 s15, s19;
	[sflag:s8] =	ssyncadd.s32 $0xFFFFC000  }
0xd7: {  	[hbm4b:s16+s3] =	stream.linear.scatter [tilespmem:s1], [sflag:$0x9], $0x4000, $0x38;
	[tilespmem:$0xC948] =	vst v63  }
0xd8: {  	s16 =	sadd.s32 $0x800, s17  }
0xd9: {  	[tilespmem:s22], [sflag:$0x5] =	stream.linear.gather [hbm4b:s16+s3], $0x80, $0x38;
	[tilespmem:$0xC948] =	vst v63  }
0xda: {  	_ =	swait.ge [sflag:s9], $0x4000  }
0xdb: {  	[sflag:s9] =	ssyncset.done $0x0  }
0xdc: {  	[sflag:s9] =	ssyncadd.s32 $0xFFFFC000  }
0xdd: {  	_ =	swait.ge [sflag:s28], $0x80  }
0xde: {  	[sflag:s28] =	ssyncset.done $0x0  }
0xdf: {  	[sflag:s28] =	ssyncadd.s32 $0xFFFFFF80  }
0xe0: {  	[tilespmem:s29], [sflag:$0x2] =	stream.indirect.gather [spmem:s2], $0x80, s22, s22, $0xb8;
	[tilespmem:$0xC948] =	vst v63  }
0xe1: {  	_ =	swait.ge [sflag:s30], $0x4000  }
0xe2: {  	[sflag:s30] =	ssyncset.done $0x0  }
0xe3: {  	s16 =	sadd.s32 $0xFFFF0000, s12;
	[sflag:s30] =	ssyncadd.s32 $0xFFFFC000  }
0xe4: {  	[hbm4b:s16+s3] =	stream.linear.scatter [tilespmem:s26], [sflag:$0x7], $0x4000, $0x38;
	[tilespmem:$0xC948] =	vst v63  }
0xe5: {  	s16 =	sadd.s32 $0xA00, s17  }
0xe6: {  	[tilespmem:s31], [sflag:$0x6] =	stream.linear.gather [hbm4b:s16+s3], $0x80, $0x38;
	[tilespmem:$0xC948] =	vst v63  }
0xe7: {  	_ =	swait.ge [sflag:s23], $0x4000  }
0xe8: {  	[sflag:s23] =	ssyncset.done $0x0  }
0xe9: {  	[sflag:s23] =	ssyncadd.s32 $0xFFFFC000  }
0xea: {  	_ =	swait.ge [sflag:s0], $0x80  }
0xeb: {  	[sflag:s0] =	ssyncset.done $0x0  }
0xec: {  	[sflag:s0] =	ssyncadd.s32 $0xFFFFFF80  }
0xed: {  	[tilespmem:s1], [sflag:$0x3] =	stream.indirect.gather [spmem:s2], $0x80, s31, s22, $0xb8;
	[tilespmem:$0xC948] =	vst v63  }
.Ltmp2:
0xee: {  	_ =	swait.ge [sflag:s6], $0x4000;
	(pc) =	sbr.rel @p4 .LBB2_5-.Ltmp2, $4  }
0xef: {  	[sflag:s6] =	ssyncset.done $0x0  }
0xf0: {  	p5 =	sgt.u32 s20, $0x30C;
	[sflag:s6] =	ssyncadd.s32 $0xFFFFC000  }
0xf1: {  	[hbm4b:s12+s3] =	stream.linear.scatter [tilespmem:s29], [sflag:$0x8], $0x4000, $0x38;
	[tilespmem:$0xC948] =	vst v63  }
0xf2: {  	s15 =	sadd.s32 @!p5 s15, s19;
	s16 =	simm.s32 @!p5 $0x0;
	s12 =	sadd.s32 $0x30000, s12  }
0xf3: {  	s11 =	sadd.s32 @!p5 $0xC00, s15  }
0xf4: {  	[tilespmem:s16], [sflag:$0x4] =	stream.linear.gather @!p5 [hbm4b:s11+s16], $0x80, $0x38;
	[tilespmem:$0xC948] =	vst v63  }
0xf5: {  	s11 =	simm.s32 @p1 $0x3  }
0xf6: {  	_ =	swait.ge @p1 [sflag:s11], $0x4000  }
0xf7: {  	[sflag:s11] =	ssyncset.done @p1 $0x0  }
0xf8: {  	s12 =	simm.s32 @p1 $0x8200;
	[sflag:s11] =	ssyncadd.s32 @p1 $0xFFFFC000;
	s11 =	simm.s32 @p1 $0x0  }
0xf9: {  	[hbm4b:s14+s11] =	stream.linear.scatter @p1 [tilespmem:s12], [sflag:$0x9], $0x4000, $0x38;
	[tilespmem:$0xC948] =	vst v63  }
0xfa: {  	s11 =	simm.s32 @p1 $0x7  }
0xfb: {  	_ =	swait.ge @p1 [sflag:s11], $0x4000  }
0xfc: {  	[sflag:s11] =	ssyncset.done @p1 $0x0  }
0xfd: {  	[sflag:s11] =	ssyncadd.s32 @p1 $0xFFFFC000;
	s11 =	simm.s32 @!p1 $0x7  }
0xfe: {  	_ =	swait.ge @!p1 [sflag:s11], $0x4000  }
0xff: {  	[sflag:s11] =	ssyncset.done @!p1 $0x0  }
0x100: {  	s12 =	simm.s32 @!p1 $0x4;
	[sflag:s11] =	ssyncadd.s32 @!p1 $0xFFFFC000  }
0x101: {  	_ =	swait.ge @!p1 [sflag:s12], $0x80  }
0x102: {  	s15 =	simm.s32 @!p1 $0x0;
	[sflag:s12] =	ssyncset.done @!p1 $0x0  }
0x103: {  	s16 =	simm.s32 @!p1 $0x200;
	[sflag:s12] =	ssyncadd.s32 @!p1 $0xFFFFFF80;
	s12 =	simm.s32 @!p1 $0x80  }
0x104: {  	[tilespmem:s16], [sflag:$0x1] =	stream.indirect.gather @!p1 [spmem:s2], $0x80, s15, s12, $0xb8;
	[tilespmem:$0xC948] =	vst v63  }
0x105: {  	s12 =	simm.s32 @!p1 $0x3  }
0x106: {  	_ =	swait.ge @!p1 [sflag:s12], $0x4000  }
0x107: {  	[sflag:s12] =	ssyncset.done @!p1 $0x0  }
0x108: {  	[sflag:s12] =	ssyncadd.s32 @!p1 $0xFFFFC000;
	s12 =	simm.s32 @!p1 $0x8200  }
0x109: {  	[hbm4b:s14+s15] =	stream.linear.scatter @!p1 [tilespmem:s12], [sflag:$0x9], $0x4000, $0x38;
	[tilespmem:$0xC948] =	vst v63  }
0x10a: {  	s12 =	simm.s32 @!p1 $0x1  }
0x10b: {  	_ =	swait.ge @!p1 [sflag:s12], $0x4000  }
0x10c: {  	[sflag:s12] =	ssyncset.done @!p1 $0x0  }
0x10d: {  	[sflag:s12] =	ssyncadd.s32 @!p1 $0xFFFFC000;
	s12 =	rddreg [dreg:$0xd]  }
0x10e: {  	[hbm4b:s12+s15] =	stream.linear.scatter @!p1 [tilespmem:s16], [sflag:$0x7], $0x4000, $0x38;
	[tilespmem:$0xC948] =	vst v63  }
0x10f: {  	_ =	swait.ge [sflag:s9], $0x4000  }
0x110: {  	[sflag:s9] =	ssyncset.done $0x0  }
0x111: {  	[sflag:s9] =	ssyncadd.s32 $0xFFFFC000  }
0x112: {  	_ =	swait.ge [sflag:s23], $0x4000  }
0x113: {  	s12 =	simm.s32 @!p2 $0x0;
	[sflag:s23] =	ssyncset.done $0x0  }
0x114: {  	s15 =	simm.s32 @!p2 $0xC600;
	s16 =	rddreg [dreg:$0xe];
	[sflag:s23] =	ssyncadd.s32 $0xFFFFC000  }
0x115: {  	[tilespmem:s15], [sflag:$0xA] =	stream.linear.gather @!p2 [hbm4b:s16+s12], $0x20, $0x38;
	[tilespmem:$0xC948] =	vst v63  }
0x116: {  	s16 =	simm.s32 @!p2 $0xA  }
0x117: {  	_ =	swait.ge @!p2 [sflag:s16], $0x20  }
0x118: {  	[sflag:s16] =	ssyncset.done @!p2 $0x0  }
0x119: {  	s17 =	simm.s32 @!p2 $0x20;
	s20 =	simm.s32 @!p2 $0x200;
	[sflag:s16] =	ssyncadd.s32 @!p2 $0xFFFFFFE0  }
0x11a: {  	[tilespmem:s20], [sflag:$0x1] =	stream.indirect.gather @!p2 [spmem:s2], $0x80, s15, s17, $0xb8;
	[tilespmem:$0xC948] =	vst v63  }
0x11b: {  	s15 =	simm.s32 @!p2 $0x1  }
0x11c: {  	_ =	swait.ge @!p2 [sflag:s15], $0x1000  }
0x11d: {  	[sflag:s15] =	ssyncset.done @!p2 $0x0  }
0x11e: {  	s5 =	sadd.s32 $0x1, s5;
	[sflag:s15] =	ssyncadd.s32 @!p2 $0xFFFFF000;
	s15 =	rddreg [dreg:$0xf]  }
0x11f: {  	[hbm4b:s15+s12] =	stream.linear.scatter @!p2 [tilespmem:s20], [sflag:$0xA], $0x1000, $0x38;
	[tilespmem:$0xC948] =	vst v63  }
0x120: {  	p4 =	sne.s32 s5, s18;
	_ =	swait.ge @!p2 [sflag:s16], $0x1000  }
.Ltmp3:
0x121: {  	[sflag:s16] =	ssyncset.done @!p2 $0x0;
	(pc) =	sbr.rel @p4 .LBB2_1-.Ltmp3, $4  }
0x122: {  	[sflag:s16] =	ssyncadd.s32 @!p2 $0xFFFFF000  }
0x123: {  	_ =	swait.ge @!p1 [sflag:s11], $0x4000  }
0x124: {  	[sflag:s11] =	ssyncset.done @!p1 $0x0  }
0x125: {  	[sflag:s11] =	ssyncadd.s32 @!p1 $0xFFFFC000  }
0x126: {  	_ =	sfence.sel $0x180000  }
0x127: {  	[bflag:$0x0] =	sbarrier.arrive $0xFFFF  }
0x128: {  	_ =	strace $0x90000047  }
0x129: {  	s0 =	stileid.u32;
	[bflag:$0x2] =	sbarrier.arrive $0xFFFF  }
0x12a: {  	p0 =	sne.s32 s0, $0x0;
	s0 =	rddreg [dreg:$0x4]  }
0x12b: {  	s0 =	sadd.s32 @!p0 $0x100000, s0  }
0x12c: {  	[sflag:s0] =	ssyncadd.tile.s32 @!p0 $0x1;
	_ =	shalt  }
.Lfunc_end2:
_tile_overlayer_lowered:
.L_overlay_start_2:
0x12d: {  	(tag) =	ssettag $0x2  }
0x12e: {  	s0 =	rddreg [dreg:$0x0];
	s2 =	stileid.u32  }
0x12f: {  	s1 =	rddreg [dreg:$0x1];
	p0 =	sne.s32 s2, $0x0  }
0x130: {  	s3 =	rddreg [dreg:$0x2];
	[bflag:$0x3] =	sbarrier.arrive $0xFFFF;
	s2 =	simm.s32 @!p0 $0x1C0A  }
0x131: {  	[timem:s3], [sflag:s2] =	dma.local @!p0 [hbm:s0], s1  }
0x132: {  	s0 =	simm.s32 @!p0 $0xA  }
0x133: {  	_ =	swait.ge @!p0 [sflag:s0], s1  }
0x134: {  	s1 =	ssub.s32 @!p0 $0x0, s1;
	[sflag:s0] =	ssyncset.done @!p0 $0x0  }
0x135: {  	[sflag:s0] =	ssyncadd.s32 @!p0 s1  }
0x136: {  	[bflag:$0x3] =	sbarrier.arrive $0xFFFF  }
0x137: {  	_ =	shalt  }

</sc_bundles>
